<compile_context>
chip_gen: v7x
topology: tpu7x:2x2x1
jax: 0.10.2.dev20260603
libtpu: 0.0.44.dev20260713+nightly
codegen_flags: <defaults>
</compile_context>

<pallas_src>
import functools

import jax
import jax.numpy as jnp
from jax import lax
from jax.experimental import pallas as pl
from jax.experimental.pallas import tpu as pltpu
from jax.experimental.pallas import tpu_sc as plsc

N = 10000
E = 160000
EMB = 128
NUM_LAYER = 3
NG = 64

NS = 16
NP = 10240
RPS = NP // NS
CHUNK = 100
NCHUNKS = 100
NBUF = 3
GRP = 4
NGRP = NCHUNKS // GRP

_mesh = plsc.VectorSubcoreMesh(core_axis_name="c", subcore_axis_name="s")


def _seg_body(h_hbm, ep_hbm, ei_hbm, z_hbm, idxr, bufr, acc, gsem, ssem, isem):
    cid = lax.axis_index("c")
    sid = lax.axis_index("s")
    r0 = sid * RPS

    def fire_idx_group(g, slot):
        base = sid * NCHUNKS + g * GRP

        @pl.when(cid == 0)
        def _():
            pltpu.async_copy(ep_hbm.at[0, pl.ds(base, GRP)], idxr.at[slot, 0],
                             isem.at[slot])
            pltpu.async_copy(ep_hbm.at[1, pl.ds(base, GRP)], idxr.at[slot, 1],
                             isem.at[slot])

        @pl.when(cid == 1)
        def _():
            pltpu.async_copy(ei_hbm.at[0, pl.ds(base, GRP)], idxr.at[slot, 0],
                             isem.at[slot])
            pltpu.async_copy(ei_hbm.at[1, pl.ds(base, GRP)], idxr.at[slot, 1],
                             isem.at[slot])

    def wait_idx_group(g, slot):
        base = sid * NCHUNKS + g * GRP
        pltpu.make_async_copy(ep_hbm.at[0, pl.ds(base, GRP)],
                              idxr.at[slot, 0], isem.at[slot]).wait()
        pltpu.make_async_copy(ep_hbm.at[1, pl.ds(base, GRP)],
                              idxr.at[slot, 1], isem.at[slot]).wait()

    pltpu.sync_copy(h_hbm.at[pl.ds(r0, RPS)], acc.at[pl.ds(r0, RPS)])

    plsc.subcore_barrier()

    fire_idx_group(0, 0)
    wait_idx_group(0, 0)

    def fire_pro(c, carry):
        pltpu.async_copy(h_hbm.at[idxr.at[0, 0, c]], bufr.at[c], gsem.at[c])
        return carry

    lax.fori_loop(0, 2, fire_pro, 0)

    def body(ch, carry):
        b = lax.rem(ch, NBUF)
        g = lax.div(ch, GRP)
        s = lax.rem(g, 2)
        k = lax.rem(ch, GRP)
        pltpu.make_async_copy(h_hbm.at[idxr.at[s, 0, k]], bufr.at[b],
                              gsem.at[b]).wait()
        pltpu.async_copy(bufr.at[b], acc.at[idxr.at[s, 1, k]], ssem.at[b],
                         add=True)
        f = ch + 2

        @pl.when(f < NCHUNKS)
        def _():
            bf = lax.rem(f, NBUF)
            gf = lax.div(f, GRP)
            sf = lax.rem(gf, 2)
            kf = lax.rem(f, GRP)

            @pl.when(f >= NBUF)
            def _():
                fo = f - NBUF
                so = lax.rem(lax.div(fo, GRP), 2)
                ko = lax.rem(fo, GRP)
                pltpu.make_async_copy(bufr.at[bf], acc.at[idxr.at[so, 1, ko]],
                                      ssem.at[bf]).wait()

            @pl.when(kf == 0)
            def _():
                wait_idx_group(gf, sf)

            pltpu.async_copy(h_hbm.at[idxr.at[sf, 0, kf]], bufr.at[bf],
                             gsem.at[bf])

        @pl.when(jnp.logical_and(k == 0, ch + GRP < NCHUNKS))
        def _():
            fire_idx_group(g + 1, lax.rem(g + 1, 2))

        return carry

    lax.fori_loop(0, NCHUNKS, body, 0)

    def drain(ch, carry):
        b = lax.rem(ch, NBUF)
        s = lax.rem(lax.div(ch, GRP), 2)
        k = lax.rem(ch, GRP)
        pltpu.make_async_copy(bufr.at[b], acc.at[idxr.at[s, 1, k]],
                              ssem.at[b]).wait()
        return carry

    lax.fori_loop(NCHUNKS - NBUF, NCHUNKS, drain, 0)

    plsc.subcore_barrier()
    pltpu.sync_copy(acc.at[pl.ds(r0, RPS)], z_hbm.at[cid, pl.ds(r0, RPS)])


_seg_call = pl.kernel(
    _seg_body,
    out_type=[jax.ShapeDtypeStruct((2, NP, EMB), jnp.float32)],
    mesh=_mesh,
    scratch_types=[
        pltpu.VMEM((2, 2, GRP, CHUNK), jnp.int32),
        pltpu.VMEM((NBUF, CHUNK, EMB), jnp.float32),
        pltpu.VMEM_SHARED((NP, EMB), jnp.float32),
        pltpu.SemaphoreType.DMA((NBUF,)),
        pltpu.SemaphoreType.DMA((NBUF,)),
        pltpu.SemaphoreType.DMA((2,)),
    ],
)


def _embed_body(x_ref, te_ref, oe_ref, out_ref):
    xb = x_ref[...]
    x0 = xb[:, 0:1].astype(jnp.float32)
    x1 = xb[:, 1:2].astype(jnp.float32)
    t0 = te_ref[0:1, :]
    t1 = te_ref[1:2, :]
    o0 = oe_ref[0:1, :]
    o1 = oe_ref[1:2, :]
    h = t0 + (t1 - t0) * x0 + o0 + (o1 - o0) * x1
    out_ref[:N, :] = h
    out_ref[N:, :] = jnp.zeros((NP - N, EMB), jnp.float32)


def _embed_call(x, type_emb, out_emb):
    return pl.pallas_call(
        _embed_body,
        out_shape=jax.ShapeDtypeStruct((NP, EMB), jnp.float32),
    )(x, type_emb, out_emb)


def _layer_body(zp_ref, zi_ref, w1p, b1p, w2p, b2p, w1i, b1i, w2i, b2i,
                out_ref, *, final):
    zp = zp_ref[0]
    a = jnp.maximum(
        jnp.dot(zp, w1p[...], preferred_element_type=jnp.float32) + b1p[...], 0.0)
    hp = jnp.dot(a, w2p[...], preferred_element_type=jnp.float32) + b2p[...]
    zi = zi_ref[0]
    b = jnp.maximum(
        jnp.dot(zi, w1i[...], preferred_element_type=jnp.float32) + b1i[...], 0.0)
    hi = jnp.dot(b, w2i[...], preferred_element_type=jnp.float32) + b2i[...]
    o = hp + hi
    if not final:
        o = jnp.maximum(o, 0.0)
    out_ref[...] = o


def _layer_call(z2, weights, final):
    BN = 1024
    zpspec = pl.BlockSpec((1, BN, EMB), lambda i: (0, i, 0))
    zispec = pl.BlockSpec((1, BN, EMB), lambda i: (1, i, 0))
    wspec = pl.BlockSpec((EMB, EMB), lambda i: (0, 0))
    bias = pl.BlockSpec((1, EMB), lambda i: (0, 0))
    return pl.pallas_call(
        functools.partial(_layer_body, final=final),
        grid=(NP // BN,),
        in_specs=[zpspec, zispec, wspec, bias, wspec, bias,
                  wspec, bias, wspec, bias],
        out_specs=pl.BlockSpec((BN, EMB), lambda i: (i, 0)),
        out_shape=jax.ShapeDtypeStruct((NP, EMB), jnp.float32),
    )(z2, z2, *weights)


AGG_BN = 1024
AGG_NBLK = NP // AGG_BN


def _final_body(zp_ref, zi_ref, w1p, b1p, w2p, b2p, w1i, b1i, w2i, b2i,
                bcol_ref, brow_ref, s_out, mean_out, mx_out, mn_out,
                s_acc, c_acc, mx_acc, mn_acc):
    i = pl.program_id(0)

    @pl.when(i == 0)
    def _():
        s_acc[...] = jnp.zeros((NG, EMB), jnp.float32)
        c_acc[...] = jnp.zeros((NG, EMB), jnp.float32)
        mx_acc[...] = jnp.full((NG, EMB), -jnp.inf, jnp.float32)
        mn_acc[...] = jnp.full((NG, EMB), jnp.inf, jnp.float32)

    zp = zp_ref[0]
    a = jnp.maximum(
        jnp.dot(zp, w1p[...], preferred_element_type=jnp.float32) + b1p[...], 0.0)
    hp = jnp.dot(a, w2p[...], preferred_element_type=jnp.float32) + b2p[...]
    zi = zi_ref[0]
    b = jnp.maximum(
        jnp.dot(zi, w1i[...], preferred_element_type=jnp.float32) + b1i[...], 0.0)
    hi = jnp.dot(b, w2i[...], preferred_element_type=jnp.float32) + b2i[...]
    hb = hp + hi

    bcol = bcol_ref[...]
    brow = brow_ref[...]

    onehot_t = (lax.broadcasted_iota(jnp.int32, (NG, AGG_BN), 0)
                == brow).astype(jnp.float32)
    s_acc[...] += jnp.dot(onehot_t, hb, preferred_element_type=jnp.float32)
    c_acc[...] += jnp.broadcast_to(
        jnp.sum(onehot_t, axis=1, keepdims=True), (NG, EMB))

    g_lo = jnp.min(bcol)
    g_hi = jnp.max(bcol)

    def gbody(g, carry):
        m = bcol == g
        mxr = jnp.max(jnp.where(m, hb, -jnp.inf), axis=0, keepdims=True)
        mnr = jnp.min(jnp.where(m, hb, jnp.inf), axis=0, keepdims=True)
        sel = lax.broadcasted_iota(jnp.int32, (NG, 1), 0) == g
        mx_acc[...] = jnp.where(sel, jnp.maximum(mx_acc[...], mxr), mx_acc[...])
        mn_acc[...] = jnp.where(sel, jnp.minimum(mn_acc[...], mnr), mn_acc[...])
        return carry

    lax.fori_loop(g_lo, g_hi + 1, gbody, 0)

    @pl.when(i == AGG_NBLK - 1)
    def _():
        s = s_acc[...]
        s_out[...] = s
        mean_out[...] = s / jnp.maximum(c_acc[...], 1.0)
        mx_out[...] = mx_acc[...]
        mn_out[...] = mn_acc[...]


def _final_call(z2, weights, batch_col, batch_row):
    zpspec = pl.BlockSpec((1, AGG_BN, EMB), lambda i: (0, i, 0))
    zispec = pl.BlockSpec((1, AGG_BN, EMB), lambda i: (1, i, 0))
    wspec = pl.BlockSpec((EMB, EMB), lambda i: (0, 0))
    bias = pl.BlockSpec((1, EMB), lambda i: (0, 0))
    ospec = pl.BlockSpec((NG, EMB), lambda i: (0, 0))
    osd = jax.ShapeDtypeStruct((NG, EMB), jnp.float32)
    return pl.pallas_call(
        _final_body,
        grid=(AGG_NBLK,),
        in_specs=[zpspec, zispec, wspec, bias, wspec, bias,
                  wspec, bias, wspec, bias,
                  pl.BlockSpec((AGG_BN, 1), lambda i: (i, 0)),
                  pl.BlockSpec((1, AGG_BN), lambda i: (0, i))],
        out_specs=[ospec, ospec, ospec, ospec],
        out_shape=[osd, osd, osd, osd],
        scratch_shapes=[pltpu.VMEM((NG, EMB), jnp.float32)] * 4,
    )(z2, z2, *weights, batch_col, batch_row)


def kernel(x, edge_index_pos, edge_index_inv, batch, type_emb, out_emb,
           W1, b1, W2, b2):
    ep3 = edge_index_pos.reshape(2, NS * NCHUNKS, CHUNK)
    ei3 = edge_index_inv.reshape(2, NS * NCHUNKS, CHUNK)

    bpad = jnp.concatenate([batch, jnp.full((NP - N,), NG, jnp.int32)])

    h = _embed_call(x, type_emb, out_emb)
    for l in range(NUM_LAYER):
        z2 = _seg_call(h, ep3, ei3)
        if isinstance(z2, (list, tuple)):
            z2 = z2[0]
        weights = (W1[l, 0], b1[l, 0].reshape(1, EMB),
                   W2[l, 0], b2[l, 0].reshape(1, EMB),
                   W1[l, 1], b1[l, 1].reshape(1, EMB),
                   W2[l, 1], b2[l, 1].reshape(1, EMB))
        if l < NUM_LAYER - 1:
            h = _layer_call(z2, weights, final=False)
        else:
            s, mean, mx, mn = _final_call(
                z2, weights, bpad.reshape(NP, 1), bpad.reshape(1, NP))

    hg = jnp.concatenate([s, mean, mx, mn], axis=1)
    hg = hg.reshape(NG, EMB, 4)
    hg = jnp.transpose(hg, (0, 2, 1))
    batch_mask = jnp.ones((NG, 4), dtype=bool)
    return (hg, batch_mask)

# --- scband reference (transcript-rebuilt; emitter-appended) ---
"""Pipeline reference for scband-hete-gnn-61744449847991 (READ-ONLY COPY).

The authoritative reference and input builder live on the scoring server;
editing this copy changes nothing except your own understanding.
"""

import jax, jax.numpy as jnp
import numpy as np

N = 10000
E = 160000
EMB = 128
NUM_LAYER = 3
NUM_GRAPHS = 64
INPUT_DIM = 14


def setup_inputs(seed: int = 0) -> dict:
    key = jax.random.key(seed)
    ks = jax.random.split(key, 12)
    x = jax.random.randint(ks[0], (N, 2), 0, 2, dtype=jnp.int32)
    edge_index_pos = jax.random.randint(ks[1], (2, E), 0, N, dtype=jnp.int32)
    edge_index_inv = jax.random.randint(ks[2], (2, E), 0, N, dtype=jnp.int32)
    batch = jnp.sort(jax.random.randint(ks[3], (N,), 0, NUM_GRAPHS, dtype=jnp.int32))
    type_emb = jax.random.normal(ks[4], (INPUT_DIM, EMB), dtype=jnp.float32) * 0.1
    out_emb = jax.random.normal(ks[5], (2, EMB), dtype=jnp.float32) * 0.1
    W1 = jax.random.normal(ks[6], (NUM_LAYER, 2, EMB, EMB), dtype=jnp.float32) * 0.05
    b1 = jnp.zeros((NUM_LAYER, 2, EMB), dtype=jnp.float32)
    W2 = jax.random.normal(ks[7], (NUM_LAYER, 2, EMB, EMB), dtype=jnp.float32) * 0.05
    b2 = jnp.zeros((NUM_LAYER, 2, EMB), dtype=jnp.float32)
    return {"x": x, "edge_index_pos": edge_index_pos, "edge_index_inv": edge_index_inv, "batch": batch, "type_emb": type_emb, "out_emb": out_emb, "W1": W1, "b1": b1, "W2": W2, "b2": b2}


def _gin(h, edge_index, W1, b1, W2, b2):
    # GINConv, eps=0: out = nn(x + sum_{j in N(i)} x_j)
    src = edge_index[0]
    dst = edge_index[1]
    agg = jax.ops.segment_sum(h[src], dst, num_segments=N)
    z = agg + h
    z = jnp.maximum(jnp.dot(z, W1) + b1, 0.0)
    return jnp.dot(z, W2) + b2


def _multi_aggr(h, batch):
    # MultiAggregation(['sum','mean','max','min'], mode='cat')
    s = jax.ops.segment_sum(h, batch, num_segments=NUM_GRAPHS)
    cnt = jax.ops.segment_sum(jnp.ones((h.shape[0], 1), dtype=h.dtype), batch, num_segments=NUM_GRAPHS)
    mean = s / jnp.maximum(cnt, 1.0)
    mx = jax.ops.segment_max(h, batch, num_segments=NUM_GRAPHS)
    mn = -jax.ops.segment_max(-h, batch, num_segments=NUM_GRAPHS)
    return jnp.concatenate([s, mean, mx, mn], axis=1)


def reference(x, edge_index_pos, edge_index_inv, batch, type_emb, out_emb, W1, b1, W2, b2):
    # initial node embedding: type_embedding(x[:,0]) + output_embedding(x[:,1])
    h = type_emb[x[:, 0]] + out_emb[x[:, 1]]
    for layer in range(NUM_LAYER):
        # HeteroConv over ('pos','inv') relations with aggr='sum'
        hp = _gin(h, edge_index_pos, W1[layer, 0], b1[layer, 0], W2[layer, 0], b2[layer, 0])
        hi = _gin(h, edge_index_inv, W1[layer, 1], b1[layer, 1], W2[layer, 1], b2[layer, 1])
        hh = hp + hi
        if layer < NUM_LAYER - 1:
            hh = jnp.maximum(hh, 0.0)  # relu; dropout with p=0 is identity
        h = hh
    # JK == 'last'
    hg = _multi_aggr(h, batch)  # [B, 4*EMB]
    hg = hg.reshape(hg.shape[0], -1, 4)  # view(B, -1, 4) -> [B, EMB, 4]
    hg = jnp.transpose(hg, (0, 2, 1))  # permute(0,2,1) -> [B, 4, EMB]
    batch_mask = jnp.ones((hg.shape[0], hg.shape[1]), dtype=bool)
    return (hg, batch_mask)

if __name__ == "__main__":
    import jax
    _d = setup_inputs()
    print(jax.jit(kernel)(*tuple(_d.values())))

</pallas_src>

<mosaic_0001>
#map = affine_map<(d0, d1) -> (0, 0)>
#map1 = affine_map<(d0, d1) -> (0, 0, 0)>
module attributes {stable_mosaic.version = 14 : i64} {
  func.func @_seg_body(%arg0: i32, %arg1: i32, %arg2: memref<10240x128xf32, #tpu.memory_space<hbm>>, %arg3: memref<2x1600x100xi32, #tpu.memory_space<hbm>>, %arg4: memref<2x1600x100xi32, #tpu.memory_space<hbm>>, %arg5: memref<2x10240x128xf32, #tpu.memory_space<hbm>>, %arg6: memref<2x2x4x100xi32, #tpu.memory_space<vmem>>, %arg7: memref<3x100x128xf32, #tpu.memory_space<vmem>>, %arg8: memref<10240x128xf32, #tpu.memory_space<vmem_shared>>, %arg9: memref<3x!tpu.dma_semaphore, #tpu.memory_space<semaphore_mem>>, %arg10: memref<3x!tpu.dma_semaphore, #tpu.memory_space<semaphore_mem>>, %arg11: memref<2x!tpu.dma_semaphore, #tpu.memory_space<semaphore_mem>>) attributes {dimension_semantics = [#tpu.dimension_semantics<core_parallel>, #tpu.dimension_semantics<subcore_parallel>], iteration_bounds = array<i64: 2, 16>, scalar_prefetch = 0 : i64, scratch_operands = 6 : i64, tpu.core_type = #tpu.core_type<sc_vector_subcore>, window_params = [{transform_indices = #map}, {transform_indices = #map1}, {transform_indices = #map1}, {transform_indices = #map1}]} {
    %mul3A = arith.constant 640 : i32
    %mul3A_0 = arith.muli %arg1, %mul3A : i32
    "tpu.region"() ({
      %run_scoped3A = tpu.sem_alloc : memref<!tpu.dma_semaphore, #tpu.memory_space<semaphore_mem>>
      %dma_start3A = arith.constant 0 : i32
      %dma_start3A_72 = tpu.memref_slice %arg8[%mul3A_0, %dma_start3A] : memref<10240x128xf32, #tpu.memory_space<vmem_shared>> -> memref<640x128xf32, #tpu.memory_space<vmem_shared>>
      %dma_start3A_73 = arith.constant 0 : i32
      %dma_start3A_74 = tpu.memref_slice %arg2[%mul3A_0, %dma_start3A_73] : memref<10240x128xf32, #tpu.memory_space<hbm>> -> memref<640x128xf32, #tpu.memory_space<hbm>>
      tpu.enqueue_dma source(%dma_start3A_74 : memref<640x128xf32, #tpu.memory_space<hbm>>) target(%dma_start3A_72 : memref<640x128xf32, #tpu.memory_space<vmem_shared>>) target_semaphore(%run_scoped3A : memref<!tpu.dma_semaphore, #tpu.memory_space<semaphore_mem>>)
      %dma_wait3A_75 = arith.constant 0 : i32
      %dma_wait3A_76 = tpu.memref_slice %arg8[%mul3A_0, %dma_wait3A_75] : memref<10240x128xf32, #tpu.memory_space<vmem_shared>> -> memref<640x128xf32, #tpu.memory_space<vmem_shared>>
      %dma_wait3A_77 = arith.constant 0 : i32
      %dma_wait3A_78 = tpu.memref_slice %arg2[%mul3A_0, %dma_wait3A_77] : memref<10240x128xf32, #tpu.memory_space<hbm>> -> memref<640x128xf32, #tpu.memory_space<hbm>>
      tpu.wait_dma2 semaphore(%run_scoped3A : memref<!tpu.dma_semaphore, #tpu.memory_space<semaphore_mem>>) src(%dma_wait3A_78 : memref<640x128xf32, #tpu.memory_space<hbm>>) dst(%dma_wait3A_76 : memref<640x128xf32, #tpu.memory_space<vmem_shared>>)
      tpu.yield
    }) : () -> ()
    %barrier3A = arith.constant 0 : index
    tpu.barrier barrier_id(%barrier3A)
    %mul3A_1 = arith.constant 100 : i32
    %mul3A_2 = arith.muli %arg1, %mul3A_1 : i32
    %add3A = arith.constant 0 : i32
    %add3A_3 = arith.addi %mul3A_2, %add3A : i32
    %eq3A = arith.constant 0 : i32
    %eq3A_4 = arith.cmpi eq, %arg0, %eq3A : i32
    %convert_element_type3A = arith.extui %eq3A_4 : i1 to i32
    %cond3A = arith.constant 0 : i32
    %cond3A_5 = arith.cmpi ne, %convert_element_type3A, %cond3A : i32
    scf.if %cond3A_5 {
      %dma_start3A = arith.constant 0 : i32
      %dma_start3A_72 = arith.constant 0 : i32
      %dma_start3A_73 = arith.constant 0 : i32
      %dma_start3A_74 = arith.constant 0 : i32
      %dma_start3A_75 = arith.constant 0 : i32
      %dma_start3A_76 = arith.constant 0 : i32
      %dma_start3A_77 = tpu.memref_slice %arg6[%dma_start3A_72, %dma_start3A_73, %dma_start3A_75, %dma_start3A_76] : memref<2x2x4x100xi32, #tpu.memory_space<vmem>> -> memref<1x1x4x100xi32, #tpu.memory_space<vmem>>
      %dma_start3A_78 = tpu.memref_squeeze %dma_start3A_77 : memref<1x1x4x100xi32, #tpu.memory_space<vmem>> -> memref<4x100xi32, #tpu.memory_space<vmem>>
      %dma_start3A_79 = arith.constant 0 : i32
      %dma_start3A_80 = tpu.memref_slice %arg3[%dma_start3A, %add3A_3, %dma_start3A_79] : memref<2x1600x100xi32, #tpu.memory_space<hbm>> -> memref<1x4x100xi32, #tpu.memory_space<hbm>>
      %dma_start3A_81 = tpu.memref_squeeze %dma_start3A_80 : memref<1x4x100xi32, #tpu.memory_space<hbm>> -> memref<4x100xi32, #tpu.memory_space<hbm>>
      %dma_start3A_82 = tpu.memref_slice %arg11[%dma_start3A_74] : memref<2x!tpu.dma_semaphore, #tpu.memory_space<semaphore_mem>> -> memref<1x!tpu.dma_semaphore, #tpu.memory_space<semaphore_mem>>
      %dma_start3A_83 = tpu.memref_squeeze %dma_start3A_82 : memref<1x!tpu.dma_semaphore, #tpu.memory_space<semaphore_mem>> -> memref<!tpu.dma_semaphore, #tpu.memory_space<semaphore_mem>>
      %dma_start3A_84 = arith.constant 0 : i32
      %dma_start3A_85 = arith.constant 0 : i32
      %dma_start3A_86 = tpu.memref_slice %arg6[%dma_start3A_72, %dma_start3A_73, %dma_start3A_84, %dma_start3A_85] : memref<2x2x4x100xi32, #tpu.memory_space<vmem>> -> memref<1x1x4x100xi32, #tpu.memory_space<vmem>>
      %dma_start3A_87 = tpu.memref_squeeze %dma_start3A_86 : memref<1x1x4x100xi32, #tpu.memory_space<vmem>> -> memref<4x100xi32, #tpu.memory_space<vmem>>
      %dma_start3A_88 = arith.constant 0 : i32
      %dma_start3A_89 = tpu.memref_slice %arg3[%dma_start3A, %add3A_3, %dma_start3A_88] : memref<2x1600x100xi32, #tpu.memory_space<hbm>> -> memref<1x4x100xi32, #tpu.memory_space<hbm>>
      %dma_start3A_90 = tpu.memref_squeeze %dma_start3A_89 : memref<1x4x100xi32, #tpu.memory_space<hbm>> -> memref<4x100xi32, #tpu.memory_space<hbm>>
      tpu.enqueue_dma source(%dma_start3A_90 : memref<4x100xi32, #tpu.memory_space<hbm>>) target(%dma_start3A_87 : memref<4x100xi32, #tpu.memory_space<vmem>>) target_semaphore(%dma_start3A_83 : memref<!tpu.dma_semaphore, #tpu.memory_space<semaphore_mem>>)
      %dma_start3A_91 = arith.constant 1 : i32
      %dma_start3A_92 = arith.constant 0 : i32
      %dma_start3A_93 = arith.constant 1 : i32
      %dma_start3A_94 = arith.constant 0 : i32
      %dma_start3A_95 = arith.constant 0 : i32
      %dma_start3A_96 = arith.constant 0 : i32
      %dma_start3A_97 = tpu.memref_slice %arg6[%dma_start3A_92, %dma_start3A_93, %dma_start3A_95, %dma_start3A_96] : memref<2x2x4x100xi32, #tpu.memory_space<vmem>> -> memref<1x1x4x100xi32, #tpu.memory_space<vmem>>
      %dma_start3A_98 = tpu.memref_squeeze %dma_start3A_97 : memref<1x1x4x100xi32, #tpu.memory_space<vmem>> -> memref<4x100xi32, #tpu.memory_space<vmem>>
      %dma_start3A_99 = arith.constant 0 : i32
      %dma_start3A_100 = tpu.memref_slice %arg3[%dma_start3A_91, %add3A_3, %dma_start3A_99] : memref<2x1600x100xi32, #tpu.memory_space<hbm>> -> memref<1x4x100xi32, #tpu.memory_space<hbm>>
      %dma_start3A_101 = tpu.memref_squeeze %dma_start3A_100 : memref<1x4x100xi32, #tpu.memory_space<hbm>> -> memref<4x100xi32, #tpu.memory_space<hbm>>
      %dma_start3A_102 = tpu.memref_slice %arg11[%dma_start3A_94] : memref<2x!tpu.dma_semaphore, #tpu.memory_space<semaphore_mem>> -> memref<1x!tpu.dma_semaphore, #tpu.memory_space<semaphore_mem>>
      %dma_start3A_103 = tpu.memref_squeeze %dma_start3A_102 : memref<1x!tpu.dma_semaphore, #tpu.memory_space<semaphore_mem>> -> memref<!tpu.dma_semaphore, #tpu.memory_space<semaphore_mem>>
      %dma_start3A_104 = arith.constant 0 : i32
      %dma_start3A_105 = arith.constant 0 : i32
      %dma_start3A_106 = tpu.memref_slice %arg6[%dma_start3A_92, %dma_start3A_93, %dma_start3A_104, %dma_start3A_105] : memref<2x2x4x100xi32, #tpu.memory_space<vmem>> -> memref<1x1x4x100xi32, #tpu.memory_space<vmem>>
      %dma_start3A_107 = tpu.memref_squeeze %dma_start3A_106 : memref<1x1x4x100xi32, #tpu.memory_space<vmem>> -> memref<4x100xi32, #tpu.memory_space<vmem>>
      %dma_start3A_108 = arith.constant 0 : i32
      %dma_start3A_109 = tpu.memref_slice %arg3[%dma_start3A_91, %add3A_3, %dma_start3A_108] : memref<2x1600x100xi32, #tpu.memory_space<hbm>> -> memref<1x4x100xi32, #tpu.memory_space<hbm>>
      %dma_start3A_110 = tpu.memref_squeeze %dma_start3A_109 : memref<1x4x100xi32, #tpu.memory_space<hbm>> -> memref<4x100xi32, #tpu.memory_space<hbm>>
      tpu.enqueue_dma source(%dma_start3A_110 : memref<4x100xi32, #tpu.memory_space<hbm>>) target(%dma_start3A_107 : memref<4x100xi32, #tpu.memory_space<vmem>>) target_semaphore(%dma_start3A_103 : memref<!tpu.dma_semaphore, #tpu.memory_space<semaphore_mem>>)
    } else {
    }
    %eq3A_6 = arith.constant 1 : i32
    %eq3A_7 = arith.cmpi eq, %arg0, %eq3A_6 : i32
    %convert_element_type3A_8 = arith.extui %eq3A_7 : i1 to i32
    %cond3A_9 = arith.constant 0 : i32
    %cond3A_10 = arith.cmpi ne, %convert_element_type3A_8, %cond3A_9 : i32
    scf.if %cond3A_10 {
      %dma_start3A = arith.constant 0 : i32
      %dma_start3A_72 = arith.constant 0 : i32
      %dma_start3A_73 = arith.constant 0 : i32
      %dma_start3A_74 = arith.constant 0 : i32
      %dma_start3A_75 = arith.constant 0 : i32
      %dma_start3A_76 = arith.constant 0 : i32
      %dma_start3A_77 = tpu.memref_slice %arg6[%dma_start3A_72, %dma_start3A_73, %dma_start3A_75, %dma_start3A_76] : memref<2x2x4x100xi32, #tpu.memory_space<vmem>> -> memref<1x1x4x100xi32, #tpu.memory_space<vmem>>
      %dma_start3A_78 = tpu.memref_squeeze %dma_start3A_77 : memref<1x1x4x100xi32, #tpu.memory_space<vmem>> -> memref<4x100xi32, #tpu.memory_space<vmem>>
      %dma_start3A_79 = arith.constant 0 : i32
      %dma_start3A_80 = tpu.memref_slice %arg4[%dma_start3A, %add3A_3, %dma_start3A_79] : memref<2x1600x100xi32, #tpu.memory_space<hbm>> -> memref<1x4x100xi32, #tpu.memory_space<hbm>>
      %dma_start3A_81 = tpu.memref_squeeze %dma_start3A_80 : memref<1x4x100xi32, #tpu.memory_space<hbm>> -> memref<4x100xi32, #tpu.memory_space<hbm>>
      %dma_start3A_82 = tpu.memref_slice %arg11[%dma_start3A_74] : memref<2x!tpu.dma_semaphore, #tpu.memory_space<semaphore_mem>> -> memref<1x!tpu.dma_semaphore, #tpu.memory_space<semaphore_mem>>
      %dma_start3A_83 = tpu.memref_squeeze %dma_start3A_82 : memref<1x!tpu.dma_semaphore, #tpu.memory_space<semaphore_mem>> -> memref<!tpu.dma_semaphore, #tpu.memory_space<semaphore_mem>>
      %dma_start3A_84 = arith.constant 0 : i32
      %dma_start3A_85 = arith.constant 0 : i32
      %dma_start3A_86 = tpu.memref_slice %arg6[%dma_start3A_72, %dma_start3A_73, %dma_start3A_84, %dma_start3A_85] : memref<2x2x4x100xi32, #tpu.memory_space<vmem>> -> memref<1x1x4x100xi32, #tpu.memory_space<vmem>>
      %dma_start3A_87 = tpu.memref_squeeze %dma_start3A_86 : memref<1x1x4x100xi32, #tpu.memory_space<vmem>> -> memref<4x100xi32, #tpu.memory_space<vmem>>
      %dma_start3A_88 = arith.constant 0 : i32
      %dma_start3A_89 = tpu.memref_slice %arg4[%dma_start3A, %add3A_3, %dma_start3A_88] : memref<2x1600x100xi32, #tpu.memory_space<hbm>> -> memref<1x4x100xi32, #tpu.memory_space<hbm>>
      %dma_start3A_90 = tpu.memref_squeeze %dma_start3A_89 : memref<1x4x100xi32, #tpu.memory_space<hbm>> -> memref<4x100xi32, #tpu.memory_space<hbm>>
      tpu.enqueue_dma source(%dma_start3A_90 : memref<4x100xi32, #tpu.memory_space<hbm>>) target(%dma_start3A_87 : memref<4x100xi32, #tpu.memory_space<vmem>>) target_semaphore(%dma_start3A_83 : memref<!tpu.dma_semaphore, #tpu.memory_space<semaphore_mem>>)
      %dma_start3A_91 = arith.constant 1 : i32
      %dma_start3A_92 = arith.constant 0 : i32
      %dma_start3A_93 = arith.constant 1 : i32
      %dma_start3A_94 = arith.constant 0 : i32
      %dma_start3A_95 = arith.constant 0 : i32
      %dma_start3A_96 = arith.constant 0 : i32
      %dma_start3A_97 = tpu.memref_slice %arg6[%dma_start3A_92, %dma_start3A_93, %dma_start3A_95, %dma_start3A_96] : memref<2x2x4x100xi32, #tpu.memory_space<vmem>> -> memref<1x1x4x100xi32, #tpu.memory_space<vmem>>
      %dma_start3A_98 = tpu.memref_squeeze %dma_start3A_97 : memref<1x1x4x100xi32, #tpu.memory_space<vmem>> -> memref<4x100xi32, #tpu.memory_space<vmem>>
      %dma_start3A_99 = arith.constant 0 : i32
      %dma_start3A_100 = tpu.memref_slice %arg4[%dma_start3A_91, %add3A_3, %dma_start3A_99] : memref<2x1600x100xi32, #tpu.memory_space<hbm>> -> memref<1x4x100xi32, #tpu.memory_space<hbm>>
      %dma_start3A_101 = tpu.memref_squeeze %dma_start3A_100 : memref<1x4x100xi32, #tpu.memory_space<hbm>> -> memref<4x100xi32, #tpu.memory_space<hbm>>
      %dma_start3A_102 = tpu.memref_slice %arg11[%dma_start3A_94] : memref<2x!tpu.dma_semaphore, #tpu.memory_space<semaphore_mem>> -> memref<1x!tpu.dma_semaphore, #tpu.memory_space<semaphore_mem>>
      %dma_start3A_103 = tpu.memref_squeeze %dma_start3A_102 : memref<1x!tpu.dma_semaphore, #tpu.memory_space<semaphore_mem>> -> memref<!tpu.dma_semaphore, #tpu.memory_space<semaphore_mem>>
      %dma_start3A_104 = arith.constant 0 : i32
      %dma_start3A_105 = arith.constant 0 : i32
      %dma_start3A_106 = tpu.memref_slice %arg6[%dma_start3A_92, %dma_start3A_93, %dma_start3A_104, %dma_start3A_105] : memref<2x2x4x100xi32, #tpu.memory_space<vmem>> -> memref<1x1x4x100xi32, #tpu.memory_space<vmem>>
      %dma_start3A_107 = tpu.memref_squeeze %dma_start3A_106 : memref<1x1x4x100xi32, #tpu.memory_space<vmem>> -> memref<4x100xi32, #tpu.memory_space<vmem>>
      %dma_start3A_108 = arith.constant 0 : i32
      %dma_start3A_109 = tpu.memref_slice %arg4[%dma_start3A_91, %add3A_3, %dma_start3A_108] : memref<2x1600x100xi32, #tpu.memory_space<hbm>> -> memref<1x4x100xi32, #tpu.memory_space<hbm>>
      %dma_start3A_110 = tpu.memref_squeeze %dma_start3A_109 : memref<1x4x100xi32, #tpu.memory_space<hbm>> -> memref<4x100xi32, #tpu.memory_space<hbm>>
      tpu.enqueue_dma source(%dma_start3A_110 : memref<4x100xi32, #tpu.memory_space<hbm>>) target(%dma_start3A_107 : memref<4x100xi32, #tpu.memory_space<vmem>>) target_semaphore(%dma_start3A_103 : memref<!tpu.dma_semaphore, #tpu.memory_space<semaphore_mem>>)
    } else {
    }
    %mul3A_11 = arith.constant 100 : i32
    %mul3A_12 = arith.muli %arg1, %mul3A_11 : i32
    %add3A_13 = arith.constant 0 : i32
    %add3A_14 = arith.addi %mul3A_12, %add3A_13 : i32
    %dma_wait3A = arith.constant 0 : i32
    %dma_wait3A_15 = arith.constant 0 : i32
    %dma_wait3A_16 = arith.constant 0 : i32
    %dma_wait3A_17 = arith.constant 0 : i32
    %dma_wait3A_18 = arith.constant 0 : i32
    %dma_wait3A_19 = arith.constant 0 : i32
    %dma_wait3A_20 = tpu.memref_slice %arg6[%dma_wait3A_15, %dma_wait3A_16, %dma_wait3A_18, %dma_wait3A_19] : memref<2x2x4x100xi32, #tpu.memory_space<vmem>> -> memref<1x1x4x100xi32, #tpu.memory_space<vmem>>
    %dma_wait3A_21 = tpu.memref_squeeze %dma_wait3A_20 : memref<1x1x4x100xi32, #tpu.memory_space<vmem>> -> memref<4x100xi32, #tpu.memory_space<vmem>>
    %dma_wait3A_22 = arith.constant 0 : i32
    %dma_wait3A_23 = tpu.memref_slice %arg3[%dma_wait3A, %add3A_14, %dma_wait3A_22] : memref<2x1600x100xi32, #tpu.memory_space<hbm>> -> memref<1x4x100xi32, #tpu.memory_space<hbm>>
    %dma_wait3A_24 = tpu.memref_squeeze %dma_wait3A_23 : memref<1x4x100xi32, #tpu.memory_space<hbm>> -> memref<4x100xi32, #tpu.memory_space<hbm>>
    %dma_wait3A_25 = tpu.memref_slice %arg11[%dma_wait3A_17] : memref<2x!tpu.dma_semaphore, #tpu.memory_space<semaphore_mem>> -> memref<1x!tpu.dma_semaphore, #tpu.memory_space<semaphore_mem>>
    %dma_wait3A_26 = tpu.memref_squeeze %dma_wait3A_25 : memref<1x!tpu.dma_semaphore, #tpu.memory_space<semaphore_mem>> -> memref<!tpu.dma_semaphore, #tpu.memory_space<semaphore_mem>>
    %dma_wait3A_27 = arith.constant 0 : i32
    %dma_wait3A_28 = arith.constant 0 : i32
    %dma_wait3A_29 = tpu.memref_slice %arg6[%dma_wait3A_15, %dma_wait3A_16, %dma_wait3A_27, %dma_wait3A_28] : memref<2x2x4x100xi32, #tpu.memory_space<vmem>> -> memref<1x1x4x100xi32, #tpu.memory_space<vmem>>
    %dma_wait3A_30 = tpu.memref_squeeze %dma_wait3A_29 : memref<1x1x4x100xi32, #tpu.memory_space<vmem>> -> memref<4x100xi32, #tpu.memory_space<vmem>>
    %dma_wait3A_31 = arith.constant 0 : i32
    %dma_wait3A_32 = tpu.memref_slice %arg3[%dma_wait3A, %add3A_14, %dma_wait3A_31] : memref<2x1600x100xi32, #tpu.memory_space<hbm>> -> memref<1x4x100xi32, #tpu.memory_space<hbm>>
    %dma_wait3A_33 = tpu.memref_squeeze %dma_wait3A_32 : memref<1x4x100xi32, #tpu.memory_space<hbm>> -> memref<4x100xi32, #tpu.memory_space<hbm>>
    tpu.wait_dma2 semaphore(%dma_wait3A_26 : memref<!tpu.dma_semaphore, #tpu.memory_space<semaphore_mem>>) src(%dma_wait3A_33 : memref<4x100xi32, #tpu.memory_space<hbm>>) dst(%dma_wait3A_30 : memref<4x100xi32, #tpu.memory_space<vmem>>)
    %dma_wait3A_34 = arith.constant 1 : i32
    %dma_wait3A_35 = arith.constant 0 : i32
    %dma_wait3A_36 = arith.constant 1 : i32
    %dma_wait3A_37 = arith.constant 0 : i32
    %dma_wait3A_38 = arith.constant 0 : i32
    %dma_wait3A_39 = arith.constant 0 : i32
    %dma_wait3A_40 = tpu.memref_slice %arg6[%dma_wait3A_35, %dma_wait3A_36, %dma_wait3A_38, %dma_wait3A_39] : memref<2x2x4x100xi32, #tpu.memory_space<vmem>> -> memref<1x1x4x100xi32, #tpu.memory_space<vmem>>
    %dma_wait3A_41 = tpu.memref_squeeze %dma_wait3A_40 : memref<1x1x4x100xi32, #tpu.memory_space<vmem>> -> memref<4x100xi32, #tpu.memory_space<vmem>>
    %dma_wait3A_42 = arith.constant 0 : i32
    %dma_wait3A_43 = tpu.memref_slice %arg3[%dma_wait3A_34, %add3A_14, %dma_wait3A_42] : memref<2x1600x100xi32, #tpu.memory_space<hbm>> -> memref<1x4x100xi32, #tpu.memory_space<hbm>>
    %dma_wait3A_44 = tpu.memref_squeeze %dma_wait3A_43 : memref<1x4x100xi32, #tpu.memory_space<hbm>> -> memref<4x100xi32, #tpu.memory_space<hbm>>
    %dma_wait3A_45 = tpu.memref_slice %arg11[%dma_wait3A_37] : memref<2x!tpu.dma_semaphore, #tpu.memory_space<semaphore_mem>> -> memref<1x!tpu.dma_semaphore, #tpu.memory_space<semaphore_mem>>
    %dma_wait3A_46 = tpu.memref_squeeze %dma_wait3A_45 : memref<1x!tpu.dma_semaphore, #tpu.memory_space<semaphore_mem>> -> memref<!tpu.dma_semaphore, #tpu.memory_space<semaphore_mem>>
    %dma_wait3A_47 = arith.constant 0 : i32
    %dma_wait3A_48 = arith.constant 0 : i32
    %dma_wait3A_49 = tpu.memref_slice %arg6[%dma_wait3A_35, %dma_wait3A_36, %dma_wait3A_47, %dma_wait3A_48] : memref<2x2x4x100xi32, #tpu.memory_space<vmem>> -> memref<1x1x4x100xi32, #tpu.memory_space<vmem>>
    %dma_wait3A_50 = tpu.memref_squeeze %dma_wait3A_49 : memref<1x1x4x100xi32, #tpu.memory_space<vmem>> -> memref<4x100xi32, #tpu.memory_space<vmem>>
    %dma_wait3A_51 = arith.constant 0 : i32
    %dma_wait3A_52 = tpu.memref_slice %arg3[%dma_wait3A_34, %add3A_14, %dma_wait3A_51] : memref<2x1600x100xi32, #tpu.memory_space<hbm>> -> memref<1x4x100xi32, #tpu.memory_space<hbm>>
    %dma_wait3A_53 = tpu.memref_squeeze %dma_wait3A_52 : memref<1x4x100xi32, #tpu.memory_space<hbm>> -> memref<4x100xi32, #tpu.memory_space<hbm>>
    tpu.wait_dma2 semaphore(%dma_wait3A_46 : memref<!tpu.dma_semaphore, #tpu.memory_space<semaphore_mem>>) src(%dma_wait3A_53 : memref<4x100xi32, #tpu.memory_space<hbm>>) dst(%dma_wait3A_50 : memref<4x100xi32, #tpu.memory_space<vmem>>)
    %scan3A = arith.constant 0 : i32
    %scan3A_54 = arith.constant 0 : i32
    %scan3A_55 = arith.constant 2 : i32
    %scan3A_56 = arith.addi %scan3A_54, %scan3A_55 : i32
    %scan3A_57 = arith.constant 1 : i32
    scf.for %scan3A_72 = %scan3A_54 to %scan3A_56 step %scan3A_57  : i32 {
      %dma_start3A = arith.constant 0 : i32
      %dma_start3A_73 = arith.constant 0 : i32
      %dma_start3A_74 = arith.constant 0 : i32
      %dma_start3A_75 = arith.constant 0 : i32
      %dma_start3A_76 = tpu.memref_slice %arg7[%scan3A_72, %dma_start3A_74, %dma_start3A_75] : memref<3x100x128xf32, #tpu.memory_space<vmem>> -> memref<1x100x128xf32, #tpu.memory_space<vmem>>
      %dma_start3A_77 = tpu.memref_squeeze %dma_start3A_76 : memref<1x100x128xf32, #tpu.memory_space<vmem>> -> memref<100x128xf32, #tpu.memory_space<vmem>>
      %dma_start3A_78 = arith.constant 0 : i32
      %dma_start3A_79 = tpu.memref_slice %arg6[%dma_start3A, %dma_start3A_73, %scan3A_72, %dma_start3A_78] : memref<2x2x4x100xi32, #tpu.memory_space<vmem>> -> memref<1x1x1x100xi32, #tpu.memory_space<vmem>>
      %dma_start3A_80 = tpu.memref_squeeze %dma_start3A_79 : memref<1x1x1x100xi32, #tpu.memory_space<vmem>> -> memref<100xi32, #tpu.memory_space<vmem>>
      %dma_start3A_81 = arith.constant 0 : i32
      %dma_start3A_82 = arith.constant 0 : i32
      %dma_start3A_83 = tpu.memref_slice %arg2[%dma_start3A_81, %dma_start3A_82] : memref<10240x128xf32, #tpu.memory_space<hbm>> -> memref<10240x128xf32, #tpu.memory_space<hbm>>
      %dma_start3A_84 = tpu.memref_slice %arg9[%scan3A_72] : memref<3x!tpu.dma_semaphore, #tpu.memory_space<semaphore_mem>> -> memref<1x!tpu.dma_semaphore, #tpu.memory_space<semaphore_mem>>
      %dma_start3A_85 = tpu.memref_squeeze %dma_start3A_84 : memref<1x!tpu.dma_semaphore, #tpu.memory_space<semaphore_mem>> -> memref<!tpu.dma_semaphore, #tpu.memory_space<semaphore_mem>>
      tpu.enqueue_indirect_dma source(%dma_start3A_83 : memref<10240x128xf32, #tpu.memory_space<hbm>>) target(%dma_start3A_77 : memref<100x128xf32, #tpu.memory_space<vmem>>) offsets(%dma_start3A_80 : memref<100xi32, #tpu.memory_space<vmem>>) semaphore(%dma_start3A_85 : memref<!tpu.dma_semaphore, #tpu.memory_space<semaphore_mem>>)
    }
    %scan3A_58 = arith.constant 2 : i32
    %scan3A_59 = arith.constant 0 : i32
    %scan3A_60 = arith.constant 0 : i32
    %scan3A_61 = arith.constant 100 : i32
    %scan3A_62 = arith.addi %scan3A_60, %scan3A_61 : i32
    %scan3A_63 = arith.constant 1 : i32
    scf.for %scan3A_72 = %scan3A_60 to %scan3A_62 step %scan3A_63  : i32 {
      %rem3A = arith.constant 3 : i32
      %rem3A_73 = arith.remsi %scan3A_72, %rem3A : i32
      %div3A = arith.constant 4 : i32
      %div3A_74 = arith.divsi %scan3A_72, %div3A : i32
      %rem3A_75 = arith.constant 2 : i32
      %rem3A_76 = arith.remsi %div3A_74, %rem3A_75 : i32
      %rem3A_77 = arith.constant 4 : i32
      %rem3A_78 = arith.remsi %scan3A_72, %rem3A_77 : i32
      %dma_wait3A_79 = arith.constant 0 : i32
      %dma_wait3A_80 = arith.constant 0 : i32
      %dma_wait3A_81 = arith.constant 0 : i32
      %dma_wait3A_82 = tpu.memref_slice %arg7[%rem3A_73, %dma_wait3A_80, %dma_wait3A_81] : memref<3x100x128xf32, #tpu.memory_space<vmem>> -> memref<1x100x128xf32, #tpu.memory_space<vmem>>
      %dma_wait3A_83 = tpu.memref_squeeze %dma_wait3A_82 : memref<1x100x128xf32, #tpu.memory_space<vmem>> -> memref<100x128xf32, #tpu.memory_space<vmem>>
      %dma_wait3A_84 = arith.constant 0 : i32
      %dma_wait3A_85 = tpu.memref_slice %arg6[%rem3A_76, %dma_wait3A_79, %rem3A_78, %dma_wait3A_84] : memref<2x2x4x100xi32, #tpu.memory_space<vmem>> -> memref<1x1x1x100xi32, #tpu.memory_space<vmem>>
      %dma_wait3A_86 = tpu.memref_squeeze %dma_wait3A_85 : memref<1x1x1x100xi32, #tpu.memory_space<vmem>> -> memref<100xi32, #tpu.memory_space<vmem>>
      %dma_wait3A_87 = arith.constant 0 : i32
      %dma_wait3A_88 = arith.constant 0 : i32
      %dma_wait3A_89 = tpu.memref_slice %arg2[%dma_wait3A_87, %dma_wait3A_88] : memref<10240x128xf32, #tpu.memory_space<hbm>> -> memref<10240x128xf32, #tpu.memory_space<hbm>>
      %dma_wait3A_90 = tpu.memref_slice %arg9[%rem3A_73] : memref<3x!tpu.dma_semaphore, #tpu.memory_space<semaphore_mem>> -> memref<1x!tpu.dma_semaphore, #tpu.memory_space<semaphore_mem>>
      %dma_wait3A_91 = tpu.memref_squeeze %dma_wait3A_90 : memref<1x!tpu.dma_semaphore, #tpu.memory_space<semaphore_mem>> -> memref<!tpu.dma_semaphore, #tpu.memory_space<semaphore_mem>>
      tpu.wait_indirect_dma semaphore(%dma_wait3A_91 : memref<!tpu.dma_semaphore, #tpu.memory_space<semaphore_mem>>) src(%dma_wait3A_89 : memref<10240x128xf32, #tpu.memory_space<hbm>>) dst(%dma_wait3A_83 : memref<100x128xf32, #tpu.memory_space<vmem>>)
      %dma_start3A = arith.constant 1 : i32
      %dma_start3A_92 = arith.constant 0 : i32
      %dma_start3A_93 = arith.constant 0 : i32
      %dma_start3A_94 = tpu.memref_slice %arg7[%rem3A_73, %dma_start3A_92, %dma_start3A_93] : memref<3x100x128xf32, #tpu.memory_space<vmem>> -> memref<1x100x128xf32, #tpu.memory_space<vmem>>
      %dma_start3A_95 = tpu.memref_squeeze %dma_start3A_94 : memref<1x100x128xf32, #tpu.memory_space<vmem>> -> memref<100x128xf32, #tpu.memory_space<vmem>>
      %dma_start3A_96 = arith.constant 0 : i32
      %dma_start3A_97 = tpu.memref_slice %arg6[%rem3A_76, %dma_start3A, %rem3A_78, %dma_start3A_96] : memref<2x2x4x100xi32, #tpu.memory_space<vmem>> -> memref<1x1x1x100xi32, #tpu.memory_space<vmem>>
      %dma_start3A_98 = tpu.memref_squeeze %dma_start3A_97 : memref<1x1x1x100xi32, #tpu.memory_space<vmem>> -> memref<100xi32, #tpu.memory_space<vmem>>
      %dma_start3A_99 = arith.constant 0 : i32
      %dma_start3A_100 = arith.constant 0 : i32
      %dma_start3A_101 = tpu.memref_slice %arg8[%dma_start3A_99, %dma_start3A_100] : memref<10240x128xf32, #tpu.memory_space<vmem_shared>> -> memref<10240x128xf32, #tpu.memory_space<vmem_shared>>
      %dma_start3A_102 = tpu.memref_slice %arg10[%rem3A_73] : memref<3x!tpu.dma_semaphore, #tpu.memory_space<semaphore_mem>> -> memref<1x!tpu.dma_semaphore, #tpu.memory_space<semaphore_mem>>
      %dma_start3A_103 = tpu.memref_squeeze %dma_start3A_102 : memref<1x!tpu.dma_semaphore, #tpu.memory_space<semaphore_mem>> -> memref<!tpu.dma_semaphore, #tpu.memory_space<semaphore_mem>>
      tpu.enqueue_indirect_dma source(%dma_start3A_95 : memref<100x128xf32, #tpu.memory_space<vmem>>) target(%dma_start3A_101 : memref<10240x128xf32, #tpu.memory_space<vmem_shared>>) offsets(%dma_start3A_98 : memref<100xi32, #tpu.memory_space<vmem>>) semaphore(%dma_start3A_103 : memref<!tpu.dma_semaphore, #tpu.memory_space<semaphore_mem>>) {add = true}
      %add3A_104 = arith.constant 2 : i32
      %add3A_105 = arith.addi %scan3A_72, %add3A_104 : i32
      %lt3A = arith.constant 100 : i32
      %lt3A_106 = arith.cmpi slt, %add3A_105, %lt3A : i32
      %convert_element_type3A_107 = arith.extui %lt3A_106 : i1 to i32
      %cond3A_108 = arith.constant 0 : i32
      %cond3A_109 = arith.cmpi ne, %convert_element_type3A_107, %cond3A_108 : i32
      scf.if %cond3A_109 {
        %rem3A_119 = arith.constant 3 : i32
        %rem3A_120 = arith.remsi %add3A_105, %rem3A_119 : i32
        %div3A_121 = arith.constant 4 : i32
        %div3A_122 = arith.divsi %add3A_105, %div3A_121 : i32
        %rem3A_123 = arith.constant 2 : i32
        %rem3A_124 = arith.remsi %div3A_122, %rem3A_123 : i32
        %rem3A_125 = arith.constant 4 : i32
        %rem3A_126 = arith.remsi %add3A_105, %rem3A_125 : i32
        %ge3A = arith.constant 3 : i32
        %ge3A_127 = arith.cmpi sge, %add3A_105, %ge3A : i32
        %convert_element_type3A_128 = arith.extui %ge3A_127 : i1 to i32
        %cond3A_129 = arith.constant 0 : i32
        %cond3A_130 = arith.cmpi ne, %convert_element_type3A_128, %cond3A_129 : i32
        scf.if %cond3A_130 {
          %sub3A = arith.constant 3 : i32
          %sub3A_149 = arith.subi %add3A_105, %sub3A : i32
          %div3A_150 = arith.constant 4 : i32
          %div3A_151 = arith.divsi %sub3A_149, %div3A_150 : i32
          %rem3A_152 = arith.constant 2 : i32
          %rem3A_153 = arith.remsi %div3A_151, %rem3A_152 : i32
          %rem3A_154 = arith.constant 4 : i32
          %rem3A_155 = arith.remsi %sub3A_149, %rem3A_154 : i32
          %dma_wait3A_156 = arith.constant 1 : i32
          %dma_wait3A_157 = arith.constant 0 : i32
          %dma_wait3A_158 = arith.constant 0 : i32
          %dma_wait3A_159 = tpu.memref_slice %arg7[%rem3A_120, %dma_wait3A_157, %dma_wait3A_158] : memref<3x100x128xf32, #tpu.memory_space<vmem>> -> memref<1x100x128xf32, #tpu.memory_space<vmem>>
          %dma_wait3A_160 = tpu.memref_squeeze %dma_wait3A_159 : memref<1x100x128xf32, #tpu.memory_space<vmem>> -> memref<100x128xf32, #tpu.memory_space<vmem>>
          %dma_wait3A_161 = arith.constant 0 : i32
          %dma_wait3A_162 = tpu.memref_slice %arg6[%rem3A_153, %dma_wait3A_156, %rem3A_155, %dma_wait3A_161] : memref<2x2x4x100xi32, #tpu.memory_space<vmem>> -> memref<1x1x1x100xi32, #tpu.memory_space<vmem>>
          %dma_wait3A_163 = tpu.memref_squeeze %dma_wait3A_162 : memref<1x1x1x100xi32, #tpu.memory_space<vmem>> -> memref<100xi32, #tpu.memory_space<vmem>>
          %dma_wait3A_164 = arith.constant 0 : i32
          %dma_wait3A_165 = arith.constant 0 : i32
          %dma_wait3A_166 = tpu.memref_slice %arg8[%dma_wait3A_164, %dma_wait3A_165] : memref<10240x128xf32, #tpu.memory_space<vmem_shared>> -> memref<10240x128xf32, #tpu.memory_space<vmem_shared>>
          %dma_wait3A_167 = tpu.memref_slice %arg10[%rem3A_120] : memref<3x!tpu.dma_semaphore, #tpu.memory_space<semaphore_mem>> -> memref<1x!tpu.dma_semaphore, #tpu.memory_space<semaphore_mem>>
          %dma_wait3A_168 = tpu.memref_squeeze %dma_wait3A_167 : memref<1x!tpu.dma_semaphore, #tpu.memory_space<semaphore_mem>> -> memref<!tpu.dma_semaphore, #tpu.memory_space<semaphore_mem>>
          tpu.wait_indirect_dma semaphore(%dma_wait3A_168 : memref<!tpu.dma_semaphore, #tpu.memory_space<semaphore_mem>>) src(%dma_wait3A_160 : memref<100x128xf32, #tpu.memory_space<vmem>>) dst(%dma_wait3A_166 : memref<10240x128xf32, #tpu.memory_space<vmem_shared>>)
        } else {
        }
        %eq3A_131 = arith.constant 0 : i32
        %eq3A_132 = arith.cmpi eq, %rem3A_126, %eq3A_131 : i32
        %convert_element_type3A_133 = arith.extui %eq3A_132 : i1 to i32
        %cond3A_134 = arith.constant 0 : i32
        %cond3A_135 = arith.cmpi ne, %convert_element_type3A_133, %cond3A_134 : i32
        scf.if %cond3A_135 {
          %mul3A_149 = arith.constant 100 : i32
          %mul3A_150 = arith.muli %arg1, %mul3A_149 : i32
          %mul3A_151 = arith.constant 4 : i32
          %mul3A_152 = arith.muli %div3A_122, %mul3A_151 : i32
          %add3A_153 = arith.addi %mul3A_150, %mul3A_152 : i32
          %dma_wait3A_154 = arith.constant 0 : i32
          %dma_wait3A_155 = arith.constant 0 : i32
          %dma_wait3A_156 = arith.constant 0 : i32
          %dma_wait3A_157 = arith.constant 0 : i32
          %dma_wait3A_158 = tpu.memref_slice %arg6[%rem3A_124, %dma_wait3A_155, %dma_wait3A_156, %dma_wait3A_157] : memref<2x2x4x100xi32, #tpu.memory_space<vmem>> -> memref<1x1x4x100xi32, #tpu.memory_space<vmem>>
          %dma_wait3A_159 = tpu.memref_squeeze %dma_wait3A_158 : memref<1x1x4x100xi32, #tpu.memory_space<vmem>> -> memref<4x100xi32, #tpu.memory_space<vmem>>
          %dma_wait3A_160 = arith.constant 0 : i32
          %dma_wait3A_161 = tpu.memref_slice %arg3[%dma_wait3A_154, %add3A_153, %dma_wait3A_160] : memref<2x1600x100xi32, #tpu.memory_space<hbm>> -> memref<1x4x100xi32, #tpu.memory_space<hbm>>
          %dma_wait3A_162 = tpu.memref_squeeze %dma_wait3A_161 : memref<1x4x100xi32, #tpu.memory_space<hbm>> -> memref<4x100xi32, #tpu.memory_space<hbm>>
          %dma_wait3A_163 = tpu.memref_slice %arg11[%rem3A_124] : memref<2x!tpu.dma_semaphore, #tpu.memory_space<semaphore_mem>> -> memref<1x!tpu.dma_semaphore, #tpu.memory_space<semaphore_mem>>
          %dma_wait3A_164 = tpu.memref_squeeze %dma_wait3A_163 : memref<1x!tpu.dma_semaphore, #tpu.memory_space<semaphore_mem>> -> memref<!tpu.dma_semaphore, #tpu.memory_space<semaphore_mem>>
          %dma_wait3A_165 = arith.constant 0 : i32
          %dma_wait3A_166 = arith.constant 0 : i32
          %dma_wait3A_167 = tpu.memref_slice %arg6[%rem3A_124, %dma_wait3A_155, %dma_wait3A_165, %dma_wait3A_166] : memref<2x2x4x100xi32, #tpu.memory_space<vmem>> -> memref<1x1x4x100xi32, #tpu.memory_space<vmem>>
          %dma_wait3A_168 = tpu.memref_squeeze %dma_wait3A_167 : memref<1x1x4x100xi32, #tpu.memory_space<vmem>> -> memref<4x100xi32, #tpu.memory_space<vmem>>
          %dma_wait3A_169 = arith.constant 0 : i32
          %dma_wait3A_170 = tpu.memref_slice %arg3[%dma_wait3A_154, %add3A_153, %dma_wait3A_169] : memref<2x1600x100xi32, #tpu.memory_space<hbm>> -> memref<1x4x100xi32, #tpu.memory_space<hbm>>
          %dma_wait3A_171 = tpu.memref_squeeze %dma_wait3A_170 : memref<1x4x100xi32, #tpu.memory_space<hbm>> -> memref<4x100xi32, #tpu.memory_space<hbm>>
          tpu.wait_dma2 semaphore(%dma_wait3A_164 : memref<!tpu.dma_semaphore, #tpu.memory_space<semaphore_mem>>) src(%dma_wait3A_171 : memref<4x100xi32, #tpu.memory_space<hbm>>) dst(%dma_wait3A_168 : memref<4x100xi32, #tpu.memory_space<vmem>>)
          %dma_wait3A_172 = arith.constant 1 : i32
          %dma_wait3A_173 = arith.constant 1 : i32
          %dma_wait3A_174 = arith.constant 0 : i32
          %dma_wait3A_175 = arith.constant 0 : i32
          %dma_wait3A_176 = tpu.memref_slice %arg6[%rem3A_124, %dma_wait3A_173, %dma_wait3A_174, %dma_wait3A_175] : memref<2x2x4x100xi32, #tpu.memory_space<vmem>> -> memref<1x1x4x100xi32, #tpu.memory_space<vmem>>
          %dma_wait3A_177 = tpu.memref_squeeze %dma_wait3A_176 : memref<1x1x4x100xi32, #tpu.memory_space<vmem>> -> memref<4x100xi32, #tpu.memory_space<vmem>>
          %dma_wait3A_178 = arith.constant 0 : i32
          %dma_wait3A_179 = tpu.memref_slice %arg3[%dma_wait3A_172, %add3A_153, %dma_wait3A_178] : memref<2x1600x100xi32, #tpu.memory_space<hbm>> -> memref<1x4x100xi32, #tpu.memory_space<hbm>>
          %dma_wait3A_180 = tpu.memref_squeeze %dma_wait3A_179 : memref<1x4x100xi32, #tpu.memory_space<hbm>> -> memref<4x100xi32, #tpu.memory_space<hbm>>
          %dma_wait3A_181 = tpu.memref_slice %arg11[%rem3A_124] : memref<2x!tpu.dma_semaphore, #tpu.memory_space<semaphore_mem>> -> memref<1x!tpu.dma_semaphore, #tpu.memory_space<semaphore_mem>>
          %dma_wait3A_182 = tpu.memref_squeeze %dma_wait3A_181 : memref<1x!tpu.dma_semaphore, #tpu.memory_space<semaphore_mem>> -> memref<!tpu.dma_semaphore, #tpu.memory_space<semaphore_mem>>
          %dma_wait3A_183 = arith.constant 0 : i32
          %dma_wait3A_184 = arith.constant 0 : i32
          %dma_wait3A_185 = tpu.memref_slice %arg6[%rem3A_124, %dma_wait3A_173, %dma_wait3A_183, %dma_wait3A_184] : memref<2x2x4x100xi32, #tpu.memory_space<vmem>> -> memref<1x1x4x100xi32, #tpu.memory_space<vmem>>
          %dma_wait3A_186 = tpu.memref_squeeze %dma_wait3A_185 : memref<1x1x4x100xi32, #tpu.memory_space<vmem>> -> memref<4x100xi32, #tpu.memory_space<vmem>>
          %dma_wait3A_187 = arith.constant 0 : i32
          %dma_wait3A_188 = tpu.memref_slice %arg3[%dma_wait3A_172, %add3A_153, %dma_wait3A_187] : memref<2x1600x100xi32, #tpu.memory_space<hbm>> -> memref<1x4x100xi32, #tpu.memory_space<hbm>>
          %dma_wait3A_189 = tpu.memref_squeeze %dma_wait3A_188 : memref<1x4x100xi32, #tpu.memory_space<hbm>> -> memref<4x100xi32, #tpu.memory_space<hbm>>
          tpu.wait_dma2 semaphore(%dma_wait3A_182 : memref<!tpu.dma_semaphore, #tpu.memory_space<semaphore_mem>>) src(%dma_wait3A_189 : memref<4x100xi32, #tpu.memory_space<hbm>>) dst(%dma_wait3A_186 : memref<4x100xi32, #tpu.memory_space<vmem>>)
        } else {
        }
        %dma_start3A_136 = arith.constant 0 : i32
        %dma_start3A_137 = arith.constant 0 : i32
        %dma_start3A_138 = arith.constant 0 : i32
        %dma_start3A_139 = tpu.memref_slice %arg7[%rem3A_120, %dma_start3A_137, %dma_start3A_138] : memref<3x100x128xf32, #tpu.memory_space<vmem>> -> memref<1x100x128xf32, #tpu.memory_space<vmem>>
        %dma_start3A_140 = tpu.memref_squeeze %dma_start3A_139 : memref<1x100x128xf32, #tpu.memory_space<vmem>> -> memref<100x128xf32, #tpu.memory_space<vmem>>
        %dma_start3A_141 = arith.constant 0 : i32
        %dma_start3A_142 = tpu.memref_slice %arg6[%rem3A_124, %dma_start3A_136, %rem3A_126, %dma_start3A_141] : memref<2x2x4x100xi32, #tpu.memory_space<vmem>> -> memref<1x1x1x100xi32, #tpu.memory_space<vmem>>
        %dma_start3A_143 = tpu.memref_squeeze %dma_start3A_142 : memref<1x1x1x100xi32, #tpu.memory_space<vmem>> -> memref<100xi32, #tpu.memory_space<vmem>>
        %dma_start3A_144 = arith.constant 0 : i32
        %dma_start3A_145 = arith.constant 0 : i32
        %dma_start3A_146 = tpu.memref_slice %arg2[%dma_start3A_144, %dma_start3A_145] : memref<10240x128xf32, #tpu.memory_space<hbm>> -> memref<10240x128xf32, #tpu.memory_space<hbm>>
        %dma_start3A_147 = tpu.memref_slice %arg9[%rem3A_120] : memref<3x!tpu.dma_semaphore, #tpu.memory_space<semaphore_mem>> -> memref<1x!tpu.dma_semaphore, #tpu.memory_space<semaphore_mem>>
        %dma_start3A_148 = tpu.memref_squeeze %dma_start3A_147 : memref<1x!tpu.dma_semaphore, #tpu.memory_space<semaphore_mem>> -> memref<!tpu.dma_semaphore, #tpu.memory_space<semaphore_mem>>
        tpu.enqueue_indirect_dma source(%dma_start3A_146 : memref<10240x128xf32, #tpu.memory_space<hbm>>) target(%dma_start3A_140 : memref<100x128xf32, #tpu.memory_space<vmem>>) offsets(%dma_start3A_143 : memref<100xi32, #tpu.memory_space<vmem>>) semaphore(%dma_start3A_148 : memref<!tpu.dma_semaphore, #tpu.memory_space<semaphore_mem>>)
      } else {
      }
      %eq3A_110 = arith.constant 0 : i32
      %eq3A_111 = arith.cmpi eq, %rem3A_78, %eq3A_110 : i32
      %add3A_112 = arith.constant 4 : i32
      %add3A_113 = arith.addi %scan3A_72, %add3A_112 : i32
      %lt3A_114 = arith.constant 100 : i32
      %lt3A_115 = arith.cmpi slt, %add3A_113, %lt3A_114 : i32
      %and3A = arith.andi %eq3A_111, %lt3A_115 : i1
      %convert_element_type3A_116 = arith.extui %and3A : i1 to i32
      %cond3A_117 = arith.constant 0 : i32
      %cond3A_118 = arith.cmpi ne, %convert_element_type3A_116, %cond3A_117 : i32
      scf.if %cond3A_118 {
        %add3A_119 = arith.constant 1 : i32
        %add3A_120 = arith.addi %div3A_74, %add3A_119 : i32
        %add3A_121 = arith.constant 1 : i32
        %add3A_122 = arith.addi %div3A_74, %add3A_121 : i32
        %rem3A_123 = arith.constant 2 : i32
        %rem3A_124 = arith.remsi %add3A_122, %rem3A_123 : i32
        %mul3A_125 = arith.constant 100 : i32
        %mul3A_126 = arith.muli %arg1, %mul3A_125 : i32
        %mul3A_127 = arith.constant 4 : i32
        %mul3A_128 = arith.muli %add3A_120, %mul3A_127 : i32
        %add3A_129 = arith.addi %mul3A_126, %mul3A_128 : i32
        %eq3A_130 = arith.constant 0 : i32
        %eq3A_131 = arith.cmpi eq, %arg0, %eq3A_130 : i32
        %convert_element_type3A_132 = arith.extui %eq3A_131 : i1 to i32
        %cond3A_133 = arith.constant 0 : i32
        %cond3A_134 = arith.cmpi ne, %convert_element_type3A_132, %cond3A_133 : i32
        scf.if %cond3A_134 {
          %dma_start3A_140 = arith.constant 0 : i32
          %dma_start3A_141 = arith.constant 0 : i32
          %dma_start3A_142 = arith.constant 0 : i32
          %dma_start3A_143 = arith.constant 0 : i32
          %dma_start3A_144 = tpu.memref_slice %arg6[%rem3A_124, %dma_start3A_141, %dma_start3A_142, %dma_start3A_143] : memref<2x2x4x100xi32, #tpu.memory_space<vmem>> -> memref<1x1x4x100xi32, #tpu.memory_space<vmem>>
          %dma_start3A_145 = tpu.memref_squeeze %dma_start3A_144 : memref<1x1x4x100xi32, #tpu.memory_space<vmem>> -> memref<4x100xi32, #tpu.memory_space<vmem>>
          %dma_start3A_146 = arith.constant 0 : i32
          %dma_start3A_147 = tpu.memref_slice %arg3[%dma_start3A_140, %add3A_129, %dma_start3A_146] : memref<2x1600x100xi32, #tpu.memory_space<hbm>> -> memref<1x4x100xi32, #tpu.memory_space<hbm>>
          %dma_start3A_148 = tpu.memref_squeeze %dma_start3A_147 : memref<1x4x100xi32, #tpu.memory_space<hbm>> -> memref<4x100xi32, #tpu.memory_space<hbm>>
          %dma_start3A_149 = tpu.memref_slice %arg11[%rem3A_124] : memref<2x!tpu.dma_semaphore, #tpu.memory_space<semaphore_mem>> -> memref<1x!tpu.dma_semaphore, #tpu.memory_space<semaphore_mem>>
          %dma_start3A_150 = tpu.memref_squeeze %dma_start3A_149 : memref<1x!tpu.dma_semaphore, #tpu.memory_space<semaphore_mem>> -> memref<!tpu.dma_semaphore, #tpu.memory_space<semaphore_mem>>
          %dma_start3A_151 = arith.constant 0 : i32
          %dma_start3A_152 = arith.constant 0 : i32
          %dma_start3A_153 = tpu.memref_slice %arg6[%rem3A_124, %dma_start3A_141, %dma_start3A_151, %dma_start3A_152] : memref<2x2x4x100xi32, #tpu.memory_space<vmem>> -> memref<1x1x4x100xi32, #tpu.memory_space<vmem>>
          %dma_start3A_154 = tpu.memref_squeeze %dma_start3A_153 : memref<1x1x4x100xi32, #tpu.memory_space<vmem>> -> memref<4x100xi32, #tpu.memory_space<vmem>>
          %dma_start3A_155 = arith.constant 0 : i32
          %dma_start3A_156 = tpu.memref_slice %arg3[%dma_start3A_140, %add3A_129, %dma_start3A_155] : memref<2x1600x100xi32, #tpu.memory_space<hbm>> -> memref<1x4x100xi32, #tpu.memory_space<hbm>>
          %dma_start3A_157 = tpu.memref_squeeze %dma_start3A_156 : memref<1x4x100xi32, #tpu.memory_space<hbm>> -> memref<4x100xi32, #tpu.memory_space<hbm>>
          tpu.enqueue_dma source(%dma_start3A_157 : memref<4x100xi32, #tpu.memory_space<hbm>>) target(%dma_start3A_154 : memref<4x100xi32, #tpu.memory_space<vmem>>) target_semaphore(%dma_start3A_150 : memref<!tpu.dma_semaphore, #tpu.memory_space<semaphore_mem>>)
          %dma_start3A_158 = arith.constant 1 : i32
          %dma_start3A_159 = arith.constant 1 : i32
          %dma_start3A_160 = arith.constant 0 : i32
          %dma_start3A_161 = arith.constant 0 : i32
          %dma_start3A_162 = tpu.memref_slice %arg6[%rem3A_124, %dma_start3A_159, %dma_start3A_160, %dma_start3A_161] : memref<2x2x4x100xi32, #tpu.memory_space<vmem>> -> memref<1x1x4x100xi32, #tpu.memory_space<vmem>>
          %dma_start3A_163 = tpu.memref_squeeze %dma_start3A_162 : memref<1x1x4x100xi32, #tpu.memory_space<vmem>> -> memref<4x100xi32, #tpu.memory_space<vmem>>
          %dma_start3A_164 = arith.constant 0 : i32
          %dma_start3A_165 = tpu.memref_slice %arg3[%dma_start3A_158, %add3A_129, %dma_start3A_164] : memref<2x1600x100xi32, #tpu.memory_space<hbm>> -> memref<1x4x100xi32, #tpu.memory_space<hbm>>
          %dma_start3A_166 = tpu.memref_squeeze %dma_start3A_165 : memref<1x4x100xi32, #tpu.memory_space<hbm>> -> memref<4x100xi32, #tpu.memory_space<hbm>>
          %dma_start3A_167 = tpu.memref_slice %arg11[%rem3A_124] : memref<2x!tpu.dma_semaphore, #tpu.memory_space<semaphore_mem>> -> memref<1x!tpu.dma_semaphore, #tpu.memory_space<semaphore_mem>>
          %dma_start3A_168 = tpu.memref_squeeze %dma_start3A_167 : memref<1x!tpu.dma_semaphore, #tpu.memory_space<semaphore_mem>> -> memref<!tpu.dma_semaphore, #tpu.memory_space<semaphore_mem>>
          %dma_start3A_169 = arith.constant 0 : i32
          %dma_start3A_170 = arith.constant 0 : i32
          %dma_start3A_171 = tpu.memref_slice %arg6[%rem3A_124, %dma_start3A_159, %dma_start3A_169, %dma_start3A_170] : memref<2x2x4x100xi32, #tpu.memory_space<vmem>> -> memref<1x1x4x100xi32, #tpu.memory_space<vmem>>
          %dma_start3A_172 = tpu.memref_squeeze %dma_start3A_171 : memref<1x1x4x100xi32, #tpu.memory_space<vmem>> -> memref<4x100xi32, #tpu.memory_space<vmem>>
          %dma_start3A_173 = arith.constant 0 : i32
          %dma_start3A_174 = tpu.memref_slice %arg3[%dma_start3A_158, %add3A_129, %dma_start3A_173] : memref<2x1600x100xi32, #tpu.memory_space<hbm>> -> memref<1x4x100xi32, #tpu.memory_space<hbm>>
          %dma_start3A_175 = tpu.memref_squeeze %dma_start3A_174 : memref<1x4x100xi32, #tpu.memory_space<hbm>> -> memref<4x100xi32, #tpu.memory_space<hbm>>
          tpu.enqueue_dma source(%dma_start3A_175 : memref<4x100xi32, #tpu.memory_space<hbm>>) target(%dma_start3A_172 : memref<4x100xi32, #tpu.memory_space<vmem>>) target_semaphore(%dma_start3A_168 : memref<!tpu.dma_semaphore, #tpu.memory_space<semaphore_mem>>)
        } else {
        }
        %eq3A_135 = arith.constant 1 : i32
        %eq3A_136 = arith.cmpi eq, %arg0, %eq3A_135 : i32
        %convert_element_type3A_137 = arith.extui %eq3A_136 : i1 to i32
        %cond3A_138 = arith.constant 0 : i32
        %cond3A_139 = arith.cmpi ne, %convert_element_type3A_137, %cond3A_138 : i32
        scf.if %cond3A_139 {
          %dma_start3A_140 = arith.constant 0 : i32
          %dma_start3A_141 = arith.constant 0 : i32
          %dma_start3A_142 = arith.constant 0 : i32
          %dma_start3A_143 = arith.constant 0 : i32
          %dma_start3A_144 = tpu.memref_slice %arg6[%rem3A_124, %dma_start3A_141, %dma_start3A_142, %dma_start3A_143] : memref<2x2x4x100xi32, #tpu.memory_space<vmem>> -> memref<1x1x4x100xi32, #tpu.memory_space<vmem>>
          %dma_start3A_145 = tpu.memref_squeeze %dma_start3A_144 : memref<1x1x4x100xi32, #tpu.memory_space<vmem>> -> memref<4x100xi32, #tpu.memory_space<vmem>>
          %dma_start3A_146 = arith.constant 0 : i32
          %dma_start3A_147 = tpu.memref_slice %arg4[%dma_start3A_140, %add3A_129, %dma_start3A_146] : memref<2x1600x100xi32, #tpu.memory_space<hbm>> -> memref<1x4x100xi32, #tpu.memory_space<hbm>>
          %dma_start3A_148 = tpu.memref_squeeze %dma_start3A_147 : memref<1x4x100xi32, #tpu.memory_space<hbm>> -> memref<4x100xi32, #tpu.memory_space<hbm>>
          %dma_start3A_149 = tpu.memref_slice %arg11[%rem3A_124] : memref<2x!tpu.dma_semaphore, #tpu.memory_space<semaphore_mem>> -> memref<1x!tpu.dma_semaphore, #tpu.memory_space<semaphore_mem>>
          %dma_start3A_150 = tpu.memref_squeeze %dma_start3A_149 : memref<1x!tpu.dma_semaphore, #tpu.memory_space<semaphore_mem>> -> memref<!tpu.dma_semaphore, #tpu.memory_space<semaphore_mem>>
          %dma_start3A_151 = arith.constant 0 : i32
          %dma_start3A_152 = arith.constant 0 : i32
          %dma_start3A_153 = tpu.memref_slice %arg6[%rem3A_124, %dma_start3A_141, %dma_start3A_151, %dma_start3A_152] : memref<2x2x4x100xi32, #tpu.memory_space<vmem>> -> memref<1x1x4x100xi32, #tpu.memory_space<vmem>>
          %dma_start3A_154 = tpu.memref_squeeze %dma_start3A_153 : memref<1x1x4x100xi32, #tpu.memory_space<vmem>> -> memref<4x100xi32, #tpu.memory_space<vmem>>
          %dma_start3A_155 = arith.constant 0 : i32
          %dma_start3A_156 = tpu.memref_slice %arg4[%dma_start3A_140, %add3A_129, %dma_start3A_155] : memref<2x1600x100xi32, #tpu.memory_space<hbm>> -> memref<1x4x100xi32, #tpu.memory_space<hbm>>
          %dma_start3A_157 = tpu.memref_squeeze %dma_start3A_156 : memref<1x4x100xi32, #tpu.memory_space<hbm>> -> memref<4x100xi32, #tpu.memory_space<hbm>>
          tpu.enqueue_dma source(%dma_start3A_157 : memref<4x100xi32, #tpu.memory_space<hbm>>) target(%dma_start3A_154 : memref<4x100xi32, #tpu.memory_space<vmem>>) target_semaphore(%dma_start3A_150 : memref<!tpu.dma_semaphore, #tpu.memory_space<semaphore_mem>>)
          %dma_start3A_158 = arith.constant 1 : i32
          %dma_start3A_159 = arith.constant 1 : i32
          %dma_start3A_160 = arith.constant 0 : i32
          %dma_start3A_161 = arith.constant 0 : i32
          %dma_start3A_162 = tpu.memref_slice %arg6[%rem3A_124, %dma_start3A_159, %dma_start3A_160, %dma_start3A_161] : memref<2x2x4x100xi32, #tpu.memory_space<vmem>> -> memref<1x1x4x100xi32, #tpu.memory_space<vmem>>
          %dma_start3A_163 = tpu.memref_squeeze %dma_start3A_162 : memref<1x1x4x100xi32, #tpu.memory_space<vmem>> -> memref<4x100xi32, #tpu.memory_space<vmem>>
          %dma_start3A_164 = arith.constant 0 : i32
          %dma_start3A_165 = tpu.memref_slice %arg4[%dma_start3A_158, %add3A_129, %dma_start3A_164] : memref<2x1600x100xi32, #tpu.memory_space<hbm>> -> memref<1x4x100xi32, #tpu.memory_space<hbm>>
          %dma_start3A_166 = tpu.memref_squeeze %dma_start3A_165 : memref<1x4x100xi32, #tpu.memory_space<hbm>> -> memref<4x100xi32, #tpu.memory_space<hbm>>
          %dma_start3A_167 = tpu.memref_slice %arg11[%rem3A_124] : memref<2x!tpu.dma_semaphore, #tpu.memory_space<semaphore_mem>> -> memref<1x!tpu.dma_semaphore, #tpu.memory_space<semaphore_mem>>
          %dma_start3A_168 = tpu.memref_squeeze %dma_start3A_167 : memref<1x!tpu.dma_semaphore, #tpu.memory_space<semaphore_mem>> -> memref<!tpu.dma_semaphore, #tpu.memory_space<semaphore_mem>>
          %dma_start3A_169 = arith.constant 0 : i32
          %dma_start3A_170 = arith.constant 0 : i32
          %dma_start3A_171 = tpu.memref_slice %arg6[%rem3A_124, %dma_start3A_159, %dma_start3A_169, %dma_start3A_170] : memref<2x2x4x100xi32, #tpu.memory_space<vmem>> -> memref<1x1x4x100xi32, #tpu.memory_space<vmem>>
          %dma_start3A_172 = tpu.memref_squeeze %dma_start3A_171 : memref<1x1x4x100xi32, #tpu.memory_space<vmem>> -> memref<4x100xi32, #tpu.memory_space<vmem>>
          %dma_start3A_173 = arith.constant 0 : i32
          %dma_start3A_174 = tpu.memref_slice %arg4[%dma_start3A_158, %add3A_129, %dma_start3A_173] : memref<2x1600x100xi32, #tpu.memory_space<hbm>> -> memref<1x4x100xi32, #tpu.memory_space<hbm>>
          %dma_start3A_175 = tpu.memref_squeeze %dma_start3A_174 : memref<1x4x100xi32, #tpu.memory_space<hbm>> -> memref<4x100xi32, #tpu.memory_space<hbm>>
          tpu.enqueue_dma source(%dma_start3A_175 : memref<4x100xi32, #tpu.memory_space<hbm>>) target(%dma_start3A_172 : memref<4x100xi32, #tpu.memory_space<vmem>>) target_semaphore(%dma_start3A_168 : memref<!tpu.dma_semaphore, #tpu.memory_space<semaphore_mem>>)
        } else {
        }
      } else {
      }
    }
    %scan3A_64 = arith.constant 100 : i32
    %scan3A_65 = arith.constant 0 : i32
    %scan3A_66 = arith.constant 97 : i32
    %scan3A_67 = arith.constant 3 : i32
    %scan3A_68 = arith.addi %scan3A_66, %scan3A_67 : i32
    %scan3A_69 = arith.constant 1 : i32
    scf.for %scan3A_72 = %scan3A_66 to %scan3A_68 step %scan3A_69  : i32 {
      %rem3A = arith.constant 3 : i32
      %rem3A_73 = arith.remsi %scan3A_72, %rem3A : i32
      %div3A = arith.constant 4 : i32
      %div3A_74 = arith.divsi %scan3A_72, %div3A : i32
      %rem3A_75 = arith.constant 2 : i32
      %rem3A_76 = arith.remsi %div3A_74, %rem3A_75 : i32
      %rem3A_77 = arith.constant 4 : i32
      %rem3A_78 = arith.remsi %scan3A_72, %rem3A_77 : i32
      %dma_wait3A_79 = arith.constant 1 : i32
      %dma_wait3A_80 = arith.constant 0 : i32
      %dma_wait3A_81 = arith.constant 0 : i32
      %dma_wait3A_82 = tpu.memref_slice %arg7[%rem3A_73, %dma_wait3A_80, %dma_wait3A_81] : memref<3x100x128xf32, #tpu.memory_space<vmem>> -> memref<1x100x128xf32, #tpu.memory_space<vmem>>
      %dma_wait3A_83 = tpu.memref_squeeze %dma_wait3A_82 : memref<1x100x128xf32, #tpu.memory_space<vmem>> -> memref<100x128xf32, #tpu.memory_space<vmem>>
      %dma_wait3A_84 = arith.constant 0 : i32
      %dma_wait3A_85 = tpu.memref_slice %arg6[%rem3A_76, %dma_wait3A_79, %rem3A_78, %dma_wait3A_84] : memref<2x2x4x100xi32, #tpu.memory_space<vmem>> -> memref<1x1x1x100xi32, #tpu.memory_space<vmem>>
      %dma_wait3A_86 = tpu.memref_squeeze %dma_wait3A_85 : memref<1x1x1x100xi32, #tpu.memory_space<vmem>> -> memref<100xi32, #tpu.memory_space<vmem>>
      %dma_wait3A_87 = arith.constant 0 : i32
      %dma_wait3A_88 = arith.constant 0 : i32
      %dma_wait3A_89 = tpu.memref_slice %arg8[%dma_wait3A_87, %dma_wait3A_88] : memref<10240x128xf32, #tpu.memory_space<vmem_shared>> -> memref<10240x128xf32, #tpu.memory_space<vmem_shared>>
      %dma_wait3A_90 = tpu.memref_slice %arg10[%rem3A_73] : memref<3x!tpu.dma_semaphore, #tpu.memory_space<semaphore_mem>> -> memref<1x!tpu.dma_semaphore, #tpu.memory_space<semaphore_mem>>
      %dma_wait3A_91 = tpu.memref_squeeze %dma_wait3A_90 : memref<1x!tpu.dma_semaphore, #tpu.memory_space<semaphore_mem>> -> memref<!tpu.dma_semaphore, #tpu.memory_space<semaphore_mem>>
      tpu.wait_indirect_dma semaphore(%dma_wait3A_91 : memref<!tpu.dma_semaphore, #tpu.memory_space<semaphore_mem>>) src(%dma_wait3A_83 : memref<100x128xf32, #tpu.memory_space<vmem>>) dst(%dma_wait3A_89 : memref<10240x128xf32, #tpu.memory_space<vmem_shared>>)
    }
    %scan3A_70 = arith.constant 3 : i32
    %barrier3A_71 = arith.constant 0 : index
    tpu.barrier barrier_id(%barrier3A_71)
    "tpu.region"() ({
      %run_scoped3A = tpu.sem_alloc : memref<!tpu.dma_semaphore, #tpu.memory_space<semaphore_mem>>
      %dma_start3A = arith.constant 0 : i32
      %dma_start3A_72 = tpu.memref_slice %arg5[%arg0, %mul3A_0, %dma_start3A] : memref<2x10240x128xf32, #tpu.memory_space<hbm>> -> memref<1x640x128xf32, #tpu.memory_space<hbm>>
      %dma_start3A_73 = tpu.memref_squeeze %dma_start3A_72 : memref<1x640x128xf32, #tpu.memory_space<hbm>> -> memref<640x128xf32, #tpu.memory_space<hbm>>
      %dma_start3A_74 = arith.constant 0 : i32
      %dma_start3A_75 = tpu.memref_slice %arg8[%mul3A_0, %dma_start3A_74] : memref<10240x128xf32, #tpu.memory_space<vmem_shared>> -> memref<640x128xf32, #tpu.memory_space<vmem_shared>>
      tpu.enqueue_dma source(%dma_start3A_75 : memref<640x128xf32, #tpu.memory_space<vmem_shared>>) target(%dma_start3A_73 : memref<640x128xf32, #tpu.memory_space<hbm>>) target_semaphore(%run_scoped3A : memref<!tpu.dma_semaphore, #tpu.memory_space<semaphore_mem>>)
      %dma_wait3A_76 = arith.constant 0 : i32
      %dma_wait3A_77 = tpu.memref_slice %arg5[%arg0, %mul3A_0, %dma_wait3A_76] : memref<2x10240x128xf32, #tpu.memory_space<hbm>> -> memref<1x640x128xf32, #tpu.memory_space<hbm>>
      %dma_wait3A_78 = tpu.memref_squeeze %dma_wait3A_77 : memref<1x640x128xf32, #tpu.memory_space<hbm>> -> memref<640x128xf32, #tpu.memory_space<hbm>>
      %dma_wait3A_79 = arith.constant 0 : i32
      %dma_wait3A_80 = tpu.memref_slice %arg8[%mul3A_0, %dma_wait3A_79] : memref<10240x128xf32, #tpu.memory_space<vmem_shared>> -> memref<640x128xf32, #tpu.memory_space<vmem_shared>>
      tpu.wait_dma2 semaphore(%run_scoped3A : memref<!tpu.dma_semaphore, #tpu.memory_space<semaphore_mem>>) src(%dma_wait3A_80 : memref<640x128xf32, #tpu.memory_space<vmem_shared>>) dst(%dma_wait3A_78 : memref<640x128xf32, #tpu.memory_space<hbm>>)
      tpu.yield
    }) : () -> ()
    return
  }
}

#map = affine_map<(d0, d1) -> (0, 0)>
#map1 = affine_map<(d0, d1) -> (0, 0, 0)>
module attributes {stable_mosaic.version = 14 : i64} {
  func.func @_seg_body(%arg0: i32, %arg1: i32, %arg2: memref<10240x128xf32, #tpu.memory_space<hbm>>, %arg3: memref<2x1600x100xi32, #tpu.memory_space<hbm>>, %arg4: memref<2x1600x100xi32, #tpu.memory_space<hbm>>, %arg5: memref<2x10240x128xf32, #tpu.memory_space<hbm>>, %arg6: memref<2x2x4x100xi32, #tpu.memory_space<vmem>>, %arg7: memref<3x100x128xf32, #tpu.memory_space<vmem>>, %arg8: memref<10240x128xf32, #tpu.memory_space<vmem_shared>>, %arg9: memref<3x!tpu.dma_semaphore, #tpu.memory_space<semaphore_mem>>, %arg10: memref<3x!tpu.dma_semaphore, #tpu.memory_space<semaphore_mem>>, %arg11: memref<2x!tpu.dma_semaphore, #tpu.memory_space<semaphore_mem>>) attributes {dimension_semantics = [#tpu.dimension_semantics<core_parallel>, #tpu.dimension_semantics<subcore_parallel>], iteration_bounds = array<i64: 2, 16>, scalar_prefetch = 0 : i64, scratch_operands = 6 : i64, tpu.core_type = #tpu.core_type<sc_vector_subcore>, window_params = [{transform_indices = #map}, {transform_indices = #map1}, {transform_indices = #map1}, {transform_indices = #map1}]} {
    %mul3A = arith.constant 640 : i32
    %mul3A_0 = arith.muli %arg1, %mul3A : i32
    "tpu.region"() ({
      %run_scoped3A = tpu.sem_alloc : memref<!tpu.dma_semaphore, #tpu.memory_space<semaphore_mem>>
      %dma_start3A = arith.constant 0 : i32
      %dma_start3A_72 = tpu.memref_slice %arg8[%mul3A_0, %dma_start3A] : memref<10240x128xf32, #tpu.memory_space<vmem_shared>> -> memref<640x128xf32, #tpu.memory_space<vmem_shared>>
      %dma_start3A_73 = arith.constant 0 : i32
      %dma_start3A_74 = tpu.memref_slice %arg2[%mul3A_0, %dma_start3A_73] : memref<10240x128xf32, #tpu.memory_space<hbm>> -> memref<640x128xf32, #tpu.memory_space<hbm>>
      tpu.enqueue_dma source(%dma_start3A_74 : memref<640x128xf32, #tpu.memory_space<hbm>>) target(%dma_start3A_72 : memref<640x128xf32, #tpu.memory_space<vmem_shared>>) target_semaphore(%run_scoped3A : memref<!tpu.dma_semaphore, #tpu.memory_space<semaphore_mem>>)
      %dma_wait3A_75 = arith.constant 0 : i32
      %dma_wait3A_76 = tpu.memref_slice %arg8[%mul3A_0, %dma_wait3A_75] : memref<10240x128xf32, #tpu.memory_space<vmem_shared>> -> memref<640x128xf32, #tpu.memory_space<vmem_shared>>
      %dma_wait3A_77 = arith.constant 0 : i32
      %dma_wait3A_78 = tpu.memref_slice %arg2[%mul3A_0, %dma_wait3A_77] : memref<10240x128xf32, #tpu.memory_space<hbm>> -> memref<640x128xf32, #tpu.memory_space<hbm>>
      tpu.wait_dma2 semaphore(%run_scoped3A : memref<!tpu.dma_semaphore, #tpu.memory_space<semaphore_mem>>) src(%dma_wait3A_78 : memref<640x128xf32, #tpu.memory_space<hbm>>) dst(%dma_wait3A_76 : memref<640x128xf32, #tpu.memory_space<vmem_shared>>)
      tpu.yield
    }) : () -> ()
    %barrier3A = arith.constant 0 : index
    tpu.barrier barrier_id(%barrier3A)
    %mul3A_1 = arith.constant 100 : i32
    %mul3A_2 = arith.muli %arg1, %mul3A_1 : i32
    %add3A = arith.constant 0 : i32
    %add3A_3 = arith.addi %mul3A_2, %add3A : i32
    %eq3A = arith.constant 0 : i32
    %eq3A_4 = arith.cmpi eq, %arg0, %eq3A : i32
    %convert_element_type3A = arith.extui %eq3A_4 : i1 to i32
    %cond3A = arith.constant 0 : i32
    %cond3A_5 = arith.cmpi ne, %convert_element_type3A, %cond3A : i32
    scf.if %cond3A_5 {
      %dma_start3A = arith.constant 0 : i32
      %dma_start3A_72 = arith.constant 0 : i32
      %dma_start3A_73 = arith.constant 0 : i32
      %dma_start3A_74 = arith.constant 0 : i32
      %dma_start3A_75 = arith.constant 0 : i32
      %dma_start3A_76 = arith.constant 0 : i32
      %dma_start3A_77 = tpu.memref_slice %arg6[%dma_start3A_72, %dma_start3A_73, %dma_start3A_75, %dma_start3A_76] : memref<2x2x4x100xi32, #tpu.memory_space<vmem>> -> memref<1x1x4x100xi32, #tpu.memory_space<vmem>>
      %dma_start3A_78 = tpu.memref_squeeze %dma_start3A_77 : memref<1x1x4x100xi32, #tpu.memory_space<vmem>> -> memref<4x100xi32, #tpu.memory_space<vmem>>
      %dma_start3A_79 = arith.constant 0 : i32
      %dma_start3A_80 = tpu.memref_slice %arg3[%dma_start3A, %add3A_3, %dma_start3A_79] : memref<2x1600x100xi32, #tpu.memory_space<hbm>> -> memref<1x4x100xi32, #tpu.memory_space<hbm>>
      %dma_start3A_81 = tpu.memref_squeeze %dma_start3A_80 : memref<1x4x100xi32, #tpu.memory_space<hbm>> -> memref<4x100xi32, #tpu.memory_space<hbm>>
      %dma_start3A_82 = tpu.memref_slice %arg11[%dma_start3A_74] : memref<2x!tpu.dma_semaphore, #tpu.memory_space<semaphore_mem>> -> memref<1x!tpu.dma_semaphore, #tpu.memory_space<semaphore_mem>>
      %dma_start3A_83 = tpu.memref_squeeze %dma_start3A_82 : memref<1x!tpu.dma_semaphore, #tpu.memory_space<semaphore_mem>> -> memref<!tpu.dma_semaphore, #tpu.memory_space<semaphore_mem>>
      %dma_start3A_84 = arith.constant 0 : i32
      %dma_start3A_85 = arith.constant 0 : i32
      %dma_start3A_86 = tpu.memref_slice %arg6[%dma_start3A_72, %dma_start3A_73, %dma_start3A_84, %dma_start3A_85] : memref<2x2x4x100xi32, #tpu.memory_space<vmem>> -> memref<1x1x4x100xi32, #tpu.memory_space<vmem>>
      %dma_start3A_87 = tpu.memref_squeeze %dma_start3A_86 : memref<1x1x4x100xi32, #tpu.memory_space<vmem>> -> memref<4x100xi32, #tpu.memory_space<vmem>>
      %dma_start3A_88 = arith.constant 0 : i32
      %dma_start3A_89 = tpu.memref_slice %arg3[%dma_start3A, %add3A_3, %dma_start3A_88] : memref<2x1600x100xi32, #tpu.memory_space<hbm>> -> memref<1x4x100xi32, #tpu.memory_space<hbm>>
      %dma_start3A_90 = tpu.memref_squeeze %dma_start3A_89 : memref<1x4x100xi32, #tpu.memory_space<hbm>> -> memref<4x100xi32, #tpu.memory_space<hbm>>
      tpu.enqueue_dma source(%dma_start3A_90 : memref<4x100xi32, #tpu.memory_space<hbm>>) target(%dma_start3A_87 : memref<4x100xi32, #tpu.memory_space<vmem>>) target_semaphore(%dma_start3A_83 : memref<!tpu.dma_semaphore, #tpu.memory_space<semaphore_mem>>)
      %dma_start3A_91 = arith.constant 1 : i32
      %dma_start3A_92 = arith.constant 0 : i32
      %dma_start3A_93 = arith.constant 1 : i32
      %dma_start3A_94 = arith.constant 0 : i32
      %dma_start3A_95 = arith.constant 0 : i32
      %dma_start3A_96 = arith.constant 0 : i32
      %dma_start3A_97 = tpu.memref_slice %arg6[%dma_start3A_92, %dma_start3A_93, %dma_start3A_95, %dma_start3A_96] : memref<2x2x4x100xi32, #tpu.memory_space<vmem>> -> memref<1x1x4x100xi32, #tpu.memory_space<vmem>>
      %dma_start3A_98 = tpu.memref_squeeze %dma_start3A_97 : memref<1x1x4x100xi32, #tpu.memory_space<vmem>> -> memref<4x100xi32, #tpu.memory_space<vmem>>
      %dma_start3A_99 = arith.constant 0 : i32
      %dma_start3A_100 = tpu.memref_slice %arg3[%dma_start3A_91, %add3A_3, %dma_start3A_99] : memref<2x1600x100xi32, #tpu.memory_space<hbm>> -> memref<1x4x100xi32, #tpu.memory_space<hbm>>
      %dma_start3A_101 = tpu.memref_squeeze %dma_start3A_100 : memref<1x4x100xi32, #tpu.memory_space<hbm>> -> memref<4x100xi32, #tpu.memory_space<hbm>>
      %dma_start3A_102 = tpu.memref_slice %arg11[%dma_start3A_94] : memref<2x!tpu.dma_semaphore, #tpu.memory_space<semaphore_mem>> -> memref<1x!tpu.dma_semaphore, #tpu.memory_space<semaphore_mem>>
      %dma_start3A_103 = tpu.memref_squeeze %dma_start3A_102 : memref<1x!tpu.dma_semaphore, #tpu.memory_space<semaphore_mem>> -> memref<!tpu.dma_semaphore, #tpu.memory_space<semaphore_mem>>
      %dma_start3A_104 = arith.constant 0 : i32
      %dma_start3A_105 = arith.constant 0 : i32
      %dma_start3A_106 = tpu.memref_slice %arg6[%dma_start3A_92, %dma_start3A_93, %dma_start3A_104, %dma_start3A_105] : memref<2x2x4x100xi32, #tpu.memory_space<vmem>> -> memref<1x1x4x100xi32, #tpu.memory_space<vmem>>
      %dma_start3A_107 = tpu.memref_squeeze %dma_start3A_106 : memref<1x1x4x100xi32, #tpu.memory_space<vmem>> -> memref<4x100xi32, #tpu.memory_space<vmem>>
      %dma_start3A_108 = arith.constant 0 : i32
      %dma_start3A_109 = tpu.memref_slice %arg3[%dma_start3A_91, %add3A_3, %dma_start3A_108] : memref<2x1600x100xi32, #tpu.memory_space<hbm>> -> memref<1x4x100xi32, #tpu.memory_space<hbm>>
      %dma_start3A_110 = tpu.memref_squeeze %dma_start3A_109 : memref<1x4x100xi32, #tpu.memory_space<hbm>> -> memref<4x100xi32, #tpu.memory_space<hbm>>
      tpu.enqueue_dma source(%dma_start3A_110 : memref<4x100xi32, #tpu.memory_space<hbm>>) target(%dma_start3A_107 : memref<4x100xi32, #tpu.memory_space<vmem>>) target_semaphore(%dma_start3A_103 : memref<!tpu.dma_semaphore, #tpu.memory_space<semaphore_mem>>)
    } else {
    }
    %eq3A_6 = arith.constant 1 : i32
    %eq3A_7 = arith.cmpi eq, %arg0, %eq3A_6 : i32
    %convert_element_type3A_8 = arith.extui %eq3A_7 : i1 to i32
    %cond3A_9 = arith.constant 0 : i32
    %cond3A_10 = arith.cmpi ne, %convert_element_type3A_8, %cond3A_9 : i32
    scf.if %cond3A_10 {
      %dma_start3A = arith.constant 0 : i32
      %dma_start3A_72 = arith.constant 0 : i32
      %dma_start3A_73 = arith.constant 0 : i32
      %dma_start3A_74 = arith.constant 0 : i32
      %dma_start3A_75 = arith.constant 0 : i32
      %dma_start3A_76 = arith.constant 0 : i32
      %dma_start3A_77 = tpu.memref_slice %arg6[%dma_start3A_72, %dma_start3A_73, %dma_start3A_75, %dma_start3A_76] : memref<2x2x4x100xi32, #tpu.memory_space<vmem>> -> memref<1x1x4x100xi32, #tpu.memory_space<vmem>>
      %dma_start3A_78 = tpu.memref_squeeze %dma_start3A_77 : memref<1x1x4x100xi32, #tpu.memory_space<vmem>> -> memref<4x100xi32, #tpu.memory_space<vmem>>
      %dma_start3A_79 = arith.constant 0 : i32
      %dma_start3A_80 = tpu.memref_slice %arg4[%dma_start3A, %add3A_3, %dma_start3A_79] : memref<2x1600x100xi32, #tpu.memory_space<hbm>> -> memref<1x4x100xi32, #tpu.memory_space<hbm>>
      %dma_start3A_81 = tpu.memref_squeeze %dma_start3A_80 : memref<1x4x100xi32, #tpu.memory_space<hbm>> -> memref<4x100xi32, #tpu.memory_space<hbm>>
      %dma_start3A_82 = tpu.memref_slice %arg11[%dma_start3A_74] : memref<2x!tpu.dma_semaphore, #tpu.memory_space<semaphore_mem>> -> memref<1x!tpu.dma_semaphore, #tpu.memory_space<semaphore_mem>>
      %dma_start3A_83 = tpu.memref_squeeze %dma_start3A_82 : memref<1x!tpu.dma_semaphore, #tpu.memory_space<semaphore_mem>> -> memref<!tpu.dma_semaphore, #tpu.memory_space<semaphore_mem>>
      %dma_start3A_84 = arith.constant 0 : i32
      %dma_start3A_85 = arith.constant 0 : i32
      %dma_start3A_86 = tpu.memref_slice %arg6[%dma_start3A_72, %dma_start3A_73, %dma_start3A_84, %dma_start3A_85] : memref<2x2x4x100xi32, #tpu.memory_space<vmem>> -> memref<1x1x4x100xi32, #tpu.memory_space<vmem>>
      %dma_start3A_87 = tpu.memref_squeeze %dma_start3A_86 : memref<1x1x4x100xi32, #tpu.memory_space<vmem>> -> memref<4x100xi32, #tpu.memory_space<vmem>>
      %dma_start3A_88 = arith.constant 0 : i32
      %dma_start3A_89 = tpu.memref_slice %arg4[%dma_start3A, %add3A_3, %dma_start3A_88] : memref<2x1600x100xi32, #tpu.memory_space<hbm>> -> memref<1x4x100xi32, #tpu.memory_space<hbm>>
      %dma_start3A_90 = tpu.memref_squeeze %dma_start3A_89 : memref<1x4x100xi32, #tpu.memory_space<hbm>> -> memref<4x100xi32, #tpu.memory_space<hbm>>
      tpu.enqueue_dma source(%dma_start3A_90 : memref<4x100xi32, #tpu.memory_space<hbm>>) target(%dma_start3A_87 : memref<4x100xi32, #tpu.memory_space<vmem>>) target_semaphore(%dma_start3A_83 : memref<!tpu.dma_semaphore, #tpu.memory_space<semaphore_mem>>)
      %dma_start3A_91 = arith.constant 1 : i32
      %dma_start3A_92 = arith.constant 0 : i32
      %dma_start3A_93 = arith.constant 1 : i32
      %dma_start3A_94 = arith.constant 0 : i32
      %dma_start3A_95 = arith.constant 0 : i32
      %dma_start3A_96 = arith.constant 0 : i32
      %dma_start3A_97 = tpu.memref_slice %arg6[%dma_start3A_92, %dma_start3A_93, %dma_start3A_95, %dma_start3A_96] : memref<2x2x4x100xi32, #tpu.memory_space<vmem>> -> memref<1x1x4x100xi32, #tpu.memory_space<vmem>>
      %dma_start3A_98 = tpu.memref_squeeze %dma_start3A_97 : memref<1x1x4x100xi32, #tpu.memory_space<vmem>> -> memref<4x100xi32, #tpu.memory_space<vmem>>
      %dma_start3A_99 = arith.constant 0 : i32
      %dma_start3A_100 = tpu.memref_slice %arg4[%dma_start3A_91, %add3A_3, %dma_start3A_99] : memref<2x1600x100xi32, #tpu.memory_space<hbm>> -> memref<1x4x100xi32, #tpu.memory_space<hbm>>
      %dma_start3A_101 = tpu.memref_squeeze %dma_start3A_100 : memref<1x4x100xi32, #tpu.memory_space<hbm>> -> memref<4x100xi32, #tpu.memory_space<hbm>>
      %dma_start3A_102 = tpu.memref_slice %arg11[%dma_start3A_94] : memref<2x!tpu.dma_semaphore, #tpu.memory_space<semaphore_mem>> -> memref<1x!tpu.dma_semaphore, #tpu.memory_space<semaphore_mem>>
      %dma_start3A_103 = tpu.memref_squeeze %dma_start3A_102 : memref<1x!tpu.dma_semaphore, #tpu.memory_space<semaphore_mem>> -> memref<!tpu.dma_semaphore, #tpu.memory_space<semaphore_mem>>
      %dma_start3A_104 = arith.constant 0 : i32
      %dma_start3A_105 = arith.constant 0 : i32
      %dma_start3A_106 = tpu.memref_slice %arg6[%dma_start3A_92, %dma_start3A_93, %dma_start3A_104, %dma_start3A_105] : memref<2x2x4x100xi32, #tpu.memory_space<vmem>> -> memref<1x1x4x100xi32, #tpu.memory_space<vmem>>
      %dma_start3A_107 = tpu.memref_squeeze %dma_start3A_106 : memref<1x1x4x100xi32, #tpu.memory_space<vmem>> -> memref<4x100xi32, #tpu.memory_space<vmem>>
      %dma_start3A_108 = arith.constant 0 : i32
      %dma_start3A_109 = tpu.memref_slice %arg4[%dma_start3A_91, %add3A_3, %dma_start3A_108] : memref<2x1600x100xi32, #tpu.memory_space<hbm>> -> memref<1x4x100xi32, #tpu.memory_space<hbm>>
      %dma_start3A_110 = tpu.memref_squeeze %dma_start3A_109 : memref<1x4x100xi32, #tpu.memory_space<hbm>> -> memref<4x100xi32, #tpu.memory_space<hbm>>
      tpu.enqueue_dma source(%dma_start3A_110 : memref<4x100xi32, #tpu.memory_space<hbm>>) target(%dma_start3A_107 : memref<4x100xi32, #tpu.memory_space<vmem>>) target_semaphore(%dma_start3A_103 : memref<!tpu.dma_semaphore, #tpu.memory_space<semaphore_mem>>)
    } else {
    }
    %mul3A_11 = arith.constant 100 : i32
    %mul3A_12 = arith.muli %arg1, %mul3A_11 : i32
    %add3A_13 = arith.constant 0 : i32
    %add3A_14 = arith.addi %mul3A_12, %add3A_13 : i32
    %dma_wait3A = arith.constant 0 : i32
    %dma_wait3A_15 = arith.constant 0 : i32
    %dma_wait3A_16 = arith.constant 0 : i32
    %dma_wait3A_17 = arith.constant 0 : i32
    %dma_wait3A_18 = arith.constant 0 : i32
    %dma_wait3A_19 = arith.constant 0 : i32
    %dma_wait3A_20 = tpu.memref_slice %arg6[%dma_wait3A_15, %dma_wait3A_16, %dma_wait3A_18, %dma_wait3A_19] : memref<2x2x4x100xi32, #tpu.memory_space<vmem>> -> memref<1x1x4x100xi32, #tpu.memory_space<vmem>>
    %dma_wait3A_21 = tpu.memref_squeeze %dma_wait3A_20 : memref<1x1x4x100xi32, #tpu.memory_space<vmem>> -> memref<4x100xi32, #tpu.memory_space<vmem>>
    %dma_wait3A_22 = arith.constant 0 : i32
    %dma_wait3A_23 = tpu.memref_slice %arg3[%dma_wait3A, %add3A_14, %dma_wait3A_22] : memref<2x1600x100xi32, #tpu.memory_space<hbm>> -> memref<1x4x100xi32, #tpu.memory_space<hbm>>
    %dma_wait3A_24 = tpu.memref_squeeze %dma_wait3A_23 : memref<1x4x100xi32, #tpu.memory_space<hbm>> -> memref<4x100xi32, #tpu.memory_space<hbm>>
    %dma_wait3A_25 = tpu.memref_slice %arg11[%dma_wait3A_17] : memref<2x!tpu.dma_semaphore, #tpu.memory_space<semaphore_mem>> -> memref<1x!tpu.dma_semaphore, #tpu.memory_space<semaphore_mem>>
    %dma_wait3A_26 = tpu.memref_squeeze %dma_wait3A_25 : memref<1x!tpu.dma_semaphore, #tpu.memory_space<semaphore_mem>> -> memref<!tpu.dma_semaphore, #tpu.memory_space<semaphore_mem>>
    %dma_wait3A_27 = arith.constant 0 : i32
    %dma_wait3A_28 = arith.constant 0 : i32
    %dma_wait3A_29 = tpu.memref_slice %arg6[%dma_wait3A_15, %dma_wait3A_16, %dma_wait3A_27, %dma_wait3A_28] : memref<2x2x4x100xi32, #tpu.memory_space<vmem>> -> memref<1x1x4x100xi32, #tpu.memory_space<vmem>>
    %dma_wait3A_30 = tpu.memref_squeeze %dma_wait3A_29 : memref<1x1x4x100xi32, #tpu.memory_space<vmem>> -> memref<4x100xi32, #tpu.memory_space<vmem>>
    %dma_wait3A_31 = arith.constant 0 : i32
    %dma_wait3A_32 = tpu.memref_slice %arg3[%dma_wait3A, %add3A_14, %dma_wait3A_31] : memref<2x1600x100xi32, #tpu.memory_space<hbm>> -> memref<1x4x100xi32, #tpu.memory_space<hbm>>
    %dma_wait3A_33 = tpu.memref_squeeze %dma_wait3A_32 : memref<1x4x100xi32, #tpu.memory_space<hbm>> -> memref<4x100xi32, #tpu.memory_space<hbm>>
    tpu.wait_dma2 semaphore(%dma_wait3A_26 : memref<!tpu.dma_semaphore, #tpu.memory_space<semaphore_mem>>) src(%dma_wait3A_33 : memref<4x100xi32, #tpu.memory_space<hbm>>) dst(%dma_wait3A_30 : memref<4x100xi32, #tpu.memory_space<vmem>>)
    %dma_wait3A_34 = arith.constant 1 : i32
    %dma_wait3A_35 = arith.constant 0 : i32
    %dma_wait3A_36 = arith.constant 1 : i32
    %dma_wait3A_37 = arith.constant 0 : i32
    %dma_wait3A_38 = arith.constant 0 : i32
    %dma_wait3A_39 = arith.constant 0 : i32
    %dma_wait3A_40 = tpu.memref_slice %arg6[%dma_wait3A_35, %dma_wait3A_36, %dma_wait3A_38, %dma_wait3A_39] : memref<2x2x4x100xi32, #tpu.memory_space<vmem>> -> memref<1x1x4x100xi32, #tpu.memory_space<vmem>>
    %dma_wait3A_41 = tpu.memref_squeeze %dma_wait3A_40 : memref<1x1x4x100xi32, #tpu.memory_space<vmem>> -> memref<4x100xi32, #tpu.memory_space<vmem>>
    %dma_wait3A_42 = arith.constant 0 : i32
    %dma_wait3A_43 = tpu.memref_slice %arg3[%dma_wait3A_34, %add3A_14, %dma_wait3A_42] : memref<2x1600x100xi32, #tpu.memory_space<hbm>> -> memref<1x4x100xi32, #tpu.memory_space<hbm>>
    %dma_wait3A_44 = tpu.memref_squeeze %dma_wait3A_43 : memref<1x4x100xi32, #tpu.memory_space<hbm>> -> memref<4x100xi32, #tpu.memory_space<hbm>>
    %dma_wait3A_45 = tpu.memref_slice %arg11[%dma_wait3A_37] : memref<2x!tpu.dma_semaphore, #tpu.memory_space<semaphore_mem>> -> memref<1x!tpu.dma_semaphore, #tpu.memory_space<semaphore_mem>>
    %dma_wait3A_46 = tpu.memref_squeeze %dma_wait3A_45 : memref<1x!tpu.dma_semaphore, #tpu.memory_space<semaphore_mem>> -> memref<!tpu.dma_semaphore, #tpu.memory_space<semaphore_mem>>
    %dma_wait3A_47 = arith.constant 0 : i32
    %dma_wait3A_48 = arith.constant 0 : i32
    %dma_wait3A_49 = tpu.memref_slice %arg6[%dma_wait3A_35, %dma_wait3A_36, %dma_wait3A_47, %dma_wait3A_48] : memref<2x2x4x100xi32, #tpu.memory_space<vmem>> -> memref<1x1x4x100xi32, #tpu.memory_space<vmem>>
    %dma_wait3A_50 = tpu.memref_squeeze %dma_wait3A_49 : memref<1x1x4x100xi32, #tpu.memory_space<vmem>> -> memref<4x100xi32, #tpu.memory_space<vmem>>
    %dma_wait3A_51 = arith.constant 0 : i32
    %dma_wait3A_52 = tpu.memref_slice %arg3[%dma_wait3A_34, %add3A_14, %dma_wait3A_51] : memref<2x1600x100xi32, #tpu.memory_space<hbm>> -> memref<1x4x100xi32, #tpu.memory_space<hbm>>
    %dma_wait3A_53 = tpu.memref_squeeze %dma_wait3A_52 : memref<1x4x100xi32, #tpu.memory_space<hbm>> -> memref<4x100xi32, #tpu.memory_space<hbm>>
    tpu.wait_dma2 semaphore(%dma_wait3A_46 : memref<!tpu.dma_semaphore, #tpu.memory_space<semaphore_mem>>) src(%dma_wait3A_53 : memref<4x100xi32, #tpu.memory_space<hbm>>) dst(%dma_wait3A_50 : memref<4x100xi32, #tpu.memory_space<vmem>>)
    %scan3A = arith.constant 0 : i32
    %scan3A_54 = arith.constant 0 : i32
    %scan3A_55 = arith.constant 2 : i32
    %scan3A_56 = arith.addi %scan3A_54, %scan3A_55 : i32
    %scan3A_57 = arith.constant 1 : i32
    scf.for %scan3A_72 = %scan3A_54 to %scan3A_56 step %scan3A_57  : i32 {
      %dma_start3A = arith.constant 0 : i32
      %dma_start3A_73 = arith.constant 0 : i32
      %dma_start3A_74 = arith.constant 0 : i32
      %dma_start3A_75 = arith.constant 0 : i32
      %dma_start3A_76 = tpu.memref_slice %arg7[%scan3A_72, %dma_start3A_74, %dma_start3A_75] : memref<3x100x128xf32, #tpu.memory_space<vmem>> -> memref<1x100x128xf32, #tpu.memory_space<vmem>>
      %dma_start3A_77 = tpu.memref_squeeze %dma_start3A_76 : memref<1x100x128xf32, #tpu.memory_space<vmem>> -> memref<100x128xf32, #tpu.memory_space<vmem>>
      %dma_start3A_78 = arith.constant 0 : i32
      %dma_start3A_79 = tpu.memref_slice %arg6[%dma_start3A, %dma_start3A_73, %scan3A_72, %dma_start3A_78] : memref<2x2x4x100xi32, #tpu.memory_space<vmem>> -> memref<1x1x1x100xi32, #tpu.memory_space<vmem>>
      %dma_start3A_80 = tpu.memref_squeeze %dma_start3A_79 : memref<1x1x1x100xi32, #tpu.memory_space<vmem>> -> memref<100xi32, #tpu.memory_space<vmem>>
      %dma_start3A_81 = arith.constant 0 : i32
      %dma_start3A_82 = arith.constant 0 : i32
      %dma_start3A_83 = tpu.memref_slice %arg2[%dma_start3A_81, %dma_start3A_82] : memref<10240x128xf32, #tpu.memory_space<hbm>> -> memref<10240x128xf32, #tpu.memory_space<hbm>>
      %dma_start3A_84 = tpu.memref_slice %arg9[%scan3A_72] : memref<3x!tpu.dma_semaphore, #tpu.memory_space<semaphore_mem>> -> memref<1x!tpu.dma_semaphore, #tpu.memory_space<semaphore_mem>>
      %dma_start3A_85 = tpu.memref_squeeze %dma_start3A_84 : memref<1x!tpu.dma_semaphore, #tpu.memory_space<semaphore_mem>> -> memref<!tpu.dma_semaphore, #tpu.memory_space<semaphore_mem>>
      tpu.enqueue_indirect_dma source(%dma_start3A_83 : memref<10240x128xf32, #tpu.memory_space<hbm>>) target(%dma_start3A_77 : memref<100x128xf32, #tpu.memory_space<vmem>>) offsets(%dma_start3A_80 : memref<100xi32, #tpu.memory_space<vmem>>) semaphore(%dma_start3A_85 : memref<!tpu.dma_semaphore, #tpu.memory_space<semaphore_mem>>)
    }
    %scan3A_58 = arith.constant 2 : i32
    %scan3A_59 = arith.constant 0 : i32
    %scan3A_60 = arith.constant 0 : i32
    %scan3A_61 = arith.constant 100 : i32
    %scan3A_62 = arith.addi %scan3A_60, %scan3A_61 : i32
    %scan3A_63 = arith.constant 1 : i32
    scf.for %scan3A_72 = %scan3A_60 to %scan3A_62 step %scan3A_63  : i32 {
      %rem3A = arith.constant 3 : i32
      %rem3A_73 = arith.remsi %scan3A_72, %rem3A : i32
      %div3A = arith.constant 4 : i32
      %div3A_74 = arith.divsi %scan3A_72, %div3A : i32
      %rem3A_75 = arith.constant 2 : i32
      %rem3A_76 = arith.remsi %div3A_74, %rem3A_75 : i32
      %rem3A_77 = arith.constant 4 : i32
      %rem3A_78 = arith.remsi %scan3A_72, %rem3A_77 : i32
      %dma_wait3A_79 = arith.constant 0 : i32
      %dma_wait3A_80 = arith.constant 0 : i32
      %dma_wait3A_81 = arith.constant 0 : i32
      %dma_wait3A_82 = tpu.memref_slice %arg7[%rem3A_73, %dma_wait3A_80, %dma_wait3A_81] : memref<3x100x128xf32, #tpu.memory_space<vmem>> -> memref<1x100x128xf32, #tpu.memory_space<vmem>>
      %dma_wait3A_83 = tpu.memref_squeeze %dma_wait3A_82 : memref<1x100x128xf32, #tpu.memory_space<vmem>> -> memref<100x128xf32, #tpu.memory_space<vmem>>
      %dma_wait3A_84 = arith.constant 0 : i32
      %dma_wait3A_85 = tpu.memref_slice %arg6[%rem3A_76, %dma_wait3A_79, %rem3A_78, %dma_wait3A_84] : memref<2x2x4x100xi32, #tpu.memory_space<vmem>> -> memref<1x1x1x100xi32, #tpu.memory_space<vmem>>
      %dma_wait3A_86 = tpu.memref_squeeze %dma_wait3A_85 : memref<1x1x1x100xi32, #tpu.memory_space<vmem>> -> memref<100xi32, #tpu.memory_space<vmem>>
      %dma_wait3A_87 = arith.constant 0 : i32
      %dma_wait3A_88 = arith.constant 0 : i32
      %dma_wait3A_89 = tpu.memref_slice %arg2[%dma_wait3A_87, %dma_wait3A_88] : memref<10240x128xf32, #tpu.memory_space<hbm>> -> memref<10240x128xf32, #tpu.memory_space<hbm>>
      %dma_wait3A_90 = tpu.memref_slice %arg9[%rem3A_73] : memref<3x!tpu.dma_semaphore, #tpu.memory_space<semaphore_mem>> -> memref<1x!tpu.dma_semaphore, #tpu.memory_space<semaphore_mem>>
      %dma_wait3A_91 = tpu.memref_squeeze %dma_wait3A_90 : memref<1x!tpu.dma_semaphore, #tpu.memory_space<semaphore_mem>> -> memref<!tpu.dma_semaphore, #tpu.memory_space<semaphore_mem>>
      tpu.wait_indirect_dma semaphore(%dma_wait3A_91 : memref<!tpu.dma_semaphore, #tpu.memory_space<semaphore_mem>>) src(%dma_wait3A_89 : memref<10240x128xf32, #tpu.memory_space<hbm>>) dst(%dma_wait3A_83 : memref<100x128xf32, #tpu.memory_space<vmem>>)
      %dma_start3A = arith.constant 1 : i32
      %dma_start3A_92 = arith.constant 0 : i32
      %dma_start3A_93 = arith.constant 0 : i32
      %dma_start3A_94 = tpu.memref_slice %arg7[%rem3A_73, %dma_start3A_92, %dma_start3A_93] : memref<3x100x128xf32, #tpu.memory_space<vmem>> -> memref<1x100x128xf32, #tpu.memory_space<vmem>>
      %dma_start3A_95 = tpu.memref_squeeze %dma_start3A_94 : memref<1x100x128xf32, #tpu.memory_space<vmem>> -> memref<100x128xf32, #tpu.memory_space<vmem>>
      %dma_start3A_96 = arith.constant 0 : i32
      %dma_start3A_97 = tpu.memref_slice %arg6[%rem3A_76, %dma_start3A, %rem3A_78, %dma_start3A_96] : memref<2x2x4x100xi32, #tpu.memory_space<vmem>> -> memref<1x1x1x100xi32, #tpu.memory_space<vmem>>
      %dma_start3A_98 = tpu.memref_squeeze %dma_start3A_97 : memref<1x1x1x100xi32, #tpu.memory_space<vmem>> -> memref<100xi32, #tpu.memory_space<vmem>>
      %dma_start3A_99 = arith.constant 0 : i32
      %dma_start3A_100 = arith.constant 0 : i32
      %dma_start3A_101 = tpu.memref_slice %arg8[%dma_start3A_99, %dma_start3A_100] : memref<10240x128xf32, #tpu.memory_space<vmem_shared>> -> memref<10240x128xf32, #tpu.memory_space<vmem_shared>>
      %dma_start3A_102 = tpu.memref_slice %arg10[%rem3A_73] : memref<3x!tpu.dma_semaphore, #tpu.memory_space<semaphore_mem>> -> memref<1x!tpu.dma_semaphore, #tpu.memory_space<semaphore_mem>>
      %dma_start3A_103 = tpu.memref_squeeze %dma_start3A_102 : memref<1x!tpu.dma_semaphore, #tpu.memory_space<semaphore_mem>> -> memref<!tpu.dma_semaphore, #tpu.memory_space<semaphore_mem>>
      tpu.enqueue_indirect_dma source(%dma_start3A_95 : memref<100x128xf32, #tpu.memory_space<vmem>>) target(%dma_start3A_101 : memref<10240x128xf32, #tpu.memory_space<vmem_shared>>) offsets(%dma_start3A_98 : memref<100xi32, #tpu.memory_space<vmem>>) semaphore(%dma_start3A_103 : memref<!tpu.dma_semaphore, #tpu.memory_space<semaphore_mem>>) {add = true}
      %add3A_104 = arith.constant 2 : i32
      %add3A_105 = arith.addi %scan3A_72, %add3A_104 : i32
      %lt3A = arith.constant 100 : i32
      %lt3A_106 = arith.cmpi slt, %add3A_105, %lt3A : i32
      %convert_element_type3A_107 = arith.extui %lt3A_106 : i1 to i32
      %cond3A_108 = arith.constant 0 : i32
      %cond3A_109 = arith.cmpi ne, %convert_element_type3A_107, %cond3A_108 : i32
      scf.if %cond3A_109 {
        %rem3A_119 = arith.constant 3 : i32
        %rem3A_120 = arith.remsi %add3A_105, %rem3A_119 : i32
        %div3A_121 = arith.constant 4 : i32
        %div3A_122 = arith.divsi %add3A_105, %div3A_121 : i32
        %rem3A_123 = arith.constant 2 : i32
        %rem3A_124 = arith.remsi %div3A_122, %rem3A_123 : i32
        %rem3A_125 = arith.constant 4 : i32
        %rem3A_126 = arith.remsi %add3A_105, %rem3A_125 : i32
        %ge3A = arith.constant 3 : i32
        %ge3A_127 = arith.cmpi sge, %add3A_105, %ge3A : i32
        %convert_element_type3A_128 = arith.extui %ge3A_127 : i1 to i32
        %cond3A_129 = arith.constant 0 : i32
        %cond3A_130 = arith.cmpi ne, %convert_element_type3A_128, %cond3A_129 : i32
        scf.if %cond3A_130 {
          %sub3A = arith.constant 3 : i32
          %sub3A_149 = arith.subi %add3A_105, %sub3A : i32
          %div3A_150 = arith.constant 4 : i32
          %div3A_151 = arith.divsi %sub3A_149, %div3A_150 : i32
          %rem3A_152 = arith.constant 2 : i32
          %rem3A_153 = arith.remsi %div3A_151, %rem3A_152 : i32
          %rem3A_154 = arith.constant 4 : i32
          %rem3A_155 = arith.remsi %sub3A_149, %rem3A_154 : i32
          %dma_wait3A_156 = arith.constant 1 : i32
          %dma_wait3A_157 = arith.constant 0 : i32
          %dma_wait3A_158 = arith.constant 0 : i32
          %dma_wait3A_159 = tpu.memref_slice %arg7[%rem3A_120, %dma_wait3A_157, %dma_wait3A_158] : memref<3x100x128xf32, #tpu.memory_space<vmem>> -> memref<1x100x128xf32, #tpu.memory_space<vmem>>
          %dma_wait3A_160 = tpu.memref_squeeze %dma_wait3A_159 : memref<1x100x128xf32, #tpu.memory_space<vmem>> -> memref<100x128xf32, #tpu.memory_space<vmem>>
          %dma_wait3A_161 = arith.constant 0 : i32
          %dma_wait3A_162 = tpu.memref_slice %arg6[%rem3A_153, %dma_wait3A_156, %rem3A_155, %dma_wait3A_161] : memref<2x2x4x100xi32, #tpu.memory_space<vmem>> -> memref<1x1x1x100xi32, #tpu.memory_space<vmem>>
          %dma_wait3A_163 = tpu.memref_squeeze %dma_wait3A_162 : memref<1x1x1x100xi32, #tpu.memory_space<vmem>> -> memref<100xi32, #tpu.memory_space<vmem>>
          %dma_wait3A_164 = arith.constant 0 : i32
          %dma_wait3A_165 = arith.constant 0 : i32
          %dma_wait3A_166 = tpu.memref_slice %arg8[%dma_wait3A_164, %dma_wait3A_165] : memref<10240x128xf32, #tpu.memory_space<vmem_shared>> -> memref<10240x128xf32, #tpu.memory_space<vmem_shared>>
          %dma_wait3A_167 = tpu.memref_slice %arg10[%rem3A_120] : memref<3x!tpu.dma_semaphore, #tpu.memory_space<semaphore_mem>> -> memref<1x!tpu.dma_semaphore, #tpu.memory_space<semaphore_mem>>
          %dma_wait3A_168 = tpu.memref_squeeze %dma_wait3A_167 : memref<1x!tpu.dma_semaphore, #tpu.memory_space<semaphore_mem>> -> memref<!tpu.dma_semaphore, #tpu.memory_space<semaphore_mem>>
          tpu.wait_indirect_dma semaphore(%dma_wait3A_168 : memref<!tpu.dma_semaphore, #tpu.memory_space<semaphore_mem>>) src(%dma_wait3A_160 : memref<100x128xf32, #tpu.memory_space<vmem>>) dst(%dma_wait3A_166 : memref<10240x128xf32, #tpu.memory_space<vmem_shared>>)
        } else {
        }
        %eq3A_131 = arith.constant 0 : i32
        %eq3A_132 = arith.cmpi eq, %rem3A_126, %eq3A_131 : i32
        %convert_element_type3A_133 = arith.extui %eq3A_132 : i1 to i32
        %cond3A_134 = arith.constant 0 : i32
        %cond3A_135 = arith.cmpi ne, %convert_element_type3A_133, %cond3A_134 : i32
        scf.if %cond3A_135 {
          %mul3A_149 = arith.constant 100 : i32
          %mul3A_150 = arith.muli %arg1, %mul3A_149 : i32
          %mul3A_151 = arith.constant 4 : i32
          %mul3A_152 = arith.muli %div3A_122, %mul3A_151 : i32
          %add3A_153 = arith.addi %mul3A_150, %mul3A_152 : i32
          %dma_wait3A_154 = arith.constant 0 : i32
          %dma_wait3A_155 = arith.constant 0 : i32
          %dma_wait3A_156 = arith.constant 0 : i32
          %dma_wait3A_157 = arith.constant 0 : i32
          %dma_wait3A_158 = tpu.memref_slice %arg6[%rem3A_124, %dma_wait3A_155, %dma_wait3A_156, %dma_wait3A_157] : memref<2x2x4x100xi32, #tpu.memory_space<vmem>> -> memref<1x1x4x100xi32, #tpu.memory_space<vmem>>
          %dma_wait3A_159 = tpu.memref_squeeze %dma_wait3A_158 : memref<1x1x4x100xi32, #tpu.memory_space<vmem>> -> memref<4x100xi32, #tpu.memory_space<vmem>>
          %dma_wait3A_160 = arith.constant 0 : i32
          %dma_wait3A_161 = tpu.memref_slice %arg3[%dma_wait3A_154, %add3A_153, %dma_wait3A_160] : memref<2x1600x100xi32, #tpu.memory_space<hbm>> -> memref<1x4x100xi32, #tpu.memory_space<hbm>>
          %dma_wait3A_162 = tpu.memref_squeeze %dma_wait3A_161 : memref<1x4x100xi32, #tpu.memory_space<hbm>> -> memref<4x100xi32, #tpu.memory_space<hbm>>
          %dma_wait3A_163 = tpu.memref_slice %arg11[%rem3A_124] : memref<2x!tpu.dma_semaphore, #tpu.memory_space<semaphore_mem>> -> memref<1x!tpu.dma_semaphore, #tpu.memory_space<semaphore_mem>>
          %dma_wait3A_164 = tpu.memref_squeeze %dma_wait3A_163 : memref<1x!tpu.dma_semaphore, #tpu.memory_space<semaphore_mem>> -> memref<!tpu.dma_semaphore, #tpu.memory_space<semaphore_mem>>
          %dma_wait3A_165 = arith.constant 0 : i32
          %dma_wait3A_166 = arith.constant 0 : i32
          %dma_wait3A_167 = tpu.memref_slice %arg6[%rem3A_124, %dma_wait3A_155, %dma_wait3A_165, %dma_wait3A_166] : memref<2x2x4x100xi32, #tpu.memory_space<vmem>> -> memref<1x1x4x100xi32, #tpu.memory_space<vmem>>
          %dma_wait3A_168 = tpu.memref_squeeze %dma_wait3A_167 : memref<1x1x4x100xi32, #tpu.memory_space<vmem>> -> memref<4x100xi32, #tpu.memory_space<vmem>>
          %dma_wait3A_169 = arith.constant 0 : i32
          %dma_wait3A_170 = tpu.memref_slice %arg3[%dma_wait3A_154, %add3A_153, %dma_wait3A_169] : memref<2x1600x100xi32, #tpu.memory_space<hbm>> -> memref<1x4x100xi32, #tpu.memory_space<hbm>>
          %dma_wait3A_171 = tpu.memref_squeeze %dma_wait3A_170 : memref<1x4x100xi32, #tpu.memory_space<hbm>> -> memref<4x100xi32, #tpu.memory_space<hbm>>
          tpu.wait_dma2 semaphore(%dma_wait3A_164 : memref<!tpu.dma_semaphore, #tpu.memory_space<semaphore_mem>>) src(%dma_wait3A_171 : memref<4x100xi32, #tpu.memory_space<hbm>>) dst(%dma_wait3A_168 : memref<4x100xi32, #tpu.memory_space<vmem>>)
          %dma_wait3A_172 = arith.constant 1 : i32
          %dma_wait3A_173 = arith.constant 1 : i32
          %dma_wait3A_174 = arith.constant 0 : i32
          %dma_wait3A_175 = arith.constant 0 : i32
          %dma_wait3A_176 = tpu.memref_slice %arg6[%rem3A_124, %dma_wait3A_173, %dma_wait3A_174, %dma_wait3A_175] : memref<2x2x4x100xi32, #tpu.memory_space<vmem>> -> memref<1x1x4x100xi32, #tpu.memory_space<vmem>>
          %dma_wait3A_177 = tpu.memref_squeeze %dma_wait3A_176 : memref<1x1x4x100xi32, #tpu.memory_space<vmem>> -> memref<4x100xi32, #tpu.memory_space<vmem>>
          %dma_wait3A_178 = arith.constant 0 : i32
          %dma_wait3A_179 = tpu.memref_slice %arg3[%dma_wait3A_172, %add3A_153, %dma_wait3A_178] : memref<2x1600x100xi32, #tpu.memory_space<hbm>> -> memref<1x4x100xi32, #tpu.memory_space<hbm>>
          %dma_wait3A_180 = tpu.memref_squeeze %dma_wait3A_179 : memref<1x4x100xi32, #tpu.memory_space<hbm>> -> memref<4x100xi32, #tpu.memory_space<hbm>>
          %dma_wait3A_181 = tpu.memref_slice %arg11[%rem3A_124] : memref<2x!tpu.dma_semaphore, #tpu.memory_space<semaphore_mem>> -> memref<1x!tpu.dma_semaphore, #tpu.memory_space<semaphore_mem>>
          %dma_wait3A_182 = tpu.memref_squeeze %dma_wait3A_181 : memref<1x!tpu.dma_semaphore, #tpu.memory_space<semaphore_mem>> -> memref<!tpu.dma_semaphore, #tpu.memory_space<semaphore_mem>>
          %dma_wait3A_183 = arith.constant 0 : i32
          %dma_wait3A_184 = arith.constant 0 : i32
          %dma_wait3A_185 = tpu.memref_slice %arg6[%rem3A_124, %dma_wait3A_173, %dma_wait3A_183, %dma_wait3A_184] : memref<2x2x4x100xi32, #tpu.memory_space<vmem>> -> memref<1x1x4x100xi32, #tpu.memory_space<vmem>>
          %dma_wait3A_186 = tpu.memref_squeeze %dma_wait3A_185 : memref<1x1x4x100xi32, #tpu.memory_space<vmem>> -> memref<4x100xi32, #tpu.memory_space<vmem>>
          %dma_wait3A_187 = arith.constant 0 : i32
          %dma_wait3A_188 = tpu.memref_slice %arg3[%dma_wait3A_172, %add3A_153, %dma_wait3A_187] : memref<2x1600x100xi32, #tpu.memory_space<hbm>> -> memref<1x4x100xi32, #tpu.memory_space<hbm>>
          %dma_wait3A_189 = tpu.memref_squeeze %dma_wait3A_188 : memref<1x4x100xi32, #tpu.memory_space<hbm>> -> memref<4x100xi32, #tpu.memory_space<hbm>>
          tpu.wait_dma2 semaphore(%dma_wait3A_182 : memref<!tpu.dma_semaphore, #tpu.memory_space<semaphore_mem>>) src(%dma_wait3A_189 : memref<4x100xi32, #tpu.memory_space<hbm>>) dst(%dma_wait3A_186 : memref<4x100xi32, #tpu.memory_space<vmem>>)
        } else {
        }
        %dma_start3A_136 = arith.constant 0 : i32
        %dma_start3A_137 = arith.constant 0 : i32
        %dma_start3A_138 = arith.constant 0 : i32
        %dma_start3A_139 = tpu.memref_slice %arg7[%rem3A_120, %dma_start3A_137, %dma_start3A_138] : memref<3x100x128xf32, #tpu.memory_space<vmem>> -> memref<1x100x128xf32, #tpu.memory_space<vmem>>
        %dma_start3A_140 = tpu.memref_squeeze %dma_start3A_139 : memref<1x100x128xf32, #tpu.memory_space<vmem>> -> memref<100x128xf32, #tpu.memory_space<vmem>>
        %dma_start3A_141 = arith.constant 0 : i32
        %dma_start3A_142 = tpu.memref_slice %arg6[%rem3A_124, %dma_start3A_136, %rem3A_126, %dma_start3A_141] : memref<2x2x4x100xi32, #tpu.memory_space<vmem>> -> memref<1x1x1x100xi32, #tpu.memory_space<vmem>>
        %dma_start3A_143 = tpu.memref_squeeze %dma_start3A_142 : memref<1x1x1x100xi32, #tpu.memory_space<vmem>> -> memref<100xi32, #tpu.memory_space<vmem>>
        %dma_start3A_144 = arith.constant 0 : i32
        %dma_start3A_145 = arith.constant 0 : i32
        %dma_start3A_146 = tpu.memref_slice %arg2[%dma_start3A_144, %dma_start3A_145] : memref<10240x128xf32, #tpu.memory_space<hbm>> -> memref<10240x128xf32, #tpu.memory_space<hbm>>
        %dma_start3A_147 = tpu.memref_slice %arg9[%rem3A_120] : memref<3x!tpu.dma_semaphore, #tpu.memory_space<semaphore_mem>> -> memref<1x!tpu.dma_semaphore, #tpu.memory_space<semaphore_mem>>
        %dma_start3A_148 = tpu.memref_squeeze %dma_start3A_147 : memref<1x!tpu.dma_semaphore, #tpu.memory_space<semaphore_mem>> -> memref<!tpu.dma_semaphore, #tpu.memory_space<semaphore_mem>>
        tpu.enqueue_indirect_dma source(%dma_start3A_146 : memref<10240x128xf32, #tpu.memory_space<hbm>>) target(%dma_start3A_140 : memref<100x128xf32, #tpu.memory_space<vmem>>) offsets(%dma_start3A_143 : memref<100xi32, #tpu.memory_space<vmem>>) semaphore(%dma_start3A_148 : memref<!tpu.dma_semaphore, #tpu.memory_space<semaphore_mem>>)
      } else {
      }
      %eq3A_110 = arith.constant 0 : i32
      %eq3A_111 = arith.cmpi eq, %rem3A_78, %eq3A_110 : i32
      %add3A_112 = arith.constant 4 : i32
      %add3A_113 = arith.addi %scan3A_72, %add3A_112 : i32
      %lt3A_114 = arith.constant 100 : i32
      %lt3A_115 = arith.cmpi slt, %add3A_113, %lt3A_114 : i32
      %and3A = arith.andi %eq3A_111, %lt3A_115 : i1
      %convert_element_type3A_116 = arith.extui %and3A : i1 to i32
      %cond3A_117 = arith.constant 0 : i32
      %cond3A_118 = arith.cmpi ne, %convert_element_type3A_116, %cond3A_117 : i32
      scf.if %cond3A_118 {
        %add3A_119 = arith.constant 1 : i32
        %add3A_120 = arith.addi %div3A_74, %add3A_119 : i32
        %add3A_121 = arith.constant 1 : i32
        %add3A_122 = arith.addi %div3A_74, %add3A_121 : i32
        %rem3A_123 = arith.constant 2 : i32
        %rem3A_124 = arith.remsi %add3A_122, %rem3A_123 : i32
        %mul3A_125 = arith.constant 100 : i32
        %mul3A_126 = arith.muli %arg1, %mul3A_125 : i32
        %mul3A_127 = arith.constant 4 : i32
        %mul3A_128 = arith.muli %add3A_120, %mul3A_127 : i32
        %add3A_129 = arith.addi %mul3A_126, %mul3A_128 : i32
        %eq3A_130 = arith.constant 0 : i32
        %eq3A_131 = arith.cmpi eq, %arg0, %eq3A_130 : i32
        %convert_element_type3A_132 = arith.extui %eq3A_131 : i1 to i32
        %cond3A_133 = arith.constant 0 : i32
        %cond3A_134 = arith.cmpi ne, %convert_element_type3A_132, %cond3A_133 : i32
        scf.if %cond3A_134 {
          %dma_start3A_140 = arith.constant 0 : i32
          %dma_start3A_141 = arith.constant 0 : i32
          %dma_start3A_142 = arith.constant 0 : i32
          %dma_start3A_143 = arith.constant 0 : i32
          %dma_start3A_144 = tpu.memref_slice %arg6[%rem3A_124, %dma_start3A_141, %dma_start3A_142, %dma_start3A_143] : memref<2x2x4x100xi32, #tpu.memory_space<vmem>> -> memref<1x1x4x100xi32, #tpu.memory_space<vmem>>
          %dma_start3A_145 = tpu.memref_squeeze %dma_start3A_144 : memref<1x1x4x100xi32, #tpu.memory_space<vmem>> -> memref<4x100xi32, #tpu.memory_space<vmem>>
          %dma_start3A_146 = arith.constant 0 : i32
          %dma_start3A_147 = tpu.memref_slice %arg3[%dma_start3A_140, %add3A_129, %dma_start3A_146] : memref<2x1600x100xi32, #tpu.memory_space<hbm>> -> memref<1x4x100xi32, #tpu.memory_space<hbm>>
          %dma_start3A_148 = tpu.memref_squeeze %dma_start3A_147 : memref<1x4x100xi32, #tpu.memory_space<hbm>> -> memref<4x100xi32, #tpu.memory_space<hbm>>
          %dma_start3A_149 = tpu.memref_slice %arg11[%rem3A_124] : memref<2x!tpu.dma_semaphore, #tpu.memory_space<semaphore_mem>> -> memref<1x!tpu.dma_semaphore, #tpu.memory_space<semaphore_mem>>
          %dma_start3A_150 = tpu.memref_squeeze %dma_start3A_149 : memref<1x!tpu.dma_semaphore, #tpu.memory_space<semaphore_mem>> -> memref<!tpu.dma_semaphore, #tpu.memory_space<semaphore_mem>>
          %dma_start3A_151 = arith.constant 0 : i32
          %dma_start3A_152 = arith.constant 0 : i32
          %dma_start3A_153 = tpu.memref_slice %arg6[%rem3A_124, %dma_start3A_141, %dma_start3A_151, %dma_start3A_152] : memref<2x2x4x100xi32, #tpu.memory_space<vmem>> -> memref<1x1x4x100xi32, #tpu.memory_space<vmem>>
          %dma_start3A_154 = tpu.memref_squeeze %dma_start3A_153 : memref<1x1x4x100xi32, #tpu.memory_space<vmem>> -> memref<4x100xi32, #tpu.memory_space<vmem>>
          %dma_start3A_155 = arith.constant 0 : i32
          %dma_start3A_156 = tpu.memref_slice %arg3[%dma_start3A_140, %add3A_129, %dma_start3A_155] : memref<2x1600x100xi32, #tpu.memory_space<hbm>> -> memref<1x4x100xi32, #tpu.memory_space<hbm>>
          %dma_start3A_157 = tpu.memref_squeeze %dma_start3A_156 : memref<1x4x100xi32, #tpu.memory_space<hbm>> -> memref<4x100xi32, #tpu.memory_space<hbm>>
          tpu.enqueue_dma source(%dma_start3A_157 : memref<4x100xi32, #tpu.memory_space<hbm>>) target(%dma_start3A_154 : memref<4x100xi32, #tpu.memory_space<vmem>>) target_semaphore(%dma_start3A_150 : memref<!tpu.dma_semaphore, #tpu.memory_space<semaphore_mem>>)
          %dma_start3A_158 = arith.constant 1 : i32
          %dma_start3A_159 = arith.constant 1 : i32
          %dma_start3A_160 = arith.constant 0 : i32
          %dma_start3A_161 = arith.constant 0 : i32
          %dma_start3A_162 = tpu.memref_slice %arg6[%rem3A_124, %dma_start3A_159, %dma_start3A_160, %dma_start3A_161] : memref<2x2x4x100xi32, #tpu.memory_space<vmem>> -> memref<1x1x4x100xi32, #tpu.memory_space<vmem>>
          %dma_start3A_163 = tpu.memref_squeeze %dma_start3A_162 : memref<1x1x4x100xi32, #tpu.memory_space<vmem>> -> memref<4x100xi32, #tpu.memory_space<vmem>>
          %dma_start3A_164 = arith.constant 0 : i32
          %dma_start3A_165 = tpu.memref_slice %arg3[%dma_start3A_158, %add3A_129, %dma_start3A_164] : memref<2x1600x100xi32, #tpu.memory_space<hbm>> -> memref<1x4x100xi32, #tpu.memory_space<hbm>>
          %dma_start3A_166 = tpu.memref_squeeze %dma_start3A_165 : memref<1x4x100xi32, #tpu.memory_space<hbm>> -> memref<4x100xi32, #tpu.memory_space<hbm>>
          %dma_start3A_167 = tpu.memref_slice %arg11[%rem3A_124] : memref<2x!tpu.dma_semaphore, #tpu.memory_space<semaphore_mem>> -> memref<1x!tpu.dma_semaphore, #tpu.memory_space<semaphore_mem>>
          %dma_start3A_168 = tpu.memref_squeeze %dma_start3A_167 : memref<1x!tpu.dma_semaphore, #tpu.memory_space<semaphore_mem>> -> memref<!tpu.dma_semaphore, #tpu.memory_space<semaphore_mem>>
          %dma_start3A_169 = arith.constant 0 : i32
          %dma_start3A_170 = arith.constant 0 : i32
          %dma_start3A_171 = tpu.memref_slice %arg6[%rem3A_124, %dma_start3A_159, %dma_start3A_169, %dma_start3A_170] : memref<2x2x4x100xi32, #tpu.memory_space<vmem>> -> memref<1x1x4x100xi32, #tpu.memory_space<vmem>>
          %dma_start3A_172 = tpu.memref_squeeze %dma_start3A_171 : memref<1x1x4x100xi32, #tpu.memory_space<vmem>> -> memref<4x100xi32, #tpu.memory_space<vmem>>
          %dma_start3A_173 = arith.constant 0 : i32
          %dma_start3A_174 = tpu.memref_slice %arg3[%dma_start3A_158, %add3A_129, %dma_start3A_173] : memref<2x1600x100xi32, #tpu.memory_space<hbm>> -> memref<1x4x100xi32, #tpu.memory_space<hbm>>
          %dma_start3A_175 = tpu.memref_squeeze %dma_start3A_174 : memref<1x4x100xi32, #tpu.memory_space<hbm>> -> memref<4x100xi32, #tpu.memory_space<hbm>>
          tpu.enqueue_dma source(%dma_start3A_175 : memref<4x100xi32, #tpu.memory_space<hbm>>) target(%dma_start3A_172 : memref<4x100xi32, #tpu.memory_space<vmem>>) target_semaphore(%dma_start3A_168 : memref<!tpu.dma_semaphore, #tpu.memory_space<semaphore_mem>>)
        } else {
        }
        %eq3A_135 = arith.constant 1 : i32
        %eq3A_136 = arith.cmpi eq, %arg0, %eq3A_135 : i32
        %convert_element_type3A_137 = arith.extui %eq3A_136 : i1 to i32
        %cond3A_138 = arith.constant 0 : i32
        %cond3A_139 = arith.cmpi ne, %convert_element_type3A_137, %cond3A_138 : i32
        scf.if %cond3A_139 {
          %dma_start3A_140 = arith.constant 0 : i32
          %dma_start3A_141 = arith.constant 0 : i32
          %dma_start3A_142 = arith.constant 0 : i32
          %dma_start3A_143 = arith.constant 0 : i32
          %dma_start3A_144 = tpu.memref_slice %arg6[%rem3A_124, %dma_start3A_141, %dma_start3A_142, %dma_start3A_143] : memref<2x2x4x100xi32, #tpu.memory_space<vmem>> -> memref<1x1x4x100xi32, #tpu.memory_space<vmem>>
          %dma_start3A_145 = tpu.memref_squeeze %dma_start3A_144 : memref<1x1x4x100xi32, #tpu.memory_space<vmem>> -> memref<4x100xi32, #tpu.memory_space<vmem>>
          %dma_start3A_146 = arith.constant 0 : i32
          %dma_start3A_147 = tpu.memref_slice %arg4[%dma_start3A_140, %add3A_129, %dma_start3A_146] : memref<2x1600x100xi32, #tpu.memory_space<hbm>> -> memref<1x4x100xi32, #tpu.memory_space<hbm>>
          %dma_start3A_148 = tpu.memref_squeeze %dma_start3A_147 : memref<1x4x100xi32, #tpu.memory_space<hbm>> -> memref<4x100xi32, #tpu.memory_space<hbm>>
          %dma_start3A_149 = tpu.memref_slice %arg11[%rem3A_124] : memref<2x!tpu.dma_semaphore, #tpu.memory_space<semaphore_mem>> -> memref<1x!tpu.dma_semaphore, #tpu.memory_space<semaphore_mem>>
          %dma_start3A_150 = tpu.memref_squeeze %dma_start3A_149 : memref<1x!tpu.dma_semaphore, #tpu.memory_space<semaphore_mem>> -> memref<!tpu.dma_semaphore, #tpu.memory_space<semaphore_mem>>
          %dma_start3A_151 = arith.constant 0 : i32
          %dma_start3A_152 = arith.constant 0 : i32
          %dma_start3A_153 = tpu.memref_slice %arg6[%rem3A_124, %dma_start3A_141, %dma_start3A_151, %dma_start3A_152] : memref<2x2x4x100xi32, #tpu.memory_space<vmem>> -> memref<1x1x4x100xi32, #tpu.memory_space<vmem>>
          %dma_start3A_154 = tpu.memref_squeeze %dma_start3A_153 : memref<1x1x4x100xi32, #tpu.memory_space<vmem>> -> memref<4x100xi32, #tpu.memory_space<vmem>>
          %dma_start3A_155 = arith.constant 0 : i32
          %dma_start3A_156 = tpu.memref_slice %arg4[%dma_start3A_140, %add3A_129, %dma_start3A_155] : memref<2x1600x100xi32, #tpu.memory_space<hbm>> -> memref<1x4x100xi32, #tpu.memory_space<hbm>>
          %dma_start3A_157 = tpu.memref_squeeze %dma_start3A_156 : memref<1x4x100xi32, #tpu.memory_space<hbm>> -> memref<4x100xi32, #tpu.memory_space<hbm>>
          tpu.enqueue_dma source(%dma_start3A_157 : memref<4x100xi32, #tpu.memory_space<hbm>>) target(%dma_start3A_154 : memref<4x100xi32, #tpu.memory_space<vmem>>) target_semaphore(%dma_start3A_150 : memref<!tpu.dma_semaphore, #tpu.memory_space<semaphore_mem>>)
          %dma_start3A_158 = arith.constant 1 : i32
          %dma_start3A_159 = arith.constant 1 : i32
          %dma_start3A_160 = arith.constant 0 : i32
          %dma_start3A_161 = arith.constant 0 : i32
          %dma_start3A_162 = tpu.memref_slice %arg6[%rem3A_124, %dma_start3A_159, %dma_start3A_160, %dma_start3A_161] : memref<2x2x4x100xi32, #tpu.memory_space<vmem>> -> memref<1x1x4x100xi32, #tpu.memory_space<vmem>>
          %dma_start3A_163 = tpu.memref_squeeze %dma_start3A_162 : memref<1x1x4x100xi32, #tpu.memory_space<vmem>> -> memref<4x100xi32, #tpu.memory_space<vmem>>
          %dma_start3A_164 = arith.constant 0 : i32
          %dma_start3A_165 = tpu.memref_slice %arg4[%dma_start3A_158, %add3A_129, %dma_start3A_164] : memref<2x1600x100xi32, #tpu.memory_space<hbm>> -> memref<1x4x100xi32, #tpu.memory_space<hbm>>
          %dma_start3A_166 = tpu.memref_squeeze %dma_start3A_165 : memref<1x4x100xi32, #tpu.memory_space<hbm>> -> memref<4x100xi32, #tpu.memory_space<hbm>>
          %dma_start3A_167 = tpu.memref_slice %arg11[%rem3A_124] : memref<2x!tpu.dma_semaphore, #tpu.memory_space<semaphore_mem>> -> memref<1x!tpu.dma_semaphore, #tpu.memory_space<semaphore_mem>>
          %dma_start3A_168 = tpu.memref_squeeze %dma_start3A_167 : memref<1x!tpu.dma_semaphore, #tpu.memory_space<semaphore_mem>> -> memref<!tpu.dma_semaphore, #tpu.memory_space<semaphore_mem>>
          %dma_start3A_169 = arith.constant 0 : i32
          %dma_start3A_170 = arith.constant 0 : i32
          %dma_start3A_171 = tpu.memref_slice %arg6[%rem3A_124, %dma_start3A_159, %dma_start3A_169, %dma_start3A_170] : memref<2x2x4x100xi32, #tpu.memory_space<vmem>> -> memref<1x1x4x100xi32, #tpu.memory_space<vmem>>
          %dma_start3A_172 = tpu.memref_squeeze %dma_start3A_171 : memref<1x1x4x100xi32, #tpu.memory_space<vmem>> -> memref<4x100xi32, #tpu.memory_space<vmem>>
          %dma_start3A_173 = arith.constant 0 : i32
          %dma_start3A_174 = tpu.memref_slice %arg4[%dma_start3A_158, %add3A_129, %dma_start3A_173] : memref<2x1600x100xi32, #tpu.memory_space<hbm>> -> memref<1x4x100xi32, #tpu.memory_space<hbm>>
          %dma_start3A_175 = tpu.memref_squeeze %dma_start3A_174 : memref<1x4x100xi32, #tpu.memory_space<hbm>> -> memref<4x100xi32, #tpu.memory_space<hbm>>
          tpu.enqueue_dma source(%dma_start3A_175 : memref<4x100xi32, #tpu.memory_space<hbm>>) target(%dma_start3A_172 : memref<4x100xi32, #tpu.memory_space<vmem>>) target_semaphore(%dma_start3A_168 : memref<!tpu.dma_semaphore, #tpu.memory_space<semaphore_mem>>)
        } else {
        }
      } else {
      }
    }
    %scan3A_64 = arith.constant 100 : i32
    %scan3A_65 = arith.constant 0 : i32
    %scan3A_66 = arith.constant 97 : i32
    %scan3A_67 = arith.constant 3 : i32
    %scan3A_68 = arith.addi %scan3A_66, %scan3A_67 : i32
    %scan3A_69 = arith.constant 1 : i32
    scf.for %scan3A_72 = %scan3A_66 to %scan3A_68 step %scan3A_69  : i32 {
      %rem3A = arith.constant 3 : i32
      %rem3A_73 = arith.remsi %scan3A_72, %rem3A : i32
      %div3A = arith.constant 4 : i32
      %div3A_74 = arith.divsi %scan3A_72, %div3A : i32
      %rem3A_75 = arith.constant 2 : i32
      %rem3A_76 = arith.remsi %div3A_74, %rem3A_75 : i32
      %rem3A_77 = arith.constant 4 : i32
      %rem3A_78 = arith.remsi %scan3A_72, %rem3A_77 : i32
      %dma_wait3A_79 = arith.constant 1 : i32
      %dma_wait3A_80 = arith.constant 0 : i32
      %dma_wait3A_81 = arith.constant 0 : i32
      %dma_wait3A_82 = tpu.memref_slice %arg7[%rem3A_73, %dma_wait3A_80, %dma_wait3A_81] : memref<3x100x128xf32, #tpu.memory_space<vmem>> -> memref<1x100x128xf32, #tpu.memory_space<vmem>>
      %dma_wait3A_83 = tpu.memref_squeeze %dma_wait3A_82 : memref<1x100x128xf32, #tpu.memory_space<vmem>> -> memref<100x128xf32, #tpu.memory_space<vmem>>
      %dma_wait3A_84 = arith.constant 0 : i32
      %dma_wait3A_85 = tpu.memref_slice %arg6[%rem3A_76, %dma_wait3A_79, %rem3A_78, %dma_wait3A_84] : memref<2x2x4x100xi32, #tpu.memory_space<vmem>> -> memref<1x1x1x100xi32, #tpu.memory_space<vmem>>
      %dma_wait3A_86 = tpu.memref_squeeze %dma_wait3A_85 : memref<1x1x1x100xi32, #tpu.memory_space<vmem>> -> memref<100xi32, #tpu.memory_space<vmem>>
      %dma_wait3A_87 = arith.constant 0 : i32
      %dma_wait3A_88 = arith.constant 0 : i32
      %dma_wait3A_89 = tpu.memref_slice %arg8[%dma_wait3A_87, %dma_wait3A_88] : memref<10240x128xf32, #tpu.memory_space<vmem_shared>> -> memref<10240x128xf32, #tpu.memory_space<vmem_shared>>
      %dma_wait3A_90 = tpu.memref_slice %arg10[%rem3A_73] : memref<3x!tpu.dma_semaphore, #tpu.memory_space<semaphore_mem>> -> memref<1x!tpu.dma_semaphore, #tpu.memory_space<semaphore_mem>>
      %dma_wait3A_91 = tpu.memref_squeeze %dma_wait3A_90 : memref<1x!tpu.dma_semaphore, #tpu.memory_space<semaphore_mem>> -> memref<!tpu.dma_semaphore, #tpu.memory_space<semaphore_mem>>
      tpu.wait_indirect_dma semaphore(%dma_wait3A_91 : memref<!tpu.dma_semaphore, #tpu.memory_space<semaphore_mem>>) src(%dma_wait3A_83 : memref<100x128xf32, #tpu.memory_space<vmem>>) dst(%dma_wait3A_89 : memref<10240x128xf32, #tpu.memory_space<vmem_shared>>)
    }
    %scan3A_70 = arith.constant 3 : i32
    %barrier3A_71 = arith.constant 0 : index
    tpu.barrier barrier_id(%barrier3A_71)
    "tpu.region"() ({
      %run_scoped3A = tpu.sem_alloc : memref<!tpu.dma_semaphore, #tpu.memory_space<semaphore_mem>>
      %dma_start3A = arith.constant 0 : i32
      %dma_start3A_72 = tpu.memref_slice %arg5[%arg0, %mul3A_0, %dma_start3A] : memref<2x10240x128xf32, #tpu.memory_space<hbm>> -> memref<1x640x128xf32, #tpu.memory_space<hbm>>
      %dma_start3A_73 = tpu.memref_squeeze %dma_start3A_72 : memref<1x640x128xf32, #tpu.memory_space<hbm>> -> memref<640x128xf32, #tpu.memory_space<hbm>>
      %dma_start3A_74 = arith.constant 0 : i32
      %dma_start3A_75 = tpu.memref_slice %arg8[%mul3A_0, %dma_start3A_74] : memref<10240x128xf32, #tpu.memory_space<vmem_shared>> -> memref<640x128xf32, #tpu.memory_space<vmem_shared>>
      tpu.enqueue_dma source(%dma_start3A_75 : memref<640x128xf32, #tpu.memory_space<vmem_shared>>) target(%dma_start3A_73 : memref<640x128xf32, #tpu.memory_space<hbm>>) target_semaphore(%run_scoped3A : memref<!tpu.dma_semaphore, #tpu.memory_space<semaphore_mem>>)
      %dma_wait3A_76 = arith.constant 0 : i32
      %dma_wait3A_77 = tpu.memref_slice %arg5[%arg0, %mul3A_0, %dma_wait3A_76] : memref<2x10240x128xf32, #tpu.memory_space<hbm>> -> memref<1x640x128xf32, #tpu.memory_space<hbm>>
      %dma_wait3A_78 = tpu.memref_squeeze %dma_wait3A_77 : memref<1x640x128xf32, #tpu.memory_space<hbm>> -> memref<640x128xf32, #tpu.memory_space<hbm>>
      %dma_wait3A_79 = arith.constant 0 : i32
      %dma_wait3A_80 = tpu.memref_slice %arg8[%mul3A_0, %dma_wait3A_79] : memref<10240x128xf32, #tpu.memory_space<vmem_shared>> -> memref<640x128xf32, #tpu.memory_space<vmem_shared>>
      tpu.wait_dma2 semaphore(%run_scoped3A : memref<!tpu.dma_semaphore, #tpu.memory_space<semaphore_mem>>) src(%dma_wait3A_80 : memref<640x128xf32, #tpu.memory_space<vmem_shared>>) dst(%dma_wait3A_78 : memref<640x128xf32, #tpu.memory_space<hbm>>)
      tpu.yield
    }) : () -> ()
    return
  }
}

#map = affine_map<(d0, d1) -> (0, 0)>
#map1 = affine_map<(d0, d1) -> (0, 0, 0)>
module attributes {stable_mosaic.version = 14 : i64} {
  func.func @_seg_body(%arg0: i32, %arg1: i32, %arg2: memref<10240x128xf32, #tpu.memory_space<hbm>>, %arg3: memref<2x1600x100xi32, #tpu.memory_space<hbm>>, %arg4: memref<2x1600x100xi32, #tpu.memory_space<hbm>>, %arg5: memref<2x10240x128xf32, #tpu.memory_space<hbm>>, %arg6: memref<2x2x4x100xi32, #tpu.memory_space<vmem>>, %arg7: memref<3x100x128xf32, #tpu.memory_space<vmem>>, %arg8: memref<10240x128xf32, #tpu.memory_space<vmem_shared>>, %arg9: memref<3x!tpu.dma_semaphore, #tpu.memory_space<semaphore_mem>>, %arg10: memref<3x!tpu.dma_semaphore, #tpu.memory_space<semaphore_mem>>, %arg11: memref<2x!tpu.dma_semaphore, #tpu.memory_space<semaphore_mem>>) attributes {dimension_semantics = [#tpu.dimension_semantics<core_parallel>, #tpu.dimension_semantics<subcore_parallel>], iteration_bounds = array<i64: 2, 16>, scalar_prefetch = 0 : i64, scratch_operands = 6 : i64, tpu.core_type = #tpu.core_type<sc_vector_subcore>, window_params = [{transform_indices = #map}, {transform_indices = #map1}, {transform_indices = #map1}, {transform_indices = #map1}]} {
    %mul3A = arith.constant 640 : i32
    %mul3A_0 = arith.muli %arg1, %mul3A : i32
    "tpu.region"() ({
      %run_scoped3A = tpu.sem_alloc : memref<!tpu.dma_semaphore, #tpu.memory_space<semaphore_mem>>
      %dma_start3A = arith.constant 0 : i32
      %dma_start3A_72 = tpu.memref_slice %arg8[%mul3A_0, %dma_start3A] : memref<10240x128xf32, #tpu.memory_space<vmem_shared>> -> memref<640x128xf32, #tpu.memory_space<vmem_shared>>
      %dma_start3A_73 = arith.constant 0 : i32
      %dma_start3A_74 = tpu.memref_slice %arg2[%mul3A_0, %dma_start3A_73] : memref<10240x128xf32, #tpu.memory_space<hbm>> -> memref<640x128xf32, #tpu.memory_space<hbm>>
      tpu.enqueue_dma source(%dma_start3A_74 : memref<640x128xf32, #tpu.memory_space<hbm>>) target(%dma_start3A_72 : memref<640x128xf32, #tpu.memory_space<vmem_shared>>) target_semaphore(%run_scoped3A : memref<!tpu.dma_semaphore, #tpu.memory_space<semaphore_mem>>)
      %dma_wait3A_75 = arith.constant 0 : i32
      %dma_wait3A_76 = tpu.memref_slice %arg8[%mul3A_0, %dma_wait3A_75] : memref<10240x128xf32, #tpu.memory_space<vmem_shared>> -> memref<640x128xf32, #tpu.memory_space<vmem_shared>>
      %dma_wait3A_77 = arith.constant 0 : i32
      %dma_wait3A_78 = tpu.memref_slice %arg2[%mul3A_0, %dma_wait3A_77] : memref<10240x128xf32, #tpu.memory_space<hbm>> -> memref<640x128xf32, #tpu.memory_space<hbm>>
      tpu.wait_dma2 semaphore(%run_scoped3A : memref<!tpu.dma_semaphore, #tpu.memory_space<semaphore_mem>>) src(%dma_wait3A_78 : memref<640x128xf32, #tpu.memory_space<hbm>>) dst(%dma_wait3A_76 : memref<640x128xf32, #tpu.memory_space<vmem_shared>>)
      tpu.yield
    }) : () -> ()
    %barrier3A = arith.constant 0 : index
    tpu.barrier barrier_id(%barrier3A)
    %mul3A_1 = arith.constant 100 : i32
    %mul3A_2 = arith.muli %arg1, %mul3A_1 : i32
    %add3A = arith.constant 0 : i32
    %add3A_3 = arith.addi %mul3A_2, %add3A : i32
    %eq3A = arith.constant 0 : i32
    %eq3A_4 = arith.cmpi eq, %arg0, %eq3A : i32
    %convert_element_type3A = arith.extui %eq3A_4 : i1 to i32
    %cond3A = arith.constant 0 : i32
    %cond3A_5 = arith.cmpi ne, %convert_element_type3A, %cond3A : i32
    scf.if %cond3A_5 {
      %dma_start3A = arith.constant 0 : i32
      %dma_start3A_72 = arith.constant 0 : i32
      %dma_start3A_73 = arith.constant 0 : i32
      %dma_start3A_74 = arith.constant 0 : i32
      %dma_start3A_75 = arith.constant 0 : i32
      %dma_start3A_76 = arith.constant 0 : i32
      %dma_start3A_77 = tpu.memref_slice %arg6[%dma_start3A_72, %dma_start3A_73, %dma_start3A_75, %dma_start3A_76] : memref<2x2x4x100xi32, #tpu.memory_space<vmem>> -> memref<1x1x4x100xi32, #tpu.memory_space<vmem>>
      %dma_start3A_78 = tpu.memref_squeeze %dma_start3A_77 : memref<1x1x4x100xi32, #tpu.memory_space<vmem>> -> memref<4x100xi32, #tpu.memory_space<vmem>>
      %dma_start3A_79 = arith.constant 0 : i32
      %dma_start3A_80 = tpu.memref_slice %arg3[%dma_start3A, %add3A_3, %dma_start3A_79] : memref<2x1600x100xi32, #tpu.memory_space<hbm>> -> memref<1x4x100xi32, #tpu.memory_space<hbm>>
      %dma_start3A_81 = tpu.memref_squeeze %dma_start3A_80 : memref<1x4x100xi32, #tpu.memory_space<hbm>> -> memref<4x100xi32, #tpu.memory_space<hbm>>
      %dma_start3A_82 = tpu.memref_slice %arg11[%dma_start3A_74] : memref<2x!tpu.dma_semaphore, #tpu.memory_space<semaphore_mem>> -> memref<1x!tpu.dma_semaphore, #tpu.memory_space<semaphore_mem>>
      %dma_start3A_83 = tpu.memref_squeeze %dma_start3A_82 : memref<1x!tpu.dma_semaphore, #tpu.memory_space<semaphore_mem>> -> memref<!tpu.dma_semaphore, #tpu.memory_space<semaphore_mem>>
      %dma_start3A_84 = arith.constant 0 : i32
      %dma_start3A_85 = arith.constant 0 : i32
      %dma_start3A_86 = tpu.memref_slice %arg6[%dma_start3A_72, %dma_start3A_73, %dma_start3A_84, %dma_start3A_85] : memref<2x2x4x100xi32, #tpu.memory_space<vmem>> -> memref<1x1x4x100xi32, #tpu.memory_space<vmem>>
      %dma_start3A_87 = tpu.memref_squeeze %dma_start3A_86 : memref<1x1x4x100xi32, #tpu.memory_space<vmem>> -> memref<4x100xi32, #tpu.memory_space<vmem>>
      %dma_start3A_88 = arith.constant 0 : i32
      %dma_start3A_89 = tpu.memref_slice %arg3[%dma_start3A, %add3A_3, %dma_start3A_88] : memref<2x1600x100xi32, #tpu.memory_space<hbm>> -> memref<1x4x100xi32, #tpu.memory_space<hbm>>
      %dma_start3A_90 = tpu.memref_squeeze %dma_start3A_89 : memref<1x4x100xi32, #tpu.memory_space<hbm>> -> memref<4x100xi32, #tpu.memory_space<hbm>>
      tpu.enqueue_dma source(%dma_start3A_90 : memref<4x100xi32, #tpu.memory_space<hbm>>) target(%dma_start3A_87 : memref<4x100xi32, #tpu.memory_space<vmem>>) target_semaphore(%dma_start3A_83 : memref<!tpu.dma_semaphore, #tpu.memory_space<semaphore_mem>>)
      %dma_start3A_91 = arith.constant 1 : i32
      %dma_start3A_92 = arith.constant 0 : i32
      %dma_start3A_93 = arith.constant 1 : i32
      %dma_start3A_94 = arith.constant 0 : i32
      %dma_start3A_95 = arith.constant 0 : i32
      %dma_start3A_96 = arith.constant 0 : i32
      %dma_start3A_97 = tpu.memref_slice %arg6[%dma_start3A_92, %dma_start3A_93, %dma_start3A_95, %dma_start3A_96] : memref<2x2x4x100xi32, #tpu.memory_space<vmem>> -> memref<1x1x4x100xi32, #tpu.memory_space<vmem>>
      %dma_start3A_98 = tpu.memref_squeeze %dma_start3A_97 : memref<1x1x4x100xi32, #tpu.memory_space<vmem>> -> memref<4x100xi32, #tpu.memory_space<vmem>>
      %dma_start3A_99 = arith.constant 0 : i32
      %dma_start3A_100 = tpu.memref_slice %arg3[%dma_start3A_91, %add3A_3, %dma_start3A_99] : memref<2x1600x100xi32, #tpu.memory_space<hbm>> -> memref<1x4x100xi32, #tpu.memory_space<hbm>>
      %dma_start3A_101 = tpu.memref_squeeze %dma_start3A_100 : memref<1x4x100xi32, #tpu.memory_space<hbm>> -> memref<4x100xi32, #tpu.memory_space<hbm>>
      %dma_start3A_102 = tpu.memref_slice %arg11[%dma_start3A_94] : memref<2x!tpu.dma_semaphore, #tpu.memory_space<semaphore_mem>> -> memref<1x!tpu.dma_semaphore, #tpu.memory_space<semaphore_mem>>
      %dma_start3A_103 = tpu.memref_squeeze %dma_start3A_102 : memref<1x!tpu.dma_semaphore, #tpu.memory_space<semaphore_mem>> -> memref<!tpu.dma_semaphore, #tpu.memory_space<semaphore_mem>>
      %dma_start3A_104 = arith.constant 0 : i32
      %dma_start3A_105 = arith.constant 0 : i32
      %dma_start3A_106 = tpu.memref_slice %arg6[%dma_start3A_92, %dma_start3A_93, %dma_start3A_104, %dma_start3A_105] : memref<2x2x4x100xi32, #tpu.memory_space<vmem>> -> memref<1x1x4x100xi32, #tpu.memory_space<vmem>>
      %dma_start3A_107 = tpu.memref_squeeze %dma_start3A_106 : memref<1x1x4x100xi32, #tpu.memory_space<vmem>> -> memref<4x100xi32, #tpu.memory_space<vmem>>
      %dma_start3A_108 = arith.constant 0 : i32
      %dma_start3A_109 = tpu.memref_slice %arg3[%dma_start3A_91, %add3A_3, %dma_start3A_108] : memref<2x1600x100xi32, #tpu.memory_space<hbm>> -> memref<1x4x100xi32, #tpu.memory_space<hbm>>
      %dma_start3A_110 = tpu.memref_squeeze %dma_start3A_109 : memref<1x4x100xi32, #tpu.memory_space<hbm>> -> memref<4x100xi32, #tpu.memory_space<hbm>>
      tpu.enqueue_dma source(%dma_start3A_110 : memref<4x100xi32, #tpu.memory_space<hbm>>) target(%dma_start3A_107 : memref<4x100xi32, #tpu.memory_space<vmem>>) target_semaphore(%dma_start3A_103 : memref<!tpu.dma_semaphore, #tpu.memory_space<semaphore_mem>>)
    } else {
    }
    %eq3A_6 = arith.constant 1 : i32
    %eq3A_7 = arith.cmpi eq, %arg0, %eq3A_6 : i32
    %convert_element_type3A_8 = arith.extui %eq3A_7 : i1 to i32
    %cond3A_9 = arith.constant 0 : i32
    %cond3A_10 = arith.cmpi ne, %convert_element_type3A_8, %cond3A_9 : i32
    scf.if %cond3A_10 {
      %dma_start3A = arith.constant 0 : i32
      %dma_start3A_72 = arith.constant 0 : i32
      %dma_start3A_73 = arith.constant 0 : i32
      %dma_start3A_74 = arith.constant 0 : i32
      %dma_start3A_75 = arith.constant 0 : i32
      %dma_start3A_76 = arith.constant 0 : i32
      %dma_start3A_77 = tpu.memref_slice %arg6[%dma_start3A_72, %dma_start3A_73, %dma_start3A_75, %dma_start3A_76] : memref<2x2x4x100xi32, #tpu.memory_space<vmem>> -> memref<1x1x4x100xi32, #tpu.memory_space<vmem>>
      %dma_start3A_78 = tpu.memref_squeeze %dma_start3A_77 : memref<1x1x4x100xi32, #tpu.memory_space<vmem>> -> memref<4x100xi32, #tpu.memory_space<vmem>>
      %dma_start3A_79 = arith.constant 0 : i32
      %dma_start3A_80 = tpu.memref_slice %arg4[%dma_start3A, %add3A_3, %dma_start3A_79] : memref<2x1600x100xi32, #tpu.memory_space<hbm>> -> memref<1x4x100xi32, #tpu.memory_space<hbm>>
      %dma_start3A_81 = tpu.memref_squeeze %dma_start3A_80 : memref<1x4x100xi32, #tpu.memory_space<hbm>> -> memref<4x100xi32, #tpu.memory_space<hbm>>
      %dma_start3A_82 = tpu.memref_slice %arg11[%dma_start3A_74] : memref<2x!tpu.dma_semaphore, #tpu.memory_space<semaphore_mem>> -> memref<1x!tpu.dma_semaphore, #tpu.memory_space<semaphore_mem>>
      %dma_start3A_83 = tpu.memref_squeeze %dma_start3A_82 : memref<1x!tpu.dma_semaphore, #tpu.memory_space<semaphore_mem>> -> memref<!tpu.dma_semaphore, #tpu.memory_space<semaphore_mem>>
      %dma_start3A_84 = arith.constant 0 : i32
      %dma_start3A_85 = arith.constant 0 : i32
      %dma_start3A_86 = tpu.memref_slice %arg6[%dma_start3A_72, %dma_start3A_73, %dma_start3A_84, %dma_start3A_85] : memref<2x2x4x100xi32, #tpu.memory_space<vmem>> -> memref<1x1x4x100xi32, #tpu.memory_space<vmem>>
      %dma_start3A_87 = tpu.memref_squeeze %dma_start3A_86 : memref<1x1x4x100xi32, #tpu.memory_space<vmem>> -> memref<4x100xi32, #tpu.memory_space<vmem>>
      %dma_start3A_88 = arith.constant 0 : i32
      %dma_start3A_89 = tpu.memref_slice %arg4[%dma_start3A, %add3A_3, %dma_start3A_88] : memref<2x1600x100xi32, #tpu.memory_space<hbm>> -> memref<1x4x100xi32, #tpu.memory_space<hbm>>
      %dma_start3A_90 = tpu.memref_squeeze %dma_start3A_89 : memref<1x4x100xi32, #tpu.memory_space<hbm>> -> memref<4x100xi32, #tpu.memory_space<hbm>>
      tpu.enqueue_dma source(%dma_start3A_90 : memref<4x100xi32, #tpu.memory_space<hbm>>) target(%dma_start3A_87 : memref<4x100xi32, #tpu.memory_space<vmem>>) target_semaphore(%dma_start3A_83 : memref<!tpu.dma_semaphore, #tpu.memory_space<semaphore_mem>>)
      %dma_start3A_91 = arith.constant 1 : i32
      %dma_start3A_92 = arith.constant 0 : i32
      %dma_start3A_93 = arith.constant 1 : i32
      %dma_start3A_94 = arith.constant 0 : i32
      %dma_start3A_95 = arith.constant 0 : i32
      %dma_start3A_96 = arith.constant 0 : i32
      %dma_start3A_97 = tpu.memref_slice %arg6[%dma_start3A_92, %dma_start3A_93, %dma_start3A_95, %dma_start3A_96] : memref<2x2x4x100xi32, #tpu.memory_space<vmem>> -> memref<1x1x4x100xi32, #tpu.memory_space<vmem>>
      %dma_start3A_98 = tpu.memref_squeeze %dma_start3A_97 : memref<1x1x4x100xi32, #tpu.memory_space<vmem>> -> memref<4x100xi32, #tpu.memory_space<vmem>>
      %dma_start3A_99 = arith.constant 0 : i32
      %dma_start3A_100 = tpu.memref_slice %arg4[%dma_start3A_91, %add3A_3, %dma_start3A_99] : memref<2x1600x100xi32, #tpu.memory_space<hbm>> -> memref<1x4x100xi32, #tpu.memory_space<hbm>>
      %dma_start3A_101 = tpu.memref_squeeze %dma_start3A_100 : memref<1x4x100xi32, #tpu.memory_space<hbm>> -> memref<4x100xi32, #tpu.memory_space<hbm>>
      %dma_start3A_102 = tpu.memref_slice %arg11[%dma_start3A_94] : memref<2x!tpu.dma_semaphore, #tpu.memory_space<semaphore_mem>> -> memref<1x!tpu.dma_semaphore, #tpu.memory_space<semaphore_mem>>
      %dma_start3A_103 = tpu.memref_squeeze %dma_start3A_102 : memref<1x!tpu.dma_semaphore, #tpu.memory_space<semaphore_mem>> -> memref<!tpu.dma_semaphore, #tpu.memory_space<semaphore_mem>>
      %dma_start3A_104 = arith.constant 0 : i32
      %dma_start3A_105 = arith.constant 0 : i32
      %dma_start3A_106 = tpu.memref_slice %arg6[%dma_start3A_92, %dma_start3A_93, %dma_start3A_104, %dma_start3A_105] : memref<2x2x4x100xi32, #tpu.memory_space<vmem>> -> memref<1x1x4x100xi32, #tpu.memory_space<vmem>>
      %dma_start3A_107 = tpu.memref_squeeze %dma_start3A_106 : memref<1x1x4x100xi32, #tpu.memory_space<vmem>> -> memref<4x100xi32, #tpu.memory_space<vmem>>
      %dma_start3A_108 = arith.constant 0 : i32
      %dma_start3A_109 = tpu.memref_slice %arg4[%dma_start3A_91, %add3A_3, %dma_start3A_108] : memref<2x1600x100xi32, #tpu.memory_space<hbm>> -> memref<1x4x100xi32, #tpu.memory_space<hbm>>
      %dma_start3A_110 = tpu.memref_squeeze %dma_start3A_109 : memref<1x4x100xi32, #tpu.memory_space<hbm>> -> memref<4x100xi32, #tpu.memory_space<hbm>>
      tpu.enqueue_dma source(%dma_start3A_110 : memref<4x100xi32, #tpu.memory_space<hbm>>) target(%dma_start3A_107 : memref<4x100xi32, #tpu.memory_space<vmem>>) target_semaphore(%dma_start3A_103 : memref<!tpu.dma_semaphore, #tpu.memory_space<semaphore_mem>>)
    } else {
    }
    %mul3A_11 = arith.constant 100 : i32
    %mul3A_12 = arith.muli %arg1, %mul3A_11 : i32
    %add3A_13 = arith.constant 0 : i32
    %add3A_14 = arith.addi %mul3A_12, %add3A_13 : i32
    %dma_wait3A = arith.constant 0 : i32
    %dma_wait3A_15 = arith.constant 0 : i32
    %dma_wait3A_16 = arith.constant 0 : i32
    %dma_wait3A_17 = arith.constant 0 : i32
    %dma_wait3A_18 = arith.constant 0 : i32
    %dma_wait3A_19 = arith.constant 0 : i32
    %dma_wait3A_20 = tpu.memref_slice %arg6[%dma_wait3A_15, %dma_wait3A_16, %dma_wait3A_18, %dma_wait3A_19] : memref<2x2x4x100xi32, #tpu.memory_space<vmem>> -> memref<1x1x4x100xi32, #tpu.memory_space<vmem>>
    %dma_wait3A_21 = tpu.memref_squeeze %dma_wait3A_20 : memref<1x1x4x100xi32, #tpu.memory_space<vmem>> -> memref<4x100xi32, #tpu.memory_space<vmem>>
    %dma_wait3A_22 = arith.constant 0 : i32
    %dma_wait3A_23 = tpu.memref_slice %arg3[%dma_wait3A, %add3A_14, %dma_wait3A_22] : memref<2x1600x100xi32, #tpu.memory_space<hbm>> -> memref<1x4x100xi32, #tpu.memory_space<hbm>>
    %dma_wait3A_24 = tpu.memref_squeeze %dma_wait3A_23 : memref<1x4x100xi32, #tpu.memory_space<hbm>> -> memref<4x100xi32, #tpu.memory_space<hbm>>
    %dma_wait3A_25 = tpu.memref_slice %arg11[%dma_wait3A_17] : memref<2x!tpu.dma_semaphore, #tpu.memory_space<semaphore_mem>> -> memref<1x!tpu.dma_semaphore, #tpu.memory_space<semaphore_mem>>
    %dma_wait3A_26 = tpu.memref_squeeze %dma_wait3A_25 : memref<1x!tpu.dma_semaphore, #tpu.memory_space<semaphore_mem>> -> memref<!tpu.dma_semaphore, #tpu.memory_space<semaphore_mem>>
    %dma_wait3A_27 = arith.constant 0 : i32
    %dma_wait3A_28 = arith.constant 0 : i32
    %dma_wait3A_29 = tpu.memref_slice %arg6[%dma_wait3A_15, %dma_wait3A_16, %dma_wait3A_27, %dma_wait3A_28] : memref<2x2x4x100xi32, #tpu.memory_space<vmem>> -> memref<1x1x4x100xi32, #tpu.memory_space<vmem>>
    %dma_wait3A_30 = tpu.memref_squeeze %dma_wait3A_29 : memref<1x1x4x100xi32, #tpu.memory_space<vmem>> -> memref<4x100xi32, #tpu.memory_space<vmem>>
    %dma_wait3A_31 = arith.constant 0 : i32
    %dma_wait3A_32 = tpu.memref_slice %arg3[%dma_wait3A, %add3A_14, %dma_wait3A_31] : memref<2x1600x100xi32, #tpu.memory_space<hbm>> -> memref<1x4x100xi32, #tpu.memory_space<hbm>>
    %dma_wait3A_33 = tpu.memref_squeeze %dma_wait3A_32 : memref<1x4x100xi32, #tpu.memory_space<hbm>> -> memref<4x100xi32, #tpu.memory_space<hbm>>
    tpu.wait_dma2 semaphore(%dma_wait3A_26 : memref<!tpu.dma_semaphore, #tpu.memory_space<semaphore_mem>>) src(%dma_wait3A_33 : memref<4x100xi32, #tpu.memory_space<hbm>>) dst(%dma_wait3A_30 : memref<4x100xi32, #tpu.memory_space<vmem>>)
    %dma_wait3A_34 = arith.constant 1 : i32
    %dma_wait3A_35 = arith.constant 0 : i32
    %dma_wait3A_36 = arith.constant 1 : i32
    %dma_wait3A_37 = arith.constant 0 : i32
    %dma_wait3A_38 = arith.constant 0 : i32
    %dma_wait3A_39 = arith.constant 0 : i32
    %dma_wait3A_40 = tpu.memref_slice %arg6[%dma_wait3A_35, %dma_wait3A_36, %dma_wait3A_38, %dma_wait3A_39] : memref<2x2x4x100xi32, #tpu.memory_space<vmem>> -> memref<1x1x4x100xi32, #tpu.memory_space<vmem>>
    %dma_wait3A_41 = tpu.memref_squeeze %dma_wait3A_40 : memref<1x1x4x100xi32, #tpu.memory_space<vmem>> -> memref<4x100xi32, #tpu.memory_space<vmem>>
    %dma_wait3A_42 = arith.constant 0 : i32
    %dma_wait3A_43 = tpu.memref_slice %arg3[%dma_wait3A_34, %add3A_14, %dma_wait3A_42] : memref<2x1600x100xi32, #tpu.memory_space<hbm>> -> memref<1x4x100xi32, #tpu.memory_space<hbm>>
    %dma_wait3A_44 = tpu.memref_squeeze %dma_wait3A_43 : memref<1x4x100xi32, #tpu.memory_space<hbm>> -> memref<4x100xi32, #tpu.memory_space<hbm>>
    %dma_wait3A_45 = tpu.memref_slice %arg11[%dma_wait3A_37] : memref<2x!tpu.dma_semaphore, #tpu.memory_space<semaphore_mem>> -> memref<1x!tpu.dma_semaphore, #tpu.memory_space<semaphore_mem>>
    %dma_wait3A_46 = tpu.memref_squeeze %dma_wait3A_45 : memref<1x!tpu.dma_semaphore, #tpu.memory_space<semaphore_mem>> -> memref<!tpu.dma_semaphore, #tpu.memory_space<semaphore_mem>>
    %dma_wait3A_47 = arith.constant 0 : i32
    %dma_wait3A_48 = arith.constant 0 : i32
    %dma_wait3A_49 = tpu.memref_slice %arg6[%dma_wait3A_35, %dma_wait3A_36, %dma_wait3A_47, %dma_wait3A_48] : memref<2x2x4x100xi32, #tpu.memory_space<vmem>> -> memref<1x1x4x100xi32, #tpu.memory_space<vmem>>
    %dma_wait3A_50 = tpu.memref_squeeze %dma_wait3A_49 : memref<1x1x4x100xi32, #tpu.memory_space<vmem>> -> memref<4x100xi32, #tpu.memory_space<vmem>>
    %dma_wait3A_51 = arith.constant 0 : i32
    %dma_wait3A_52 = tpu.memref_slice %arg3[%dma_wait3A_34, %add3A_14, %dma_wait3A_51] : memref<2x1600x100xi32, #tpu.memory_space<hbm>> -> memref<1x4x100xi32, #tpu.memory_space<hbm>>
    %dma_wait3A_53 = tpu.memref_squeeze %dma_wait3A_52 : memref<1x4x100xi32, #tpu.memory_space<hbm>> -> memref<4x100xi32, #tpu.memory_space<hbm>>
    tpu.wait_dma2 semaphore(%dma_wait3A_46 : memref<!tpu.dma_semaphore, #tpu.memory_space<semaphore_mem>>) src(%dma_wait3A_53 : memref<4x100xi32, #tpu.memory_space<hbm>>) dst(%dma_wait3A_50 : memref<4x100xi32, #tpu.memory_space<vmem>>)
    %scan3A = arith.constant 0 : i32
    %scan3A_54 = arith.constant 0 : i32
    %scan3A_55 = arith.constant 2 : i32
    %scan3A_56 = arith.addi %scan3A_54, %scan3A_55 : i32
    %scan3A_57 = arith.constant 1 : i32
    scf.for %scan3A_72 = %scan3A_54 to %scan3A_56 step %scan3A_57  : i32 {
      %dma_start3A = arith.constant 0 : i32
      %dma_start3A_73 = arith.constant 0 : i32
      %dma_start3A_74 = arith.constant 0 : i32
      %dma_start3A_75 = arith.constant 0 : i32
      %dma_start3A_76 = tpu.memref_slice %arg7[%scan3A_72, %dma_start3A_74, %dma_start3A_75] : memref<3x100x128xf32, #tpu.memory_space<vmem>> -> memref<1x100x128xf32, #tpu.memory_space<vmem>>
      %dma_start3A_77 = tpu.memref_squeeze %dma_start3A_76 : memref<1x100x128xf32, #tpu.memory_space<vmem>> -> memref<100x128xf32, #tpu.memory_space<vmem>>
      %dma_start3A_78 = arith.constant 0 : i32
      %dma_start3A_79 = tpu.memref_slice %arg6[%dma_start3A, %dma_start3A_73, %scan3A_72, %dma_start3A_78] : memref<2x2x4x100xi32, #tpu.memory_space<vmem>> -> memref<1x1x1x100xi32, #tpu.memory_space<vmem>>
      %dma_start3A_80 = tpu.memref_squeeze %dma_start3A_79 : memref<1x1x1x100xi32, #tpu.memory_space<vmem>> -> memref<100xi32, #tpu.memory_space<vmem>>
      %dma_start3A_81 = arith.constant 0 : i32
      %dma_start3A_82 = arith.constant 0 : i32
      %dma_start3A_83 = tpu.memref_slice %arg2[%dma_start3A_81, %dma_start3A_82] : memref<10240x128xf32, #tpu.memory_space<hbm>> -> memref<10240x128xf32, #tpu.memory_space<hbm>>
      %dma_start3A_84 = tpu.memref_slice %arg9[%scan3A_72] : memref<3x!tpu.dma_semaphore, #tpu.memory_space<semaphore_mem>> -> memref<1x!tpu.dma_semaphore, #tpu.memory_space<semaphore_mem>>
      %dma_start3A_85 = tpu.memref_squeeze %dma_start3A_84 : memref<1x!tpu.dma_semaphore, #tpu.memory_space<semaphore_mem>> -> memref<!tpu.dma_semaphore, #tpu.memory_space<semaphore_mem>>
      tpu.enqueue_indirect_dma source(%dma_start3A_83 : memref<10240x128xf32, #tpu.memory_space<hbm>>) target(%dma_start3A_77 : memref<100x128xf32, #tpu.memory_space<vmem>>) offsets(%dma_start3A_80 : memref<100xi32, #tpu.memory_space<vmem>>) semaphore(%dma_start3A_85 : memref<!tpu.dma_semaphore, #tpu.memory_space<semaphore_mem>>)
    }
    %scan3A_58 = arith.constant 2 : i32
    %scan3A_59 = arith.constant 0 : i32
    %scan3A_60 = arith.constant 0 : i32
    %scan3A_61 = arith.constant 100 : i32
    %scan3A_62 = arith.addi %scan3A_60, %scan3A_61 : i32
    %scan3A_63 = arith.constant 1 : i32
    scf.for %scan3A_72 = %scan3A_60 to %scan3A_62 step %scan3A_63  : i32 {
      %rem3A = arith.constant 3 : i32
      %rem3A_73 = arith.remsi %scan3A_72, %rem3A : i32
      %div3A = arith.constant 4 : i32
      %div3A_74 = arith.divsi %scan3A_72, %div3A : i32
      %rem3A_75 = arith.constant 2 : i32
      %rem3A_76 = arith.remsi %div3A_74, %rem3A_75 : i32
      %rem3A_77 = arith.constant 4 : i32
      %rem3A_78 = arith.remsi %scan3A_72, %rem3A_77 : i32
      %dma_wait3A_79 = arith.constant 0 : i32
      %dma_wait3A_80 = arith.constant 0 : i32
      %dma_wait3A_81 = arith.constant 0 : i32
      %dma_wait3A_82 = tpu.memref_slice %arg7[%rem3A_73, %dma_wait3A_80, %dma_wait3A_81] : memref<3x100x128xf32, #tpu.memory_space<vmem>> -> memref<1x100x128xf32, #tpu.memory_space<vmem>>
      %dma_wait3A_83 = tpu.memref_squeeze %dma_wait3A_82 : memref<1x100x128xf32, #tpu.memory_space<vmem>> -> memref<100x128xf32, #tpu.memory_space<vmem>>
      %dma_wait3A_84 = arith.constant 0 : i32
      %dma_wait3A_85 = tpu.memref_slice %arg6[%rem3A_76, %dma_wait3A_79, %rem3A_78, %dma_wait3A_84] : memref<2x2x4x100xi32, #tpu.memory_space<vmem>> -> memref<1x1x1x100xi32, #tpu.memory_space<vmem>>
      %dma_wait3A_86 = tpu.memref_squeeze %dma_wait3A_85 : memref<1x1x1x100xi32, #tpu.memory_space<vmem>> -> memref<100xi32, #tpu.memory_space<vmem>>
      %dma_wait3A_87 = arith.constant 0 : i32
      %dma_wait3A_88 = arith.constant 0 : i32
      %dma_wait3A_89 = tpu.memref_slice %arg2[%dma_wait3A_87, %dma_wait3A_88] : memref<10240x128xf32, #tpu.memory_space<hbm>> -> memref<10240x128xf32, #tpu.memory_space<hbm>>
      %dma_wait3A_90 = tpu.memref_slice %arg9[%rem3A_73] : memref<3x!tpu.dma_semaphore, #tpu.memory_space<semaphore_mem>> -> memref<1x!tpu.dma_semaphore, #tpu.memory_space<semaphore_mem>>
      %dma_wait3A_91 = tpu.memref_squeeze %dma_wait3A_90 : memref<1x!tpu.dma_semaphore, #tpu.memory_space<semaphore_mem>> -> memref<!tpu.dma_semaphore, #tpu.memory_space<semaphore_mem>>
      tpu.wait_indirect_dma semaphore(%dma_wait3A_91 : memref<!tpu.dma_semaphore, #tpu.memory_space<semaphore_mem>>) src(%dma_wait3A_89 : memref<10240x128xf32, #tpu.memory_space<hbm>>) dst(%dma_wait3A_83 : memref<100x128xf32, #tpu.memory_space<vmem>>)
      %dma_start3A = arith.constant 1 : i32
      %dma_start3A_92 = arith.constant 0 : i32
      %dma_start3A_93 = arith.constant 0 : i32
      %dma_start3A_94 = tpu.memref_slice %arg7[%rem3A_73, %dma_start3A_92, %dma_start3A_93] : memref<3x100x128xf32, #tpu.memory_space<vmem>> -> memref<1x100x128xf32, #tpu.memory_space<vmem>>
      %dma_start3A_95 = tpu.memref_squeeze %dma_start3A_94 : memref<1x100x128xf32, #tpu.memory_space<vmem>> -> memref<100x128xf32, #tpu.memory_space<vmem>>
      %dma_start3A_96 = arith.constant 0 : i32
      %dma_start3A_97 = tpu.memref_slice %arg6[%rem3A_76, %dma_start3A, %rem3A_78, %dma_start3A_96] : memref<2x2x4x100xi32, #tpu.memory_space<vmem>> -> memref<1x1x1x100xi32, #tpu.memory_space<vmem>>
      %dma_start3A_98 = tpu.memref_squeeze %dma_start3A_97 : memref<1x1x1x100xi32, #tpu.memory_space<vmem>> -> memref<100xi32, #tpu.memory_space<vmem>>
      %dma_start3A_99 = arith.constant 0 : i32
      %dma_start3A_100 = arith.constant 0 : i32
      %dma_start3A_101 = tpu.memref_slice %arg8[%dma_start3A_99, %dma_start3A_100] : memref<10240x128xf32, #tpu.memory_space<vmem_shared>> -> memref<10240x128xf32, #tpu.memory_space<vmem_shared>>
      %dma_start3A_102 = tpu.memref_slice %arg10[%rem3A_73] : memref<3x!tpu.dma_semaphore, #tpu.memory_space<semaphore_mem>> -> memref<1x!tpu.dma_semaphore, #tpu.memory_space<semaphore_mem>>
      %dma_start3A_103 = tpu.memref_squeeze %dma_start3A_102 : memref<1x!tpu.dma_semaphore, #tpu.memory_space<semaphore_mem>> -> memref<!tpu.dma_semaphore, #tpu.memory_space<semaphore_mem>>
      tpu.enqueue_indirect_dma source(%dma_start3A_95 : memref<100x128xf32, #tpu.memory_space<vmem>>) target(%dma_start3A_101 : memref<10240x128xf32, #tpu.memory_space<vmem_shared>>) offsets(%dma_start3A_98 : memref<100xi32, #tpu.memory_space<vmem>>) semaphore(%dma_start3A_103 : memref<!tpu.dma_semaphore, #tpu.memory_space<semaphore_mem>>) {add = true}
      %add3A_104 = arith.constant 2 : i32
      %add3A_105 = arith.addi %scan3A_72, %add3A_104 : i32
      %lt3A = arith.constant 100 : i32
      %lt3A_106 = arith.cmpi slt, %add3A_105, %lt3A : i32
      %convert_element_type3A_107 = arith.extui %lt3A_106 : i1 to i32
      %cond3A_108 = arith.constant 0 : i32
      %cond3A_109 = arith.cmpi ne, %convert_element_type3A_107, %cond3A_108 : i32
      scf.if %cond3A_109 {
        %rem3A_119 = arith.constant 3 : i32
        %rem3A_120 = arith.remsi %add3A_105, %rem3A_119 : i32
        %div3A_121 = arith.constant 4 : i32
        %div3A_122 = arith.divsi %add3A_105, %div3A_121 : i32
        %rem3A_123 = arith.constant 2 : i32
        %rem3A_124 = arith.remsi %div3A_122, %rem3A_123 : i32
        %rem3A_125 = arith.constant 4 : i32
        %rem3A_126 = arith.remsi %add3A_105, %rem3A_125 : i32
        %ge3A = arith.constant 3 : i32
        %ge3A_127 = arith.cmpi sge, %add3A_105, %ge3A : i32
        %convert_element_type3A_128 = arith.extui %ge3A_127 : i1 to i32
        %cond3A_129 = arith.constant 0 : i32
        %cond3A_130 = arith.cmpi ne, %convert_element_type3A_128, %cond3A_129 : i32
        scf.if %cond3A_130 {
          %sub3A = arith.constant 3 : i32
          %sub3A_149 = arith.subi %add3A_105, %sub3A : i32
          %div3A_150 = arith.constant 4 : i32
          %div3A_151 = arith.divsi %sub3A_149, %div3A_150 : i32
          %rem3A_152 = arith.constant 2 : i32
          %rem3A_153 = arith.remsi %div3A_151, %rem3A_152 : i32
          %rem3A_154 = arith.constant 4 : i32
          %rem3A_155 = arith.remsi %sub3A_149, %rem3A_154 : i32
          %dma_wait3A_156 = arith.constant 1 : i32
          %dma_wait3A_157 = arith.constant 0 : i32
          %dma_wait3A_158 = arith.constant 0 : i32
          %dma_wait3A_159 = tpu.memref_slice %arg7[%rem3A_120, %dma_wait3A_157, %dma_wait3A_158] : memref<3x100x128xf32, #tpu.memory_space<vmem>> -> memref<1x100x128xf32, #tpu.memory_space<vmem>>
          %dma_wait3A_160 = tpu.memref_squeeze %dma_wait3A_159 : memref<1x100x128xf32, #tpu.memory_space<vmem>> -> memref<100x128xf32, #tpu.memory_space<vmem>>
          %dma_wait3A_161 = arith.constant 0 : i32
          %dma_wait3A_162 = tpu.memref_slice %arg6[%rem3A_153, %dma_wait3A_156, %rem3A_155, %dma_wait3A_161] : memref<2x2x4x100xi32, #tpu.memory_space<vmem>> -> memref<1x1x1x100xi32, #tpu.memory_space<vmem>>
          %dma_wait3A_163 = tpu.memref_squeeze %dma_wait3A_162 : memref<1x1x1x100xi32, #tpu.memory_space<vmem>> -> memref<100xi32, #tpu.memory_space<vmem>>
          %dma_wait3A_164 = arith.constant 0 : i32
          %dma_wait3A_165 = arith.constant 0 : i32
          %dma_wait3A_166 = tpu.memref_slice %arg8[%dma_wait3A_164, %dma_wait3A_165] : memref<10240x128xf32, #tpu.memory_space<vmem_shared>> -> memref<10240x128xf32, #tpu.memory_space<vmem_shared>>
          %dma_wait3A_167 = tpu.memref_slice %arg10[%rem3A_120] : memref<3x!tpu.dma_semaphore, #tpu.memory_space<semaphore_mem>> -> memref<1x!tpu.dma_semaphore, #tpu.memory_space<semaphore_mem>>
          %dma_wait3A_168 = tpu.memref_squeeze %dma_wait3A_167 : memref<1x!tpu.dma_semaphore, #tpu.memory_space<semaphore_mem>> -> memref<!tpu.dma_semaphore, #tpu.memory_space<semaphore_mem>>
          tpu.wait_indirect_dma semaphore(%dma_wait3A_168 : memref<!tpu.dma_semaphore, #tpu.memory_space<semaphore_mem>>) src(%dma_wait3A_160 : memref<100x128xf32, #tpu.memory_space<vmem>>) dst(%dma_wait3A_166 : memref<10240x128xf32, #tpu.memory_space<vmem_shared>>)
        } else {
        }
        %eq3A_131 = arith.constant 0 : i32
        %eq3A_132 = arith.cmpi eq, %rem3A_126, %eq3A_131 : i32
        %convert_element_type3A_133 = arith.extui %eq3A_132 : i1 to i32
        %cond3A_134 = arith.constant 0 : i32
        %cond3A_135 = arith.cmpi ne, %convert_element_type3A_133, %cond3A_134 : i32
        scf.if %cond3A_135 {
          %mul3A_149 = arith.constant 100 : i32
          %mul3A_150 = arith.muli %arg1, %mul3A_149 : i32
          %mul3A_151 = arith.constant 4 : i32
          %mul3A_152 = arith.muli %div3A_122, %mul3A_151 : i32
          %add3A_153 = arith.addi %mul3A_150, %mul3A_152 : i32
          %dma_wait3A_154 = arith.constant 0 : i32
          %dma_wait3A_155 = arith.constant 0 : i32
          %dma_wait3A_156 = arith.constant 0 : i32
          %dma_wait3A_157 = arith.constant 0 : i32
          %dma_wait3A_158 = tpu.memref_slice %arg6[%rem3A_124, %dma_wait3A_155, %dma_wait3A_156, %dma_wait3A_157] : memref<2x2x4x100xi32, #tpu.memory_space<vmem>> -> memref<1x1x4x100xi32, #tpu.memory_space<vmem>>
          %dma_wait3A_159 = tpu.memref_squeeze %dma_wait3A_158 : memref<1x1x4x100xi32, #tpu.memory_space<vmem>> -> memref<4x100xi32, #tpu.memory_space<vmem>>
          %dma_wait3A_160 = arith.constant 0 : i32
          %dma_wait3A_161 = tpu.memref_slice %arg3[%dma_wait3A_154, %add3A_153, %dma_wait3A_160] : memref<2x1600x100xi32, #tpu.memory_space<hbm>> -> memref<1x4x100xi32, #tpu.memory_space<hbm>>
          %dma_wait3A_162 = tpu.memref_squeeze %dma_wait3A_161 : memref<1x4x100xi32, #tpu.memory_space<hbm>> -> memref<4x100xi32, #tpu.memory_space<hbm>>
          %dma_wait3A_163 = tpu.memref_slice %arg11[%rem3A_124] : memref<2x!tpu.dma_semaphore, #tpu.memory_space<semaphore_mem>> -> memref<1x!tpu.dma_semaphore, #tpu.memory_space<semaphore_mem>>
          %dma_wait3A_164 = tpu.memref_squeeze %dma_wait3A_163 : memref<1x!tpu.dma_semaphore, #tpu.memory_space<semaphore_mem>> -> memref<!tpu.dma_semaphore, #tpu.memory_space<semaphore_mem>>
          %dma_wait3A_165 = arith.constant 0 : i32
          %dma_wait3A_166 = arith.constant 0 : i32
          %dma_wait3A_167 = tpu.memref_slice %arg6[%rem3A_124, %dma_wait3A_155, %dma_wait3A_165, %dma_wait3A_166] : memref<2x2x4x100xi32, #tpu.memory_space<vmem>> -> memref<1x1x4x100xi32, #tpu.memory_space<vmem>>
          %dma_wait3A_168 = tpu.memref_squeeze %dma_wait3A_167 : memref<1x1x4x100xi32, #tpu.memory_space<vmem>> -> memref<4x100xi32, #tpu.memory_space<vmem>>
          %dma_wait3A_169 = arith.constant 0 : i32
          %dma_wait3A_170 = tpu.memref_slice %arg3[%dma_wait3A_154, %add3A_153, %dma_wait3A_169] : memref<2x1600x100xi32, #tpu.memory_space<hbm>> -> memref<1x4x100xi32, #tpu.memory_space<hbm>>
          %dma_wait3A_171 = tpu.memref_squeeze %dma_wait3A_170 : memref<1x4x100xi32, #tpu.memory_space<hbm>> -> memref<4x100xi32, #tpu.memory_space<hbm>>
          tpu.wait_dma2 semaphore(%dma_wait3A_164 : memref<!tpu.dma_semaphore, #tpu.memory_space<semaphore_mem>>) src(%dma_wait3A_171 : memref<4x100xi32, #tpu.memory_space<hbm>>) dst(%dma_wait3A_168 : memref<4x100xi32, #tpu.memory_space<vmem>>)
          %dma_wait3A_172 = arith.constant 1 : i32
          %dma_wait3A_173 = arith.constant 1 : i32
          %dma_wait3A_174 = arith.constant 0 : i32
          %dma_wait3A_175 = arith.constant 0 : i32
          %dma_wait3A_176 = tpu.memref_slice %arg6[%rem3A_124, %dma_wait3A_173, %dma_wait3A_174, %dma_wait3A_175] : memref<2x2x4x100xi32, #tpu.memory_space<vmem>> -> memref<1x1x4x100xi32, #tpu.memory_space<vmem>>
          %dma_wait3A_177 = tpu.memref_squeeze %dma_wait3A_176 : memref<1x1x4x100xi32, #tpu.memory_space<vmem>> -> memref<4x100xi32, #tpu.memory_space<vmem>>
          %dma_wait3A_178 = arith.constant 0 : i32
          %dma_wait3A_179 = tpu.memref_slice %arg3[%dma_wait3A_172, %add3A_153, %dma_wait3A_178] : memref<2x1600x100xi32, #tpu.memory_space<hbm>> -> memref<1x4x100xi32, #tpu.memory_space<hbm>>
          %dma_wait3A_180 = tpu.memref_squeeze %dma_wait3A_179 : memref<1x4x100xi32, #tpu.memory_space<hbm>> -> memref<4x100xi32, #tpu.memory_space<hbm>>
          %dma_wait3A_181 = tpu.memref_slice %arg11[%rem3A_124] : memref<2x!tpu.dma_semaphore, #tpu.memory_space<semaphore_mem>> -> memref<1x!tpu.dma_semaphore, #tpu.memory_space<semaphore_mem>>
          %dma_wait3A_182 = tpu.memref_squeeze %dma_wait3A_181 : memref<1x!tpu.dma_semaphore, #tpu.memory_space<semaphore_mem>> -> memref<!tpu.dma_semaphore, #tpu.memory_space<semaphore_mem>>
          %dma_wait3A_183 = arith.constant 0 : i32
          %dma_wait3A_184 = arith.constant 0 : i32
          %dma_wait3A_185 = tpu.memref_slice %arg6[%rem3A_124, %dma_wait3A_173, %dma_wait3A_183, %dma_wait3A_184] : memref<2x2x4x100xi32, #tpu.memory_space<vmem>> -> memref<1x1x4x100xi32, #tpu.memory_space<vmem>>
          %dma_wait3A_186 = tpu.memref_squeeze %dma_wait3A_185 : memref<1x1x4x100xi32, #tpu.memory_space<vmem>> -> memref<4x100xi32, #tpu.memory_space<vmem>>
          %dma_wait3A_187 = arith.constant 0 : i32
          %dma_wait3A_188 = tpu.memref_slice %arg3[%dma_wait3A_172, %add3A_153, %dma_wait3A_187] : memref<2x1600x100xi32, #tpu.memory_space<hbm>> -> memref<1x4x100xi32, #tpu.memory_space<hbm>>
          %dma_wait3A_189 = tpu.memref_squeeze %dma_wait3A_188 : memref<1x4x100xi32, #tpu.memory_space<hbm>> -> memref<4x100xi32, #tpu.memory_space<hbm>>
          tpu.wait_dma2 semaphore(%dma_wait3A_182 : memref<!tpu.dma_semaphore, #tpu.memory_space<semaphore_mem>>) src(%dma_wait3A_189 : memref<4x100xi32, #tpu.memory_space<hbm>>) dst(%dma_wait3A_186 : memref<4x100xi32, #tpu.memory_space<vmem>>)
        } else {
        }
        %dma_start3A_136 = arith.constant 0 : i32
        %dma_start3A_137 = arith.constant 0 : i32
        %dma_start3A_138 = arith.constant 0 : i32
        %dma_start3A_139 = tpu.memref_slice %arg7[%rem3A_120, %dma_start3A_137, %dma_start3A_138] : memref<3x100x128xf32, #tpu.memory_space<vmem>> -> memref<1x100x128xf32, #tpu.memory_space<vmem>>
        %dma_start3A_140 = tpu.memref_squeeze %dma_start3A_139 : memref<1x100x128xf32, #tpu.memory_space<vmem>> -> memref<100x128xf32, #tpu.memory_space<vmem>>
        %dma_start3A_141 = arith.constant 0 : i32
        %dma_start3A_142 = tpu.memref_slice %arg6[%rem3A_124, %dma_start3A_136, %rem3A_126, %dma_start3A_141] : memref<2x2x4x100xi32, #tpu.memory_space<vmem>> -> memref<1x1x1x100xi32, #tpu.memory_space<vmem>>
        %dma_start3A_143 = tpu.memref_squeeze %dma_start3A_142 : memref<1x1x1x100xi32, #tpu.memory_space<vmem>> -> memref<100xi32, #tpu.memory_space<vmem>>
        %dma_start3A_144 = arith.constant 0 : i32
        %dma_start3A_145 = arith.constant 0 : i32
        %dma_start3A_146 = tpu.memref_slice %arg2[%dma_start3A_144, %dma_start3A_145] : memref<10240x128xf32, #tpu.memory_space<hbm>> -> memref<10240x128xf32, #tpu.memory_space<hbm>>
        %dma_start3A_147 = tpu.memref_slice %arg9[%rem3A_120] : memref<3x!tpu.dma_semaphore, #tpu.memory_space<semaphore_mem>> -> memref<1x!tpu.dma_semaphore, #tpu.memory_space<semaphore_mem>>
        %dma_start3A_148 = tpu.memref_squeeze %dma_start3A_147 : memref<1x!tpu.dma_semaphore, #tpu.memory_space<semaphore_mem>> -> memref<!tpu.dma_semaphore, #tpu.memory_space<semaphore_mem>>
        tpu.enqueue_indirect_dma source(%dma_start3A_146 : memref<10240x128xf32, #tpu.memory_space<hbm>>) target(%dma_start3A_140 : memref<100x128xf32, #tpu.memory_space<vmem>>) offsets(%dma_start3A_143 : memref<100xi32, #tpu.memory_space<vmem>>) semaphore(%dma_start3A_148 : memref<!tpu.dma_semaphore, #tpu.memory_space<semaphore_mem>>)
      } else {
      }
      %eq3A_110 = arith.constant 0 : i32
      %eq3A_111 = arith.cmpi eq, %rem3A_78, %eq3A_110 : i32
      %add3A_112 = arith.constant 4 : i32
      %add3A_113 = arith.addi %scan3A_72, %add3A_112 : i32
      %lt3A_114 = arith.constant 100 : i32
      %lt3A_115 = arith.cmpi slt, %add3A_113, %lt3A_114 : i32
      %and3A = arith.andi %eq3A_111, %lt3A_115 : i1
      %convert_element_type3A_116 = arith.extui %and3A : i1 to i32
      %cond3A_117 = arith.constant 0 : i32
      %cond3A_118 = arith.cmpi ne, %convert_element_type3A_116, %cond3A_117 : i32
      scf.if %cond3A_118 {
        %add3A_119 = arith.constant 1 : i32
        %add3A_120 = arith.addi %div3A_74, %add3A_119 : i32
        %add3A_121 = arith.constant 1 : i32
        %add3A_122 = arith.addi %div3A_74, %add3A_121 : i32
        %rem3A_123 = arith.constant 2 : i32
        %rem3A_124 = arith.remsi %add3A_122, %rem3A_123 : i32
        %mul3A_125 = arith.constant 100 : i32
        %mul3A_126 = arith.muli %arg1, %mul3A_125 : i32
        %mul3A_127 = arith.constant 4 : i32
        %mul3A_128 = arith.muli %add3A_120, %mul3A_127 : i32
        %add3A_129 = arith.addi %mul3A_126, %mul3A_128 : i32
        %eq3A_130 = arith.constant 0 : i32
        %eq3A_131 = arith.cmpi eq, %arg0, %eq3A_130 : i32
        %convert_element_type3A_132 = arith.extui %eq3A_131 : i1 to i32
        %cond3A_133 = arith.constant 0 : i32
        %cond3A_134 = arith.cmpi ne, %convert_element_type3A_132, %cond3A_133 : i32
        scf.if %cond3A_134 {
          %dma_start3A_140 = arith.constant 0 : i32
          %dma_start3A_141 = arith.constant 0 : i32
          %dma_start3A_142 = arith.constant 0 : i32
          %dma_start3A_143 = arith.constant 0 : i32
          %dma_start3A_144 = tpu.memref_slice %arg6[%rem3A_124, %dma_start3A_141, %dma_start3A_142, %dma_start3A_143] : memref<2x2x4x100xi32, #tpu.memory_space<vmem>> -> memref<1x1x4x100xi32, #tpu.memory_space<vmem>>
          %dma_start3A_145 = tpu.memref_squeeze %dma_start3A_144 : memref<1x1x4x100xi32, #tpu.memory_space<vmem>> -> memref<4x100xi32, #tpu.memory_space<vmem>>
          %dma_start3A_146 = arith.constant 0 : i32
          %dma_start3A_147 = tpu.memref_slice %arg3[%dma_start3A_140, %add3A_129, %dma_start3A_146] : memref<2x1600x100xi32, #tpu.memory_space<hbm>> -> memref<1x4x100xi32, #tpu.memory_space<hbm>>
          %dma_start3A_148 = tpu.memref_squeeze %dma_start3A_147 : memref<1x4x100xi32, #tpu.memory_space<hbm>> -> memref<4x100xi32, #tpu.memory_space<hbm>>
          %dma_start3A_149 = tpu.memref_slice %arg11[%rem3A_124] : memref<2x!tpu.dma_semaphore, #tpu.memory_space<semaphore_mem>> -> memref<1x!tpu.dma_semaphore, #tpu.memory_space<semaphore_mem>>
          %dma_start3A_150 = tpu.memref_squeeze %dma_start3A_149 : memref<1x!tpu.dma_semaphore, #tpu.memory_space<semaphore_mem>> -> memref<!tpu.dma_semaphore, #tpu.memory_space<semaphore_mem>>
          %dma_start3A_151 = arith.constant 0 : i32
          %dma_start3A_152 = arith.constant 0 : i32
          %dma_start3A_153 = tpu.memref_slice %arg6[%rem3A_124, %dma_start3A_141, %dma_start3A_151, %dma_start3A_152] : memref<2x2x4x100xi32, #tpu.memory_space<vmem>> -> memref<1x1x4x100xi32, #tpu.memory_space<vmem>>
          %dma_start3A_154 = tpu.memref_squeeze %dma_start3A_153 : memref<1x1x4x100xi32, #tpu.memory_space<vmem>> -> memref<4x100xi32, #tpu.memory_space<vmem>>
          %dma_start3A_155 = arith.constant 0 : i32
          %dma_start3A_156 = tpu.memref_slice %arg3[%dma_start3A_140, %add3A_129, %dma_start3A_155] : memref<2x1600x100xi32, #tpu.memory_space<hbm>> -> memref<1x4x100xi32, #tpu.memory_space<hbm>>
          %dma_start3A_157 = tpu.memref_squeeze %dma_start3A_156 : memref<1x4x100xi32, #tpu.memory_space<hbm>> -> memref<4x100xi32, #tpu.memory_space<hbm>>
          tpu.enqueue_dma source(%dma_start3A_157 : memref<4x100xi32, #tpu.memory_space<hbm>>) target(%dma_start3A_154 : memref<4x100xi32, #tpu.memory_space<vmem>>) target_semaphore(%dma_start3A_150 : memref<!tpu.dma_semaphore, #tpu.memory_space<semaphore_mem>>)
          %dma_start3A_158 = arith.constant 1 : i32
          %dma_start3A_159 = arith.constant 1 : i32
          %dma_start3A_160 = arith.constant 0 : i32
          %dma_start3A_161 = arith.constant 0 : i32
          %dma_start3A_162 = tpu.memref_slice %arg6[%rem3A_124, %dma_start3A_159, %dma_start3A_160, %dma_start3A_161] : memref<2x2x4x100xi32, #tpu.memory_space<vmem>> -> memref<1x1x4x100xi32, #tpu.memory_space<vmem>>
          %dma_start3A_163 = tpu.memref_squeeze %dma_start3A_162 : memref<1x1x4x100xi32, #tpu.memory_space<vmem>> -> memref<4x100xi32, #tpu.memory_space<vmem>>
          %dma_start3A_164 = arith.constant 0 : i32
          %dma_start3A_165 = tpu.memref_slice %arg3[%dma_start3A_158, %add3A_129, %dma_start3A_164] : memref<2x1600x100xi32, #tpu.memory_space<hbm>> -> memref<1x4x100xi32, #tpu.memory_space<hbm>>
          %dma_start3A_166 = tpu.memref_squeeze %dma_start3A_165 : memref<1x4x100xi32, #tpu.memory_space<hbm>> -> memref<4x100xi32, #tpu.memory_space<hbm>>
          %dma_start3A_167 = tpu.memref_slice %arg11[%rem3A_124] : memref<2x!tpu.dma_semaphore, #tpu.memory_space<semaphore_mem>> -> memref<1x!tpu.dma_semaphore, #tpu.memory_space<semaphore_mem>>
          %dma_start3A_168 = tpu.memref_squeeze %dma_start3A_167 : memref<1x!tpu.dma_semaphore, #tpu.memory_space<semaphore_mem>> -> memref<!tpu.dma_semaphore, #tpu.memory_space<semaphore_mem>>
          %dma_start3A_169 = arith.constant 0 : i32
          %dma_start3A_170 = arith.constant 0 : i32
          %dma_start3A_171 = tpu.memref_slice %arg6[%rem3A_124, %dma_start3A_159, %dma_start3A_169, %dma_start3A_170] : memref<2x2x4x100xi32, #tpu.memory_space<vmem>> -> memref<1x1x4x100xi32, #tpu.memory_space<vmem>>
          %dma_start3A_172 = tpu.memref_squeeze %dma_start3A_171 : memref<1x1x4x100xi32, #tpu.memory_space<vmem>> -> memref<4x100xi32, #tpu.memory_space<vmem>>
          %dma_start3A_173 = arith.constant 0 : i32
          %dma_start3A_174 = tpu.memref_slice %arg3[%dma_start3A_158, %add3A_129, %dma_start3A_173] : memref<2x1600x100xi32, #tpu.memory_space<hbm>> -> memref<1x4x100xi32, #tpu.memory_space<hbm>>
          %dma_start3A_175 = tpu.memref_squeeze %dma_start3A_174 : memref<1x4x100xi32, #tpu.memory_space<hbm>> -> memref<4x100xi32, #tpu.memory_space<hbm>>
          tpu.enqueue_dma source(%dma_start3A_175 : memref<4x100xi32, #tpu.memory_space<hbm>>) target(%dma_start3A_172 : memref<4x100xi32, #tpu.memory_space<vmem>>) target_semaphore(%dma_start3A_168 : memref<!tpu.dma_semaphore, #tpu.memory_space<semaphore_mem>>)
        } else {
        }
        %eq3A_135 = arith.constant 1 : i32
        %eq3A_136 = arith.cmpi eq, %arg0, %eq3A_135 : i32
        %convert_element_type3A_137 = arith.extui %eq3A_136 : i1 to i32
        %cond3A_138 = arith.constant 0 : i32
        %cond3A_139 = arith.cmpi ne, %convert_element_type3A_137, %cond3A_138 : i32
        scf.if %cond3A_139 {
          %dma_start3A_140 = arith.constant 0 : i32
          %dma_start3A_141 = arith.constant 0 : i32
          %dma_start3A_142 = arith.constant 0 : i32
          %dma_start3A_143 = arith.constant 0 : i32
          %dma_start3A_144 = tpu.memref_slice %arg6[%rem3A_124, %dma_start3A_141, %dma_start3A_142, %dma_start3A_143] : memref<2x2x4x100xi32, #tpu.memory_space<vmem>> -> memref<1x1x4x100xi32, #tpu.memory_space<vmem>>
          %dma_start3A_145 = tpu.memref_squeeze %dma_start3A_144 : memref<1x1x4x100xi32, #tpu.memory_space<vmem>> -> memref<4x100xi32, #tpu.memory_space<vmem>>
          %dma_start3A_146 = arith.constant 0 : i32
          %dma_start3A_147 = tpu.memref_slice %arg4[%dma_start3A_140, %add3A_129, %dma_start3A_146] : memref<2x1600x100xi32, #tpu.memory_space<hbm>> -> memref<1x4x100xi32, #tpu.memory_space<hbm>>
          %dma_start3A_148 = tpu.memref_squeeze %dma_start3A_147 : memref<1x4x100xi32, #tpu.memory_space<hbm>> -> memref<4x100xi32, #tpu.memory_space<hbm>>
          %dma_start3A_149 = tpu.memref_slice %arg11[%rem3A_124] : memref<2x!tpu.dma_semaphore, #tpu.memory_space<semaphore_mem>> -> memref<1x!tpu.dma_semaphore, #tpu.memory_space<semaphore_mem>>
          %dma_start3A_150 = tpu.memref_squeeze %dma_start3A_149 : memref<1x!tpu.dma_semaphore, #tpu.memory_space<semaphore_mem>> -> memref<!tpu.dma_semaphore, #tpu.memory_space<semaphore_mem>>
          %dma_start3A_151 = arith.constant 0 : i32
          %dma_start3A_152 = arith.constant 0 : i32
          %dma_start3A_153 = tpu.memref_slice %arg6[%rem3A_124, %dma_start3A_141, %dma_start3A_151, %dma_start3A_152] : memref<2x2x4x100xi32, #tpu.memory_space<vmem>> -> memref<1x1x4x100xi32, #tpu.memory_space<vmem>>
          %dma_start3A_154 = tpu.memref_squeeze %dma_start3A_153 : memref<1x1x4x100xi32, #tpu.memory_space<vmem>> -> memref<4x100xi32, #tpu.memory_space<vmem>>
          %dma_start3A_155 = arith.constant 0 : i32
          %dma_start3A_156 = tpu.memref_slice %arg4[%dma_start3A_140, %add3A_129, %dma_start3A_155] : memref<2x1600x100xi32, #tpu.memory_space<hbm>> -> memref<1x4x100xi32, #tpu.memory_space<hbm>>
          %dma_start3A_157 = tpu.memref_squeeze %dma_start3A_156 : memref<1x4x100xi32, #tpu.memory_space<hbm>> -> memref<4x100xi32, #tpu.memory_space<hbm>>
          tpu.enqueue_dma source(%dma_start3A_157 : memref<4x100xi32, #tpu.memory_space<hbm>>) target(%dma_start3A_154 : memref<4x100xi32, #tpu.memory_space<vmem>>) target_semaphore(%dma_start3A_150 : memref<!tpu.dma_semaphore, #tpu.memory_space<semaphore_mem>>)
          %dma_start3A_158 = arith.constant 1 : i32
          %dma_start3A_159 = arith.constant 1 : i32
          %dma_start3A_160 = arith.constant 0 : i32
          %dma_start3A_161 = arith.constant 0 : i32
          %dma_start3A_162 = tpu.memref_slice %arg6[%rem3A_124, %dma_start3A_159, %dma_start3A_160, %dma_start3A_161] : memref<2x2x4x100xi32, #tpu.memory_space<vmem>> -> memref<1x1x4x100xi32, #tpu.memory_space<vmem>>
          %dma_start3A_163 = tpu.memref_squeeze %dma_start3A_162 : memref<1x1x4x100xi32, #tpu.memory_space<vmem>> -> memref<4x100xi32, #tpu.memory_space<vmem>>
          %dma_start3A_164 = arith.constant 0 : i32
          %dma_start3A_165 = tpu.memref_slice %arg4[%dma_start3A_158, %add3A_129, %dma_start3A_164] : memref<2x1600x100xi32, #tpu.memory_space<hbm>> -> memref<1x4x100xi32, #tpu.memory_space<hbm>>
          %dma_start3A_166 = tpu.memref_squeeze %dma_start3A_165 : memref<1x4x100xi32, #tpu.memory_space<hbm>> -> memref<4x100xi32, #tpu.memory_space<hbm>>
          %dma_start3A_167 = tpu.memref_slice %arg11[%rem3A_124] : memref<2x!tpu.dma_semaphore, #tpu.memory_space<semaphore_mem>> -> memref<1x!tpu.dma_semaphore, #tpu.memory_space<semaphore_mem>>
          %dma_start3A_168 = tpu.memref_squeeze %dma_start3A_167 : memref<1x!tpu.dma_semaphore, #tpu.memory_space<semaphore_mem>> -> memref<!tpu.dma_semaphore, #tpu.memory_space<semaphore_mem>>
          %dma_start3A_169 = arith.constant 0 : i32
          %dma_start3A_170 = arith.constant 0 : i32
          %dma_start3A_171 = tpu.memref_slice %arg6[%rem3A_124, %dma_start3A_159, %dma_start3A_169, %dma_start3A_170] : memref<2x2x4x100xi32, #tpu.memory_space<vmem>> -> memref<1x1x4x100xi32, #tpu.memory_space<vmem>>
          %dma_start3A_172 = tpu.memref_squeeze %dma_start3A_171 : memref<1x1x4x100xi32, #tpu.memory_space<vmem>> -> memref<4x100xi32, #tpu.memory_space<vmem>>
          %dma_start3A_173 = arith.constant 0 : i32
          %dma_start3A_174 = tpu.memref_slice %arg4[%dma_start3A_158, %add3A_129, %dma_start3A_173] : memref<2x1600x100xi32, #tpu.memory_space<hbm>> -> memref<1x4x100xi32, #tpu.memory_space<hbm>>
          %dma_start3A_175 = tpu.memref_squeeze %dma_start3A_174 : memref<1x4x100xi32, #tpu.memory_space<hbm>> -> memref<4x100xi32, #tpu.memory_space<hbm>>
          tpu.enqueue_dma source(%dma_start3A_175 : memref<4x100xi32, #tpu.memory_space<hbm>>) target(%dma_start3A_172 : memref<4x100xi32, #tpu.memory_space<vmem>>) target_semaphore(%dma_start3A_168 : memref<!tpu.dma_semaphore, #tpu.memory_space<semaphore_mem>>)
        } else {
        }
      } else {
      }
    }
    %scan3A_64 = arith.constant 100 : i32
    %scan3A_65 = arith.constant 0 : i32
    %scan3A_66 = arith.constant 97 : i32
    %scan3A_67 = arith.constant 3 : i32
    %scan3A_68 = arith.addi %scan3A_66, %scan3A_67 : i32
    %scan3A_69 = arith.constant 1 : i32
    scf.for %scan3A_72 = %scan3A_66 to %scan3A_68 step %scan3A_69  : i32 {
      %rem3A = arith.constant 3 : i32
      %rem3A_73 = arith.remsi %scan3A_72, %rem3A : i32
      %div3A = arith.constant 4 : i32
      %div3A_74 = arith.divsi %scan3A_72, %div3A : i32
      %rem3A_75 = arith.constant 2 : i32
      %rem3A_76 = arith.remsi %div3A_74, %rem3A_75 : i32
      %rem3A_77 = arith.constant 4 : i32
      %rem3A_78 = arith.remsi %scan3A_72, %rem3A_77 : i32
      %dma_wait3A_79 = arith.constant 1 : i32
      %dma_wait3A_80 = arith.constant 0 : i32
      %dma_wait3A_81 = arith.constant 0 : i32
      %dma_wait3A_82 = tpu.memref_slice %arg7[%rem3A_73, %dma_wait3A_80, %dma_wait3A_81] : memref<3x100x128xf32, #tpu.memory_space<vmem>> -> memref<1x100x128xf32, #tpu.memory_space<vmem>>
      %dma_wait3A_83 = tpu.memref_squeeze %dma_wait3A_82 : memref<1x100x128xf32, #tpu.memory_space<vmem>> -> memref<100x128xf32, #tpu.memory_space<vmem>>
      %dma_wait3A_84 = arith.constant 0 : i32
      %dma_wait3A_85 = tpu.memref_slice %arg6[%rem3A_76, %dma_wait3A_79, %rem3A_78, %dma_wait3A_84] : memref<2x2x4x100xi32, #tpu.memory_space<vmem>> -> memref<1x1x1x100xi32, #tpu.memory_space<vmem>>
      %dma_wait3A_86 = tpu.memref_squeeze %dma_wait3A_85 : memref<1x1x1x100xi32, #tpu.memory_space<vmem>> -> memref<100xi32, #tpu.memory_space<vmem>>
      %dma_wait3A_87 = arith.constant 0 : i32
      %dma_wait3A_88 = arith.constant 0 : i32
      %dma_wait3A_89 = tpu.memref_slice %arg8[%dma_wait3A_87, %dma_wait3A_88] : memref<10240x128xf32, #tpu.memory_space<vmem_shared>> -> memref<10240x128xf32, #tpu.memory_space<vmem_shared>>
      %dma_wait3A_90 = tpu.memref_slice %arg10[%rem3A_73] : memref<3x!tpu.dma_semaphore, #tpu.memory_space<semaphore_mem>> -> memref<1x!tpu.dma_semaphore, #tpu.memory_space<semaphore_mem>>
      %dma_wait3A_91 = tpu.memref_squeeze %dma_wait3A_90 : memref<1x!tpu.dma_semaphore, #tpu.memory_space<semaphore_mem>> -> memref<!tpu.dma_semaphore, #tpu.memory_space<semaphore_mem>>
      tpu.wait_indirect_dma semaphore(%dma_wait3A_91 : memref<!tpu.dma_semaphore, #tpu.memory_space<semaphore_mem>>) src(%dma_wait3A_83 : memref<100x128xf32, #tpu.memory_space<vmem>>) dst(%dma_wait3A_89 : memref<10240x128xf32, #tpu.memory_space<vmem_shared>>)
    }
    %scan3A_70 = arith.constant 3 : i32
    %barrier3A_71 = arith.constant 0 : index
    tpu.barrier barrier_id(%barrier3A_71)
    "tpu.region"() ({
      %run_scoped3A = tpu.sem_alloc : memref<!tpu.dma_semaphore, #tpu.memory_space<semaphore_mem>>
      %dma_start3A = arith.constant 0 : i32
      %dma_start3A_72 = tpu.memref_slice %arg5[%arg0, %mul3A_0, %dma_start3A] : memref<2x10240x128xf32, #tpu.memory_space<hbm>> -> memref<1x640x128xf32, #tpu.memory_space<hbm>>
      %dma_start3A_73 = tpu.memref_squeeze %dma_start3A_72 : memref<1x640x128xf32, #tpu.memory_space<hbm>> -> memref<640x128xf32, #tpu.memory_space<hbm>>
      %dma_start3A_74 = arith.constant 0 : i32
      %dma_start3A_75 = tpu.memref_slice %arg8[%mul3A_0, %dma_start3A_74] : memref<10240x128xf32, #tpu.memory_space<vmem_shared>> -> memref<640x128xf32, #tpu.memory_space<vmem_shared>>
      tpu.enqueue_dma source(%dma_start3A_75 : memref<640x128xf32, #tpu.memory_space<vmem_shared>>) target(%dma_start3A_73 : memref<640x128xf32, #tpu.memory_space<hbm>>) target_semaphore(%run_scoped3A : memref<!tpu.dma_semaphore, #tpu.memory_space<semaphore_mem>>)
      %dma_wait3A_76 = arith.constant 0 : i32
      %dma_wait3A_77 = tpu.memref_slice %arg5[%arg0, %mul3A_0, %dma_wait3A_76] : memref<2x10240x128xf32, #tpu.memory_space<hbm>> -> memref<1x640x128xf32, #tpu.memory_space<hbm>>
      %dma_wait3A_78 = tpu.memref_squeeze %dma_wait3A_77 : memref<1x640x128xf32, #tpu.memory_space<hbm>> -> memref<640x128xf32, #tpu.memory_space<hbm>>
      %dma_wait3A_79 = arith.constant 0 : i32
      %dma_wait3A_80 = tpu.memref_slice %arg8[%mul3A_0, %dma_wait3A_79] : memref<10240x128xf32, #tpu.memory_space<vmem_shared>> -> memref<640x128xf32, #tpu.memory_space<vmem_shared>>
      tpu.wait_dma2 semaphore(%run_scoped3A : memref<!tpu.dma_semaphore, #tpu.memory_space<semaphore_mem>>) src(%dma_wait3A_80 : memref<640x128xf32, #tpu.memory_space<vmem_shared>>) dst(%dma_wait3A_78 : memref<640x128xf32, #tpu.memory_space<hbm>>)
      tpu.yield
    }) : () -> ()
    return
  }
}

module attributes {stable_mosaic.version = 14 : i64} {
  func.func @_embed_body(%arg0: memref<10000x2xi32, #tpu.memory_space<vmem>>, %arg1: memref<14x128xf32, #tpu.memory_space<vmem>>, %arg2: memref<2x128xf32, #tpu.memory_space<vmem>>, %arg3: memref<10240x128xf32, #tpu.memory_space<vmem>>) attributes {dimension_semantics = [], scalar_prefetch = 0 : i64, scratch_operands = 0 : i64, tpu.core_type = #tpu.core_type<tc>} {
    %get3A = arith.constant 0 : index
    %get3A_0 = arith.constant 0 : index
    %get3A_1 = vector.load %arg0[%get3A, %get3A_0] : memref<10000x2xi32, #tpu.memory_space<vmem>>, vector<10000x2xi32>
    %slice3A = vector.extract_strided_slice %get3A_1 {offsets = [0, 0], sizes = [10000, 1], strides = [1, 1]} : vector<10000x2xi32> to vector<10000x1xi32>
    %convert_element_type3A = arith.sitofp %slice3A : vector<10000x1xi32> to vector<10000x1xf32>
    %slice3A_2 = vector.extract_strided_slice %get3A_1 {offsets = [0, 1], sizes = [10000, 1], strides = [1, 1]} : vector<10000x2xi32> to vector<10000x1xi32>
    %convert_element_type3A_3 = arith.sitofp %slice3A_2 : vector<10000x1xi32> to vector<10000x1xf32>
    %get3A_4 = arith.constant 0 : index
    %get3A_5 = arith.constant 0 : index
    %get3A_6 = vector.load %arg1[%get3A_4, %get3A_5] : memref<14x128xf32, #tpu.memory_space<vmem>>, vector<1x128xf32>
    %get3A_7 = arith.constant 1 : index
    %get3A_8 = arith.constant 0 : index
    %get3A_9 = vector.load %arg1[%get3A_7, %get3A_8] : memref<14x128xf32, #tpu.memory_space<vmem>>, vector<1x128xf32>
    %get3A_10 = arith.constant 0 : index
    %get3A_11 = arith.constant 0 : index
    %get3A_12 = vector.load %arg2[%get3A_10, %get3A_11] : memref<2x128xf32, #tpu.memory_space<vmem>>, vector<1x128xf32>
    %get3A_13 = arith.constant 1 : index
    %get3A_14 = arith.constant 0 : index
    %get3A_15 = vector.load %arg2[%get3A_13, %get3A_14] : memref<2x128xf32, #tpu.memory_space<vmem>>, vector<1x128xf32>
    %sub3A = arith.subf %get3A_9, %get3A_6 : vector<1x128xf32>
    %mul3A = vector.broadcast %sub3A : vector<1x128xf32> to vector<10000x128xf32>
    %mul3A_16 = vector.broadcast %convert_element_type3A : vector<10000x1xf32> to vector<10000x128xf32>
    %mul3A_17 = arith.mulf %mul3A, %mul3A_16 : vector<10000x128xf32>
    %add3A = vector.broadcast %get3A_6 : vector<1x128xf32> to vector<10000x128xf32>
    %add3A_18 = arith.addf %add3A, %mul3A_17 : vector<10000x128xf32>
    %add3A_19 = vector.broadcast %get3A_12 : vector<1x128xf32> to vector<10000x128xf32>
    %add3A_20 = arith.addf %add3A_18, %add3A_19 : vector<10000x128xf32>
    %sub3A_21 = arith.subf %get3A_15, %get3A_12 : vector<1x128xf32>
    %mul3A_22 = vector.broadcast %sub3A_21 : vector<1x128xf32> to vector<10000x128xf32>
    %mul3A_23 = vector.broadcast %convert_element_type3A_3 : vector<10000x1xf32> to vector<10000x128xf32>
    %mul3A_24 = arith.mulf %mul3A_22, %mul3A_23 : vector<10000x128xf32>
    %add3A_25 = arith.addf %add3A_20, %mul3A_24 : vector<10000x128xf32>
    %swap3A = arith.constant 0 : index
    %swap3A_26 = arith.constant 0 : index
    %swap3A_27 = vector.load %arg3[%swap3A, %swap3A_26] : memref<10240x128xf32, #tpu.memory_space<vmem>>, vector<10000x128xf32>
    tpu.vector_store %arg3[%swap3A, %swap3A_26], %add3A_25 {strides = array<i32>} : memref<10240x128xf32, #tpu.memory_space<vmem>>, vector<10000x128xf32>,
    %broadcast_in_dim3A = arith.constant 0.000000e+00 : f32
    %broadcast_in_dim3A_28 = vector.broadcast %broadcast_in_dim3A : f32 to vector<240x128xf32>
    %swap3A_29 = arith.constant 10000 : index
    %swap3A_30 = arith.constant 0 : index
    %swap3A_31 = vector.load %arg3[%swap3A_29, %swap3A_30] : memref<10240x128xf32, #tpu.memory_space<vmem>>, vector<240x128xf32>
    tpu.vector_store %arg3[%swap3A_29, %swap3A_30], %broadcast_in_dim3A_28 {strides = array<i32>} : memref<10240x128xf32, #tpu.memory_space<vmem>>, vector<240x128xf32>,
    return
  }
}

module attributes {stable_mosaic.version = 14 : i64} {
  func.func @_layer_body(%arg0: i32, %arg1: memref<1x1024x128xf32, #tpu.memory_space<vmem>>, %arg2: memref<1x1024x128xf32, #tpu.memory_space<vmem>>, %arg3: memref<128x128xf32, #tpu.memory_space<vmem>>, %arg4: memref<1x128xf32, #tpu.memory_space<vmem>>, %arg5: memref<128x128xf32, #tpu.memory_space<vmem>>, %arg6: memref<1x128xf32, #tpu.memory_space<vmem>>, %arg7: memref<128x128xf32, #tpu.memory_space<vmem>>, %arg8: memref<1x128xf32, #tpu.memory_space<vmem>>, %arg9: memref<128x128xf32, #tpu.memory_space<vmem>>, %arg10: memref<1x128xf32, #tpu.memory_space<vmem>>, %arg11: memref<1024x128xf32, #tpu.memory_space<vmem>>) attributes {dimension_semantics = [#tpu.dimension_semantics<arbitrary>], iteration_bounds = array<i64: 10>, scalar_prefetch = 0 : i64, scratch_operands = 0 : i64, tpu.core_type = #tpu.core_type<tc>, window_params = [{transform_indices = @transform_0, window_bounds = array<i64: 1, 1024, 128>}, {transform_indices = @transform_1, window_bounds = array<i64: 1, 1024, 128>}, {pipeline_mode = #tpu.pipeline_mode<synchronous>, transform_indices = @transform_2, window_bounds = array<i64: 128, 128>}, {pipeline_mode = #tpu.pipeline_mode<synchronous>, transform_indices = @transform_3, window_bounds = array<i64: 1, 128>}, {pipeline_mode = #tpu.pipeline_mode<synchronous>, transform_indices = @transform_4, window_bounds = array<i64: 128, 128>}, {pipeline_mode = #tpu.pipeline_mode<synchronous>, transform_indices = @transform_5, window_bounds = array<i64: 1, 128>}, {pipeline_mode = #tpu.pipeline_mode<synchronous>, transform_indices = @transform_6, window_bounds = array<i64: 128, 128>}, {pipeline_mode = #tpu.pipeline_mode<synchronous>, transform_indices = @transform_7, window_bounds = array<i64: 1, 128>}, {pipeline_mode = #tpu.pipeline_mode<synchronous>, transform_indices = @transform_8, window_bounds = array<i64: 128, 128>}, {pipeline_mode = #tpu.pipeline_mode<synchronous>, transform_indices = @transform_9, window_bounds = array<i64: 1, 128>}, {transform_indices = @transform_10, window_bounds = array<i64: 1024, 128>}]} {
    %get3A = arith.constant 0 : index
    %get3A_0 = arith.constant 0 : index
    %get3A_1 = arith.constant 0 : index
    %get3A_2 = vector.load %arg1[%get3A, %get3A_0, %get3A_1] : memref<1x1024x128xf32, #tpu.memory_space<vmem>>, vector<1x1024x128xf32>
    %get3A_3 = vector.shape_cast %get3A_2 : vector<1x1024x128xf32> to vector<1024x128xf32>
    %get3A_4 = arith.constant 0 : index
    %get3A_5 = arith.constant 0 : index
    %get3A_6 = vector.load %arg3[%get3A_4, %get3A_5] : memref<128x128xf32, #tpu.memory_space<vmem>>, vector<128x128xf32>
    %dot_general3A = arith.constant dense<0.000000e+00> : vector<1024x128xf32>
    %dot_general3A_7 = tpu.matmul %get3A_3, %get3A_6, %dot_general3A {dimension_numbers = #tpu.dot_dimension_numbers<[1], [0], [0], [1], [0, 0, 1, 1], [], []>, transpose_lhs_hint = false} : vector<1024x128xf32>, vector<128x128xf32>, vector<1024x128xf32> -> vector<1024x128xf32>
    %get3A_8 = arith.constant 0 : index
    %get3A_9 = arith.constant 0 : index
    %get3A_10 = vector.load %arg4[%get3A_8, %get3A_9] : memref<1x128xf32, #tpu.memory_space<vmem>>, vector<1x128xf32>
    %add3A = vector.broadcast %get3A_10 : vector<1x128xf32> to vector<1024x128xf32>
    %add3A_11 = arith.addf %dot_general3A_7, %add3A : vector<1024x128xf32>
    %max3A = arith.constant 0.000000e+00 : f32
    %max3A_12 = vector.broadcast %max3A : f32 to vector<1024x128xf32>
    %max3A_13 = arith.maximumf %add3A_11, %max3A_12 : vector<1024x128xf32>
    %get3A_14 = arith.constant 0 : index
    %get3A_15 = arith.constant 0 : index
    %get3A_16 = vector.load %arg5[%get3A_14, %get3A_15] : memref<128x128xf32, #tpu.memory_space<vmem>>, vector<128x128xf32>
    %dot_general3A_17 = arith.constant dense<0.000000e+00> : vector<1024x128xf32>
    %dot_general3A_18 = tpu.matmul %max3A_13, %get3A_16, %dot_general3A_17 {dimension_numbers = #tpu.dot_dimension_numbers<[1], [0], [0], [1], [0, 0, 1, 1], [], []>, transpose_lhs_hint = false} : vector<1024x128xf32>, vector<128x128xf32>, vector<1024x128xf32> -> vector<1024x128xf32>
    %get3A_19 = arith.constant 0 : index
    %get3A_20 = arith.constant 0 : index
    %get3A_21 = vector.load %arg6[%get3A_19, %get3A_20] : memref<1x128xf32, #tpu.memory_space<vmem>>, vector<1x128xf32>
    %add3A_22 = vector.broadcast %get3A_21 : vector<1x128xf32> to vector<1024x128xf32>
    %add3A_23 = arith.addf %dot_general3A_18, %add3A_22 : vector<1024x128xf32>
    %get3A_24 = arith.constant 0 : index
    %get3A_25 = arith.constant 0 : index
    %get3A_26 = arith.constant 0 : index
    %get3A_27 = vector.load %arg2[%get3A_24, %get3A_25, %get3A_26] : memref<1x1024x128xf32, #tpu.memory_space<vmem>>, vector<1x1024x128xf32>
    %get3A_28 = vector.shape_cast %get3A_27 : vector<1x1024x128xf32> to vector<1024x128xf32>
    %get3A_29 = arith.constant 0 : index
    %get3A_30 = arith.constant 0 : index
    %get3A_31 = vector.load %arg7[%get3A_29, %get3A_30] : memref<128x128xf32, #tpu.memory_space<vmem>>, vector<128x128xf32>
    %dot_general3A_32 = arith.constant dense<0.000000e+00> : vector<1024x128xf32>
    %dot_general3A_33 = tpu.matmul %get3A_28, %get3A_31, %dot_general3A_32 {dimension_numbers = #tpu.dot_dimension_numbers<[1], [0], [0], [1], [0, 0, 1, 1], [], []>, transpose_lhs_hint = false} : vector<1024x128xf32>, vector<128x128xf32>, vector<1024x128xf32> -> vector<1024x128xf32>
    %get3A_34 = arith.constant 0 : index
    %get3A_35 = arith.constant 0 : index
    %get3A_36 = vector.load %arg8[%get3A_34, %get3A_35] : memref<1x128xf32, #tpu.memory_space<vmem>>, vector<1x128xf32>
    %add3A_37 = vector.broadcast %get3A_36 : vector<1x128xf32> to vector<1024x128xf32>
    %add3A_38 = arith.addf %dot_general3A_33, %add3A_37 : vector<1024x128xf32>
    %max3A_39 = arith.constant 0.000000e+00 : f32
    %max3A_40 = vector.broadcast %max3A_39 : f32 to vector<1024x128xf32>
    %max3A_41 = arith.maximumf %add3A_38, %max3A_40 : vector<1024x128xf32>
    %get3A_42 = arith.constant 0 : index
    %get3A_43 = arith.constant 0 : index
    %get3A_44 = vector.load %arg9[%get3A_42, %get3A_43] : memref<128x128xf32, #tpu.memory_space<vmem>>, vector<128x128xf32>
    %dot_general3A_45 = arith.constant dense<0.000000e+00> : vector<1024x128xf32>
    %dot_general3A_46 = tpu.matmul %max3A_41, %get3A_44, %dot_general3A_45 {dimension_numbers = #tpu.dot_dimension_numbers<[1], [0], [0], [1], [0, 0, 1, 1], [], []>, transpose_lhs_hint = false} : vector<1024x128xf32>, vector<128x128xf32>, vector<1024x128xf32> -> vector<1024x128xf32>
    %get3A_47 = arith.constant 0 : index
    %get3A_48 = arith.constant 0 : index
    %get3A_49 = vector.load %arg10[%get3A_47, %get3A_48] : memref<1x128xf32, #tpu.memory_space<vmem>>, vector<1x128xf32>
    %add3A_50 = vector.broadcast %get3A_49 : vector<1x128xf32> to vector<1024x128xf32>
    %add3A_51 = arith.addf %dot_general3A_46, %add3A_50 : vector<1024x128xf32>
    %add3A_52 = arith.addf %add3A_23, %add3A_51 : vector<1024x128xf32>
    %max3A_53 = arith.constant 0.000000e+00 : f32
    %max3A_54 = vector.broadcast %max3A_53 : f32 to vector<1024x128xf32>
    %max3A_55 = arith.maximumf %add3A_52, %max3A_54 : vector<1024x128xf32>
    %swap3A = arith.constant 0 : index
    %swap3A_56 = arith.constant 0 : index
    %swap3A_57 = vector.load %arg11[%swap3A, %swap3A_56] : memref<1024x128xf32, #tpu.memory_space<vmem>>, vector<1024x128xf32>
    tpu.vector_store %arg11[%swap3A, %swap3A_56], %max3A_55 {strides = array<i32>} : memref<1024x128xf32, #tpu.memory_space<vmem>>, vector<1024x128xf32>,
    return
  }
  func.func @transform_0(%arg0: i32) -> (i32, i32, i32) {
    %c0_i32 = arith.constant 0 : i32
    %c0_i32_0 = arith.constant 0 : i32
    %c0_i32_1 = arith.constant 0 : i32
    return %c0_i32, %arg0, %c0_i32_0 : i32, i32, i32
  }
  func.func @transform_1(%arg0: i32) -> (i32, i32, i32) {
    %c1_i32 = arith.constant 1 : i32
    %c0_i32 = arith.constant 0 : i32
    %c0_i32_0 = arith.constant 0 : i32
    return %c1_i32, %arg0, %c0_i32 : i32, i32, i32
  }
  func.func @transform_2(%arg0: i32) -> (i32, i32) {
    %c0_i32 = arith.constant 0 : i32
    %c0_i32_0 = arith.constant 0 : i32
    %c0_i32_1 = arith.constant 0 : i32
    return %c0_i32, %c0_i32_0 : i32, i32
  }
  func.func @transform_3(%arg0: i32) -> (i32, i32) {
    %c0_i32 = arith.constant 0 : i32
    %c0_i32_0 = arith.constant 0 : i32
    %c0_i32_1 = arith.constant 0 : i32
    return %c0_i32, %c0_i32_0 : i32, i32
  }
  func.func @transform_4(%arg0: i32) -> (i32, i32) {
    %c0_i32 = arith.constant 0 : i32
    %c0_i32_0 = arith.constant 0 : i32
    %c0_i32_1 = arith.constant 0 : i32
    return %c0_i32, %c0_i32_0 : i32, i32
  }
  func.func @transform_5(%arg0: i32) -> (i32, i32) {
    %c0_i32 = arith.constant 0 : i32
    %c0_i32_0 = arith.constant 0 : i32
    %c0_i32_1 = arith.constant 0 : i32
    return %c0_i32, %c0_i32_0 : i32, i32
  }
  func.func @transform_6(%arg0: i32) -> (i32, i32) {
    %c0_i32 = arith.constant 0 : i32
    %c0_i32_0 = arith.constant 0 : i32
    %c0_i32_1 = arith.constant 0 : i32
    return %c0_i32, %c0_i32_0 : i32, i32
  }
  func.func @transform_7(%arg0: i32) -> (i32, i32) {
    %c0_i32 = arith.constant 0 : i32
    %c0_i32_0 = arith.constant 0 : i32
    %c0_i32_1 = arith.constant 0 : i32
    return %c0_i32, %c0_i32_0 : i32, i32
  }
  func.func @transform_8(%arg0: i32) -> (i32, i32) {
    %c0_i32 = arith.constant 0 : i32
    %c0_i32_0 = arith.constant 0 : i32
    %c0_i32_1 = arith.constant 0 : i32
    return %c0_i32, %c0_i32_0 : i32, i32
  }
  func.func @transform_9(%arg0: i32) -> (i32, i32) {
    %c0_i32 = arith.constant 0 : i32
    %c0_i32_0 = arith.constant 0 : i32
    %c0_i32_1 = arith.constant 0 : i32
    return %c0_i32, %c0_i32_0 : i32, i32
  }
  func.func @transform_10(%arg0: i32) -> (i32, i32) {
    %c0_i32 = arith.constant 0 : i32
    %c0_i32_0 = arith.constant 0 : i32
    return %arg0, %c0_i32 : i32, i32
  }
}

module attributes {stable_mosaic.version = 14 : i64} {
  func.func @_final_body(%arg0: i32, %arg1: memref<1x1024x128xf32, #tpu.memory_space<vmem>>, %arg2: memref<1x1024x128xf32, #tpu.memory_space<vmem>>, %arg3: memref<128x128xf32, #tpu.memory_space<vmem>>, %arg4: memref<1x128xf32, #tpu.memory_space<vmem>>, %arg5: memref<128x128xf32, #tpu.memory_space<vmem>>, %arg6: memref<1x128xf32, #tpu.memory_space<vmem>>, %arg7: memref<128x128xf32, #tpu.memory_space<vmem>>, %arg8: memref<1x128xf32, #tpu.memory_space<vmem>>, %arg9: memref<128x128xf32, #tpu.memory_space<vmem>>, %arg10: memref<1x128xf32, #tpu.memory_space<vmem>>, %arg11: memref<1024x1xi32, #tpu.memory_space<vmem>>, %arg12: memref<1x1024xi32, #tpu.memory_space<vmem>>, %arg13: memref<64x128xf32, #tpu.memory_space<vmem>>, %arg14: memref<64x128xf32, #tpu.memory_space<vmem>>, %arg15: memref<64x128xf32, #tpu.memory_space<vmem>>, %arg16: memref<64x128xf32, #tpu.memory_space<vmem>>, %arg17: memref<64x128xf32, #tpu.memory_space<vmem>>, %arg18: memref<64x128xf32, #tpu.memory_space<vmem>>, %arg19: memref<64x128xf32, #tpu.memory_space<vmem>>, %arg20: memref<64x128xf32, #tpu.memory_space<vmem>>) attributes {dimension_semantics = [#tpu.dimension_semantics<arbitrary>], iteration_bounds = array<i64: 10>, scalar_prefetch = 0 : i64, scratch_operands = 4 : i64, tpu.core_type = #tpu.core_type<tc>, window_params = [{transform_indices = @transform_0, window_bounds = array<i64: 1, 1024, 128>}, {transform_indices = @transform_1, window_bounds = array<i64: 1, 1024, 128>}, {pipeline_mode = #tpu.pipeline_mode<synchronous>, transform_indices = @transform_2, window_bounds = array<i64: 128, 128>}, {pipeline_mode = #tpu.pipeline_mode<synchronous>, transform_indices = @transform_3, window_bounds = array<i64: 1, 128>}, {pipeline_mode = #tpu.pipeline_mode<synchronous>, transform_indices = @transform_4, window_bounds = array<i64: 128, 128>}, {pipeline_mode = #tpu.pipeline_mode<synchronous>, transform_indices = @transform_5, window_bounds = array<i64: 1, 128>}, {pipeline_mode = #tpu.pipeline_mode<synchronous>, transform_indices = @transform_6, window_bounds = array<i64: 128, 128>}, {pipeline_mode = #tpu.pipeline_mode<synchronous>, transform_indices = @transform_7, window_bounds = array<i64: 1, 128>}, {pipeline_mode = #tpu.pipeline_mode<synchronous>, transform_indices = @transform_8, window_bounds = array<i64: 128, 128>}, {pipeline_mode = #tpu.pipeline_mode<synchronous>, transform_indices = @transform_9, window_bounds = array<i64: 1, 128>}, {transform_indices = @transform_10, window_bounds = array<i64: 1024, 1>}, {transform_indices = @transform_11, window_bounds = array<i64: 1, 1024>}, {pipeline_mode = #tpu.pipeline_mode<synchronous>, transform_indices = @transform_12, window_bounds = array<i64: 64, 128>}, {pipeline_mode = #tpu.pipeline_mode<synchronous>, transform_indices = @transform_13, window_bounds = array<i64: 64, 128>}, {pipeline_mode = #tpu.pipeline_mode<synchronous>, transform_indices = @transform_14, window_bounds = array<i64: 64, 128>}, {pipeline_mode = #tpu.pipeline_mode<synchronous>, transform_indices = @transform_15, window_bounds = array<i64: 64, 128>}]} {
    %eq3A = arith.constant 0 : i32
    %eq3A_0 = arith.cmpi eq, %arg0, %eq3A : i32
    %convert_element_type3A = arith.extui %eq3A_0 : i1 to i32
    %cond3A = arith.constant 0 : i32
    %cond3A_1 = arith.cmpi ne, %convert_element_type3A, %cond3A : i32
    scf.if %cond3A_1 {
      %broadcast_in_dim3A_106 = arith.constant 0.000000e+00 : f32
      %broadcast_in_dim3A_107 = vector.broadcast %broadcast_in_dim3A_106 : f32 to vector<64x128xf32>
      %swap3A_108 = arith.constant 0 : index
      %swap3A_109 = arith.constant 0 : index
      %swap3A_110 = vector.load %arg17[%swap3A_108, %swap3A_109] : memref<64x128xf32, #tpu.memory_space<vmem>>, vector<64x128xf32>
      tpu.vector_store %arg17[%swap3A_108, %swap3A_109], %broadcast_in_dim3A_107 {strides = array<i32>} : memref<64x128xf32, #tpu.memory_space<vmem>>, vector<64x128xf32>,
      %broadcast_in_dim3A_111 = arith.constant 0.000000e+00 : f32
      %broadcast_in_dim3A_112 = vector.broadcast %broadcast_in_dim3A_111 : f32 to vector<64x128xf32>
      %swap3A_113 = arith.constant 0 : index
      %swap3A_114 = arith.constant 0 : index
      %swap3A_115 = vector.load %arg18[%swap3A_113, %swap3A_114] : memref<64x128xf32, #tpu.memory_space<vmem>>, vector<64x128xf32>
      tpu.vector_store %arg18[%swap3A_113, %swap3A_114], %broadcast_in_dim3A_112 {strides = array<i32>} : memref<64x128xf32, #tpu.memory_space<vmem>>, vector<64x128xf32>,
      %broadcast_in_dim3A_116 = arith.constant 0xFF800000 : f32
      %broadcast_in_dim3A_117 = vector.broadcast %broadcast_in_dim3A_116 : f32 to vector<64x128xf32>
      %swap3A_118 = arith.constant 0 : index
      %swap3A_119 = arith.constant 0 : index
      %swap3A_120 = vector.load %arg19[%swap3A_118, %swap3A_119] : memref<64x128xf32, #tpu.memory_space<vmem>>, vector<64x128xf32>
      tpu.vector_store %arg19[%swap3A_118, %swap3A_119], %broadcast_in_dim3A_117 {strides = array<i32>} : memref<64x128xf32, #tpu.memory_space<vmem>>, vector<64x128xf32>,
      %broadcast_in_dim3A_121 = arith.constant 0x7F800000 : f32
      %broadcast_in_dim3A_122 = vector.broadcast %broadcast_in_dim3A_121 : f32 to vector<64x128xf32>
      %swap3A_123 = arith.constant 0 : index
      %swap3A_124 = arith.constant 0 : index
      %swap3A_125 = vector.load %arg20[%swap3A_123, %swap3A_124] : memref<64x128xf32, #tpu.memory_space<vmem>>, vector<64x128xf32>
      tpu.vector_store %arg20[%swap3A_123, %swap3A_124], %broadcast_in_dim3A_122 {strides = array<i32>} : memref<64x128xf32, #tpu.memory_space<vmem>>, vector<64x128xf32>,
    } else {
    }
    %get3A = arith.constant 0 : index
    %get3A_2 = arith.constant 0 : index
    %get3A_3 = arith.constant 0 : index
    %get3A_4 = vector.load %arg1[%get3A, %get3A_2, %get3A_3] : memref<1x1024x128xf32, #tpu.memory_space<vmem>>, vector<1x1024x128xf32>
    %get3A_5 = vector.shape_cast %get3A_4 : vector<1x1024x128xf32> to vector<1024x128xf32>
    %get3A_6 = arith.constant 0 : index
    %get3A_7 = arith.constant 0 : index
    %get3A_8 = vector.load %arg3[%get3A_6, %get3A_7] : memref<128x128xf32, #tpu.memory_space<vmem>>, vector<128x128xf32>
    %dot_general3A = arith.constant dense<0.000000e+00> : vector<1024x128xf32>
    %dot_general3A_9 = tpu.matmul %get3A_5, %get3A_8, %dot_general3A {dimension_numbers = #tpu.dot_dimension_numbers<[1], [0], [0], [1], [0, 0, 1, 1], [], []>, transpose_lhs_hint = false} : vector<1024x128xf32>, vector<128x128xf32>, vector<1024x128xf32> -> vector<1024x128xf32>
    %get3A_10 = arith.constant 0 : index
    %get3A_11 = arith.constant 0 : index
    %get3A_12 = vector.load %arg4[%get3A_10, %get3A_11] : memref<1x128xf32, #tpu.memory_space<vmem>>, vector<1x128xf32>
    %add3A = vector.broadcast %get3A_12 : vector<1x128xf32> to vector<1024x128xf32>
    %add3A_13 = arith.addf %dot_general3A_9, %add3A : vector<1024x128xf32>
    %max3A = arith.constant 0.000000e+00 : f32
    %max3A_14 = vector.broadcast %max3A : f32 to vector<1024x128xf32>
    %max3A_15 = arith.maximumf %add3A_13, %max3A_14 : vector<1024x128xf32>
    %get3A_16 = arith.constant 0 : index
    %get3A_17 = arith.constant 0 : index
    %get3A_18 = vector.load %arg5[%get3A_16, %get3A_17] : memref<128x128xf32, #tpu.memory_space<vmem>>, vector<128x128xf32>
    %dot_general3A_19 = arith.constant dense<0.000000e+00> : vector<1024x128xf32>
    %dot_general3A_20 = tpu.matmul %max3A_15, %get3A_18, %dot_general3A_19 {dimension_numbers = #tpu.dot_dimension_numbers<[1], [0], [0], [1], [0, 0, 1, 1], [], []>, transpose_lhs_hint = false} : vector<1024x128xf32>, vector<128x128xf32>, vector<1024x128xf32> -> vector<1024x128xf32>
    %get3A_21 = arith.constant 0 : index
    %get3A_22 = arith.constant 0 : index
    %get3A_23 = vector.load %arg6[%get3A_21, %get3A_22] : memref<1x128xf32, #tpu.memory_space<vmem>>, vector<1x128xf32>
    %add3A_24 = vector.broadcast %get3A_23 : vector<1x128xf32> to vector<1024x128xf32>
    %add3A_25 = arith.addf %dot_general3A_20, %add3A_24 : vector<1024x128xf32>
    %get3A_26 = arith.constant 0 : index
    %get3A_27 = arith.constant 0 : index
    %get3A_28 = arith.constant 0 : index
    %get3A_29 = vector.load %arg2[%get3A_26, %get3A_27, %get3A_28] : memref<1x1024x128xf32, #tpu.memory_space<vmem>>, vector<1x1024x128xf32>
    %get3A_30 = vector.shape_cast %get3A_29 : vector<1x1024x128xf32> to vector<1024x128xf32>
    %get3A_31 = arith.constant 0 : index
    %get3A_32 = arith.constant 0 : index
    %get3A_33 = vector.load %arg7[%get3A_31, %get3A_32] : memref<128x128xf32, #tpu.memory_space<vmem>>, vector<128x128xf32>
    %dot_general3A_34 = arith.constant dense<0.000000e+00> : vector<1024x128xf32>
    %dot_general3A_35 = tpu.matmul %get3A_30, %get3A_33, %dot_general3A_34 {dimension_numbers = #tpu.dot_dimension_numbers<[1], [0], [0], [1], [0, 0, 1, 1], [], []>, transpose_lhs_hint = false} : vector<1024x128xf32>, vector<128x128xf32>, vector<1024x128xf32> -> vector<1024x128xf32>
    %get3A_36 = arith.constant 0 : index
    %get3A_37 = arith.constant 0 : index
    %get3A_38 = vector.load %arg8[%get3A_36, %get3A_37] : memref<1x128xf32, #tpu.memory_space<vmem>>, vector<1x128xf32>
    %add3A_39 = vector.broadcast %get3A_38 : vector<1x128xf32> to vector<1024x128xf32>
    %add3A_40 = arith.addf %dot_general3A_35, %add3A_39 : vector<1024x128xf32>
    %max3A_41 = arith.constant 0.000000e+00 : f32
    %max3A_42 = vector.broadcast %max3A_41 : f32 to vector<1024x128xf32>
    %max3A_43 = arith.maximumf %add3A_40, %max3A_42 : vector<1024x128xf32>
    %get3A_44 = arith.constant 0 : index
    %get3A_45 = arith.constant 0 : index
    %get3A_46 = vector.load %arg9[%get3A_44, %get3A_45] : memref<128x128xf32, #tpu.memory_space<vmem>>, vector<128x128xf32>
    %dot_general3A_47 = arith.constant dense<0.000000e+00> : vector<1024x128xf32>
    %dot_general3A_48 = tpu.matmul %max3A_43, %get3A_46, %dot_general3A_47 {dimension_numbers = #tpu.dot_dimension_numbers<[1], [0], [0], [1], [0, 0, 1, 1], [], []>, transpose_lhs_hint = false} : vector<1024x128xf32>, vector<128x128xf32>, vector<1024x128xf32> -> vector<1024x128xf32>
    %get3A_49 = arith.constant 0 : index
    %get3A_50 = arith.constant 0 : index
    %get3A_51 = vector.load %arg10[%get3A_49, %get3A_50] : memref<1x128xf32, #tpu.memory_space<vmem>>, vector<1x128xf32>
    %add3A_52 = vector.broadcast %get3A_51 : vector<1x128xf32> to vector<1024x128xf32>
    %add3A_53 = arith.addf %dot_general3A_48, %add3A_52 : vector<1024x128xf32>
    %add3A_54 = arith.addf %add3A_25, %add3A_53 : vector<1024x128xf32>
    %get3A_55 = arith.constant 0 : index
    %get3A_56 = arith.constant 0 : index
    %get3A_57 = vector.load %arg11[%get3A_55, %get3A_56] : memref<1024x1xi32, #tpu.memory_space<vmem>>, vector<1024x1xi32>
    %get3A_58 = arith.constant 0 : index
    %get3A_59 = arith.constant 0 : index
    %get3A_60 = vector.load %arg12[%get3A_58, %get3A_59] : memref<1x1024xi32, #tpu.memory_space<vmem>>, vector<1x1024xi32>
    %iota3A = tpu.iota {dimensions = array<i32: 0>} : vector<64x1024xi32>
    %eq3A_61 = vector.broadcast %get3A_60 : vector<1x1024xi32> to vector<64x1024xi32>
    %eq3A_62 = arith.cmpi eq, %iota3A, %eq3A_61 : vector<64x1024xi32>
    %convert_element_type3A_63 = arith.extui %eq3A_62 : vector<64x1024xi1> to vector<64x1024xi32>
    %convert_element_type3A_64 = arith.sitofp %convert_element_type3A_63 : vector<64x1024xi32> to vector<64x1024xf32>
    %get3A_65 = arith.constant 0 : index
    %get3A_66 = arith.constant 0 : index
    %get3A_67 = vector.load %arg17[%get3A_65, %get3A_66] : memref<64x128xf32, #tpu.memory_space<vmem>>, vector<64x128xf32>
    %dot_general3A_68 = arith.constant dense<0.000000e+00> : vector<64x128xf32>
    %dot_general3A_69 = tpu.matmul %convert_element_type3A_64, %add3A_54, %dot_general3A_68 {dimension_numbers = #tpu.dot_dimension_numbers<[1], [0], [0], [1], [0, 0, 1, 1], [], []>, transpose_lhs_hint = false} : vector<64x1024xf32>, vector<1024x128xf32>, vector<64x128xf32> -> vector<64x128xf32>
    %add3A_70 = arith.addf %get3A_67, %dot_general3A_69 : vector<64x128xf32>
    %swap3A = arith.constant 0 : index
    %swap3A_71 = arith.constant 0 : index
    %swap3A_72 = vector.load %arg17[%swap3A, %swap3A_71] : memref<64x128xf32, #tpu.memory_space<vmem>>, vector<64x128xf32>
    tpu.vector_store %arg17[%swap3A, %swap3A_71], %add3A_70 {strides = array<i32>} : memref<64x128xf32, #tpu.memory_space<vmem>>, vector<64x128xf32>,
    %get3A_73 = arith.constant 0 : index
    %get3A_74 = arith.constant 0 : index
    %get3A_75 = vector.load %arg18[%get3A_73, %get3A_74] : memref<64x128xf32, #tpu.memory_space<vmem>>, vector<64x128xf32>
    %reduce_sum3A = arith.constant dense<0.000000e+00> : vector<64xf32>
    %reduce_sum3A_76 = vector.multi_reduction <add>, %convert_element_type3A_64, %reduce_sum3A [1] : vector<64x1024xf32> to vector<64xf32>
    %broadcast_in_dim3A = vector.shape_cast %reduce_sum3A_76 : vector<64xf32> to vector<64x1xf32>
    %broadcast_in_dim3A_77 = vector.shape_cast %broadcast_in_dim3A : vector<64x1xf32> to vector<64x1xf32>
    %broadcast_in_dim3A_78 = vector.broadcast %broadcast_in_dim3A_77 : vector<64x1xf32> to vector<64x128xf32>
    %add3A_79 = arith.addf %get3A_75, %broadcast_in_dim3A_78 : vector<64x128xf32>
    %swap3A_80 = arith.constant 0 : index
    %swap3A_81 = arith.constant 0 : index
    %swap3A_82 = vector.load %arg18[%swap3A_80, %swap3A_81] : memref<64x128xf32, #tpu.memory_space<vmem>>, vector<64x128xf32>
    tpu.vector_store %arg18[%swap3A_80, %swap3A_81], %add3A_79 {strides = array<i32>} : memref<64x128xf32, #tpu.memory_space<vmem>>, vector<64x128xf32>,
    %reduce_min3A = vector.shape_cast %get3A_57 : vector<1024x1xi32> to vector<1x1024x1xi32>
    %reduce_min3A_83 = arith.constant dense<2147483647> : vector<1xi32>
    %reduce_min3A_84 = vector.multi_reduction <minsi>, %reduce_min3A, %reduce_min3A_83 [1, 2] : vector<1x1024x1xi32> to vector<1xi32>
    %reduce_min3A_85 = vector.shape_cast %reduce_min3A_84 : vector<1xi32> to vector<1x1x1xi32>
    %reduce_min3A_86 = vector.extract %reduce_min3A_85[0, 0, 0] : i32 from vector<1x1x1xi32>
    %reduce_max3A = vector.shape_cast %get3A_57 : vector<1024x1xi32> to vector<1x1024x1xi32>
    %reduce_max3A_87 = arith.constant dense<-2147483648> : vector<1xi32>
    %reduce_max3A_88 = vector.multi_reduction <maxsi>, %reduce_max3A, %reduce_max3A_87 [1, 2] : vector<1x1024x1xi32> to vector<1xi32>
    %reduce_max3A_89 = vector.shape_cast %reduce_max3A_88 : vector<1xi32> to vector<1x1x1xi32>
    %reduce_max3A_90 = vector.extract %reduce_max3A_89[0, 0, 0] : i32 from vector<1x1x1xi32>
    %add3A_91 = arith.constant 1 : i32
    %add3A_92 = arith.addi %reduce_max3A_90, %add3A_91 : i32
    %while3A = arith.constant 0 : i32
    %while3A_93 = arith.subi %add3A_92, %reduce_min3A_86 : i32
    %while3A_94 = arith.addi %reduce_min3A_86, %while3A_93 : i32
    %while3A_95 = arith.constant 1 : i32
    %while3A_96 = arith.divsi %while3A_93, %while3A_95 : i32
    %while3A_97 = arith.muli %while3A_96, %while3A_95 : i32
    %while3A_98 = arith.addi %reduce_min3A_86, %while3A_97 : i32
    %while3A_99 = arith.constant 1 : i32
    scf.for %while3A_106 = %reduce_min3A_86 to %while3A_98 step %while3A_99  : i32 {
      %eq3A_107 = vector.broadcast %while3A_106 : i32 to vector<1024x1xi32>
      %eq3A_108 = arith.cmpi eq, %get3A_57, %eq3A_107 : vector<1024x1xi32>
      %jit3A = arith.constant 0xFF800000 : f32
      %broadcast_in_dim3A_109 = vector.shape_cast %eq3A_108 : vector<1024x1xi1> to vector<1024x1xi1>
      %broadcast_in_dim3A_110 = vector.broadcast %broadcast_in_dim3A_109 : vector<1024x1xi1> to vector<1024x128xi1>
      %broadcast_in_dim3A_111 = vector.broadcast %jit3A : f32 to vector<1024x128xf32>
      %select_n3A = arith.select %broadcast_in_dim3A_110, %add3A_54, %broadcast_in_dim3A_111 : vector<1024x128xi1>, vector<1024x128xf32>
      %reduce_max3A_112 = arith.constant dense<0xFF800000> : vector<128xf32>
      %reduce_max3A_113 = vector.multi_reduction <maximumf>, %select_n3A, %reduce_max3A_112 [0] : vector<1024x128xf32> to vector<128xf32>
      %broadcast_in_dim3A_114 = vector.shape_cast %reduce_max3A_113 : vector<128xf32> to vector<1x128xf32>
      %jit3A_115 = arith.constant 0x7F800000 : f32
      %broadcast_in_dim3A_116 = vector.shape_cast %eq3A_108 : vector<1024x1xi1> to vector<1024x1xi1>
      %broadcast_in_dim3A_117 = vector.broadcast %broadcast_in_dim3A_116 : vector<1024x1xi1> to vector<1024x128xi1>
      %broadcast_in_dim3A_118 = vector.broadcast %jit3A_115 : f32 to vector<1024x128xf32>
      %select_n3A_119 = arith.select %broadcast_in_dim3A_117, %add3A_54, %broadcast_in_dim3A_118 : vector<1024x128xi1>, vector<1024x128xf32>
      %reduce_min3A_120 = arith.constant dense<0x7F800000> : vector<128xf32>
      %reduce_min3A_121 = vector.multi_reduction <minimumf>, %select_n3A_119, %reduce_min3A_120 [0] : vector<1024x128xf32> to vector<128xf32>
      %broadcast_in_dim3A_122 = vector.shape_cast %reduce_min3A_121 : vector<128xf32> to vector<1x128xf32>
      %iota3A_123 = tpu.iota {dimensions = array<i32: 0>} : vector<64x1xi32>
      %eq3A_124 = vector.broadcast %while3A_106 : i32 to vector<64x1xi32>
      %eq3A_125 = arith.cmpi eq, %iota3A_123, %eq3A_124 : vector<64x1xi32>
      %get3A_126 = arith.constant 0 : index
      %get3A_127 = arith.constant 0 : index
      %get3A_128 = vector.load %arg19[%get3A_126, %get3A_127] : memref<64x128xf32, #tpu.memory_space<vmem>>, vector<64x128xf32>
      %max3A_129 = vector.broadcast %broadcast_in_dim3A_114 : vector<1x128xf32> to vector<64x128xf32>
      %max3A_130 = arith.maximumf %get3A_128, %max3A_129 : vector<64x128xf32>
      %get3A_131 = arith.constant 0 : index
      %get3A_132 = arith.constant 0 : index
      %get3A_133 = vector.load %arg19[%get3A_131, %get3A_132] : memref<64x128xf32, #tpu.memory_space<vmem>>, vector<64x128xf32>
      %broadcast_in_dim3A_134 = vector.shape_cast %eq3A_125 : vector<64x1xi1> to vector<64x1xi1>
      %broadcast_in_dim3A_135 = vector.broadcast %broadcast_in_dim3A_134 : vector<64x1xi1> to vector<64x128xi1>
      %select_n3A_136 = arith.select %broadcast_in_dim3A_135, %max3A_130, %get3A_133 : vector<64x128xi1>, vector<64x128xf32>
      %swap3A_137 = arith.constant 0 : index
      %swap3A_138 = arith.constant 0 : index
      %swap3A_139 = vector.load %arg19[%swap3A_137, %swap3A_138] : memref<64x128xf32, #tpu.memory_space<vmem>>, vector<64x128xf32>
      tpu.vector_store %arg19[%swap3A_137, %swap3A_138], %select_n3A_136 {strides = array<i32>} : memref<64x128xf32, #tpu.memory_space<vmem>>, vector<64x128xf32>,
      %get3A_140 = arith.constant 0 : index
      %get3A_141 = arith.constant 0 : index
      %get3A_142 = vector.load %arg20[%get3A_140, %get3A_141] : memref<64x128xf32, #tpu.memory_space<vmem>>, vector<64x128xf32>
      %min3A = vector.broadcast %broadcast_in_dim3A_122 : vector<1x128xf32> to vector<64x128xf32>
      %min3A_143 = arith.minimumf %get3A_142, %min3A : vector<64x128xf32>
      %get3A_144 = arith.constant 0 : index
      %get3A_145 = arith.constant 0 : index
      %get3A_146 = vector.load %arg20[%get3A_144, %get3A_145] : memref<64x128xf32, #tpu.memory_space<vmem>>, vector<64x128xf32>
      %broadcast_in_dim3A_147 = vector.shape_cast %eq3A_125 : vector<64x1xi1> to vector<64x1xi1>
      %broadcast_in_dim3A_148 = vector.broadcast %broadcast_in_dim3A_147 : vector<64x1xi1> to vector<64x128xi1>
      %select_n3A_149 = arith.select %broadcast_in_dim3A_148, %min3A_143, %get3A_146 : vector<64x128xi1>, vector<64x128xf32>
      %swap3A_150 = arith.constant 0 : index
      %swap3A_151 = arith.constant 0 : index
      %swap3A_152 = vector.load %arg20[%swap3A_150, %swap3A_151] : memref<64x128xf32, #tpu.memory_space<vmem>>, vector<64x128xf32>
      tpu.vector_store %arg20[%swap3A_150, %swap3A_151], %select_n3A_149 {strides = array<i32>} : memref<64x128xf32, #tpu.memory_space<vmem>>, vector<64x128xf32>,
    }
    %while3A_100 = arith.constant 1 : i32
    scf.for %while3A_106 = %while3A_98 to %while3A_94 step %while3A_100  : i32 {
      %eq3A_107 = vector.broadcast %while3A_106 : i32 to vector<1024x1xi32>
      %eq3A_108 = arith.cmpi eq, %get3A_57, %eq3A_107 : vector<1024x1xi32>
      %jit3A = arith.constant 0xFF800000 : f32
      %broadcast_in_dim3A_109 = vector.shape_cast %eq3A_108 : vector<1024x1xi1> to vector<1024x1xi1>
      %broadcast_in_dim3A_110 = vector.broadcast %broadcast_in_dim3A_109 : vector<1024x1xi1> to vector<1024x128xi1>
      %broadcast_in_dim3A_111 = vector.broadcast %jit3A : f32 to vector<1024x128xf32>
      %select_n3A = arith.select %broadcast_in_dim3A_110, %add3A_54, %broadcast_in_dim3A_111 : vector<1024x128xi1>, vector<1024x128xf32>
      %reduce_max3A_112 = arith.constant dense<0xFF800000> : vector<128xf32>
      %reduce_max3A_113 = vector.multi_reduction <maximumf>, %select_n3A, %reduce_max3A_112 [0] : vector<1024x128xf32> to vector<128xf32>
      %broadcast_in_dim3A_114 = vector.shape_cast %reduce_max3A_113 : vector<128xf32> to vector<1x128xf32>
      %jit3A_115 = arith.constant 0x7F800000 : f32
      %broadcast_in_dim3A_116 = vector.shape_cast %eq3A_108 : vector<1024x1xi1> to vector<1024x1xi1>
      %broadcast_in_dim3A_117 = vector.broadcast %broadcast_in_dim3A_116 : vector<1024x1xi1> to vector<1024x128xi1>
      %broadcast_in_dim3A_118 = vector.broadcast %jit3A_115 : f32 to vector<1024x128xf32>
      %select_n3A_119 = arith.select %broadcast_in_dim3A_117, %add3A_54, %broadcast_in_dim3A_118 : vector<1024x128xi1>, vector<1024x128xf32>
      %reduce_min3A_120 = arith.constant dense<0x7F800000> : vector<128xf32>
      %reduce_min3A_121 = vector.multi_reduction <minimumf>, %select_n3A_119, %reduce_min3A_120 [0] : vector<1024x128xf32> to vector<128xf32>
      %broadcast_in_dim3A_122 = vector.shape_cast %reduce_min3A_121 : vector<128xf32> to vector<1x128xf32>
      %iota3A_123 = tpu.iota {dimensions = array<i32: 0>} : vector<64x1xi32>
      %eq3A_124 = vector.broadcast %while3A_106 : i32 to vector<64x1xi32>
      %eq3A_125 = arith.cmpi eq, %iota3A_123, %eq3A_124 : vector<64x1xi32>
      %get3A_126 = arith.constant 0 : index
      %get3A_127 = arith.constant 0 : index
      %get3A_128 = vector.load %arg19[%get3A_126, %get3A_127] : memref<64x128xf32, #tpu.memory_space<vmem>>, vector<64x128xf32>
      %max3A_129 = vector.broadcast %broadcast_in_dim3A_114 : vector<1x128xf32> to vector<64x128xf32>
      %max3A_130 = arith.maximumf %get3A_128, %max3A_129 : vector<64x128xf32>
      %get3A_131 = arith.constant 0 : index
      %get3A_132 = arith.constant 0 : index
      %get3A_133 = vector.load %arg19[%get3A_131, %get3A_132] : memref<64x128xf32, #tpu.memory_space<vmem>>, vector<64x128xf32>
      %broadcast_in_dim3A_134 = vector.shape_cast %eq3A_125 : vector<64x1xi1> to vector<64x1xi1>
      %broadcast_in_dim3A_135 = vector.broadcast %broadcast_in_dim3A_134 : vector<64x1xi1> to vector<64x128xi1>
      %select_n3A_136 = arith.select %broadcast_in_dim3A_135, %max3A_130, %get3A_133 : vector<64x128xi1>, vector<64x128xf32>
      %swap3A_137 = arith.constant 0 : index
      %swap3A_138 = arith.constant 0 : index
      %swap3A_139 = vector.load %arg19[%swap3A_137, %swap3A_138] : memref<64x128xf32, #tpu.memory_space<vmem>>, vector<64x128xf32>
      tpu.vector_store %arg19[%swap3A_137, %swap3A_138], %select_n3A_136 {strides = array<i32>} : memref<64x128xf32, #tpu.memory_space<vmem>>, vector<64x128xf32>,
      %get3A_140 = arith.constant 0 : index
      %get3A_141 = arith.constant 0 : index
      %get3A_142 = vector.load %arg20[%get3A_140, %get3A_141] : memref<64x128xf32, #tpu.memory_space<vmem>>, vector<64x128xf32>
      %min3A = vector.broadcast %broadcast_in_dim3A_122 : vector<1x128xf32> to vector<64x128xf32>
      %min3A_143 = arith.minimumf %get3A_142, %min3A : vector<64x128xf32>
      %get3A_144 = arith.constant 0 : index
      %get3A_145 = arith.constant 0 : index
      %get3A_146 = vector.load %arg20[%get3A_144, %get3A_145] : memref<64x128xf32, #tpu.memory_space<vmem>>, vector<64x128xf32>
      %broadcast_in_dim3A_147 = vector.shape_cast %eq3A_125 : vector<64x1xi1> to vector<64x1xi1>
      %broadcast_in_dim3A_148 = vector.broadcast %broadcast_in_dim3A_147 : vector<64x1xi1> to vector<64x128xi1>
      %select_n3A_149 = arith.select %broadcast_in_dim3A_148, %min3A_143, %get3A_146 : vector<64x128xi1>, vector<64x128xf32>
      %swap3A_150 = arith.constant 0 : index
      %swap3A_151 = arith.constant 0 : index
      %swap3A_152 = vector.load %arg20[%swap3A_150, %swap3A_151] : memref<64x128xf32, #tpu.memory_space<vmem>>, vector<64x128xf32>
      tpu.vector_store %arg20[%swap3A_150, %swap3A_151], %select_n3A_149 {strides = array<i32>} : memref<64x128xf32, #tpu.memory_space<vmem>>, vector<64x128xf32>,
    }
    %eq3A_101 = arith.constant 9 : i32
    %eq3A_102 = arith.cmpi eq, %arg0, %eq3A_101 : i32
    %convert_element_type3A_103 = arith.extui %eq3A_102 : i1 to i32
    %cond3A_104 = arith.constant 0 : i32
    %cond3A_105 = arith.cmpi ne, %convert_element_type3A_103, %cond3A_104 : i32
    scf.if %cond3A_105 {
      %get3A_106 = arith.constant 0 : index
      %get3A_107 = arith.constant 0 : index
      %get3A_108 = vector.load %arg17[%get3A_106, %get3A_107] : memref<64x128xf32, #tpu.memory_space<vmem>>, vector<64x128xf32>
      %swap3A_109 = arith.constant 0 : index
      %swap3A_110 = arith.constant 0 : index
      %swap3A_111 = vector.load %arg13[%swap3A_109, %swap3A_110] : memref<64x128xf32, #tpu.memory_space<vmem>>, vector<64x128xf32>
      tpu.vector_store %arg13[%swap3A_109, %swap3A_110], %get3A_108 {strides = array<i32>} : memref<64x128xf32, #tpu.memory_space<vmem>>, vector<64x128xf32>,
      %get3A_112 = arith.constant 0 : index
      %get3A_113 = arith.constant 0 : index
      %get3A_114 = vector.load %arg18[%get3A_112, %get3A_113] : memref<64x128xf32, #tpu.memory_space<vmem>>, vector<64x128xf32>
      %max3A_115 = arith.constant 1.000000e+00 : f32
      %max3A_116 = vector.broadcast %max3A_115 : f32 to vector<64x128xf32>
      %max3A_117 = arith.maximumf %get3A_114, %max3A_116 : vector<64x128xf32>
      %div3A = arith.divf %get3A_108, %max3A_117 : vector<64x128xf32>
      %swap3A_118 = arith.constant 0 : index
      %swap3A_119 = arith.constant 0 : index
      %swap3A_120 = vector.load %arg14[%swap3A_118, %swap3A_119] : memref<64x128xf32, #tpu.memory_space<vmem>>, vector<64x128xf32>
      tpu.vector_store %arg14[%swap3A_118, %swap3A_119], %div3A {strides = array<i32>} : memref<64x128xf32, #tpu.memory_space<vmem>>, vector<64x128xf32>,
      %get3A_121 = arith.constant 0 : index
      %get3A_122 = arith.constant 0 : index
      %get3A_123 = vector.load %arg19[%get3A_121, %get3A_122] : memref<64x128xf32, #tpu.memory_space<vmem>>, vector<64x128xf32>
      %swap3A_124 = arith.constant 0 : index
      %swap3A_125 = arith.constant 0 : index
      %swap3A_126 = vector.load %arg15[%swap3A_124, %swap3A_125] : memref<64x128xf32, #tpu.memory_space<vmem>>, vector<64x128xf32>
      tpu.vector_store %arg15[%swap3A_124, %swap3A_125], %get3A_123 {strides = array<i32>} : memref<64x128xf32, #tpu.memory_space<vmem>>, vector<64x128xf32>,
      %get3A_127 = arith.constant 0 : index
      %get3A_128 = arith.constant 0 : index
      %get3A_129 = vector.load %arg20[%get3A_127, %get3A_128] : memref<64x128xf32, #tpu.memory_space<vmem>>, vector<64x128xf32>
      %swap3A_130 = arith.constant 0 : index
      %swap3A_131 = arith.constant 0 : index
      %swap3A_132 = vector.load %arg16[%swap3A_130, %swap3A_131] : memref<64x128xf32, #tpu.memory_space<vmem>>, vector<64x128xf32>
      tpu.vector_store %arg16[%swap3A_130, %swap3A_131], %get3A_129 {strides = array<i32>} : memref<64x128xf32, #tpu.memory_space<vmem>>, vector<64x128xf32>,
    } else {
    }
    return
  }
  func.func @transform_0(%arg0: i32) -> (i32, i32, i32) {
    %c0_i32 = arith.constant 0 : i32
    %c0_i32_0 = arith.constant 0 : i32
    %c0_i32_1 = arith.constant 0 : i32
    return %c0_i32, %arg0, %c0_i32_0 : i32, i32, i32
  }
  func.func @transform_1(%arg0: i32) -> (i32, i32, i32) {
    %c1_i32 = arith.constant 1 : i32
    %c0_i32 = arith.constant 0 : i32
    %c0_i32_0 = arith.constant 0 : i32
    return %c1_i32, %arg0, %c0_i32 : i32, i32, i32
  }
  func.func @transform_2(%arg0: i32) -> (i32, i32) {
    %c0_i32 = arith.constant 0 : i32
    %c0_i32_0 = arith.constant 0 : i32
    %c0_i32_1 = arith.constant 0 : i32
    return %c0_i32, %c0_i32_0 : i32, i32
  }
  func.func @transform_3(%arg0: i32) -> (i32, i32) {
    %c0_i32 = arith.constant 0 : i32
    %c0_i32_0 = arith.constant 0 : i32
    %c0_i32_1 = arith.constant 0 : i32
    return %c0_i32, %c0_i32_0 : i32, i32
  }
  func.func @transform_4(%arg0: i32) -> (i32, i32) {
    %c0_i32 = arith.constant 0 : i32
    %c0_i32_0 = arith.constant 0 : i32
    %c0_i32_1 = arith.constant 0 : i32
    return %c0_i32, %c0_i32_0 : i32, i32
  }
  func.func @transform_5(%arg0: i32) -> (i32, i32) {
    %c0_i32 = arith.constant 0 : i32
    %c0_i32_0 = arith.constant 0 : i32
    %c0_i32_1 = arith.constant 0 : i32
    return %c0_i32, %c0_i32_0 : i32, i32
  }
  func.func @transform_6(%arg0: i32) -> (i32, i32) {
    %c0_i32 = arith.constant 0 : i32
    %c0_i32_0 = arith.constant 0 : i32
    %c0_i32_1 = arith.constant 0 : i32
    return %c0_i32, %c0_i32_0 : i32, i32
  }
  func.func @transform_7(%arg0: i32) -> (i32, i32) {
    %c0_i32 = arith.constant 0 : i32
    %c0_i32_0 = arith.constant 0 : i32
    %c0_i32_1 = arith.constant 0 : i32
    return %c0_i32, %c0_i32_0 : i32, i32
  }
  func.func @transform_8(%arg0: i32) -> (i32, i32) {
    %c0_i32 = arith.constant 0 : i32
    %c0_i32_0 = arith.constant 0 : i32
    %c0_i32_1 = arith.constant 0 : i32
    return %c0_i32, %c0_i32_0 : i32, i32
  }
  func.func @transform_9(%arg0: i32) -> (i32, i32) {
    %c0_i32 = arith.constant 0 : i32
    %c0_i32_0 = arith.constant 0 : i32
    %c0_i32_1 = arith.constant 0 : i32
    return %c0_i32, %c0_i32_0 : i32, i32
  }
  func.func @transform_10(%arg0: i32) -> (i32, i32) {
    %c0_i32 = arith.constant 0 : i32
    %c0_i32_0 = arith.constant 0 : i32
    return %arg0, %c0_i32 : i32, i32
  }
  func.func @transform_11(%arg0: i32) -> (i32, i32) {
    %c0_i32 = arith.constant 0 : i32
    %c0_i32_0 = arith.constant 0 : i32
    return %c0_i32, %arg0 : i32, i32
  }
  func.func @transform_12(%arg0: i32) -> (i32, i32) {
    %c0_i32 = arith.constant 0 : i32
    %c0_i32_0 = arith.constant 0 : i32
    %c0_i32_1 = arith.constant 0 : i32
    return %c0_i32, %c0_i32_0 : i32, i32
  }
  func.func @transform_13(%arg0: i32) -> (i32, i32) {
    %c0_i32 = arith.constant 0 : i32
    %c0_i32_0 = arith.constant 0 : i32
    %c0_i32_1 = arith.constant 0 : i32
    return %c0_i32, %c0_i32_0 : i32, i32
  }
  func.func @transform_14(%arg0: i32) -> (i32, i32) {
    %c0_i32 = arith.constant 0 : i32
    %c0_i32_0 = arith.constant 0 : i32
    %c0_i32_1 = arith.constant 0 : i32
    return %c0_i32, %c0_i32_0 : i32, i32
  }
  func.func @transform_15(%arg0: i32) -> (i32, i32) {
    %c0_i32 = arith.constant 0 : i32
    %c0_i32_0 = arith.constant 0 : i32
    %c0_i32_1 = arith.constant 0 : i32
    return %c0_i32, %c0_i32_0 : i32, i32
  }
}

</mosaic_0001>

<sc_bundles>
// kernel: kernel.12.cloned.1.call-start
scs
__scs_entry_jumppad:
0x0: {  	(pc) =	sbr.rel $0x88, $3  }
0x1: {  	(tag) =	ssettag $0x0;
	lr =	simm.s32 $0x1  }
0x2: {  	[smem:$0x3F97] =	sst lr;
	_ =	strace $0xD0000000  }
0x3: {  	_ = 	snop  }
0x4: {  	_ = 	snop  }
0x5: {  	_ = 	snop  }
0x6: {  	_ = 	snop  }
0x7: {  	_ = 	snop  }
__scs_overlays_trampoline_lowered:
0x8: {  	[smem:$0x3FA6] =	sst s0  }
0x9: {  	[smem:$0x3FA7] =	sst s1  }
0xa: {  	[smem:$0x3FA8] =	sst s2  }
0xb: {  	[smem:$0x3FA9] =	sst s3  }
0xc: {  	[smem:$0x3FAA] =	sst s4  }
0xd: {  	[smem:$0x3FAB] =	sst s5  }
0xe: {  	[smem:$0x3FAC] =	sst s6  }
0xf: {  	[smem:$0x3FAD] =	sst s7  }
0x10: {  	[smem:$0x3FAE] =	sst s8  }
0x11: {  	[smem:$0x3FAF] =	sst s9;
	s0 =	simm.s32 @!p0 $0x0  }
0x12: {  	s1 =	sld [smem:$0x3F95];
	s0 =	simm.s32 @p0 $0x1  }
0x13: {  	[smem:$0x3FB0] =	sst s0;
	s0 =	simm.s32 @!p1 $0x0  }
0x14: {  	s2 =	sld [smem:$0x3F94];
	s0 =	simm.s32 @p1 $0x1  }
0x15: {  	[smem:$0x3FB1] =	sst s0;
	s0 =	simm.s32 @!p2 $0x0  }
0x16: {  	s3 =	sld [smem:$0x3FDB];
	s0 =	simm.s32 @p2 $0x1  }
0x17: {  	s4 =	simm.s32 $0x1BF5;
	[smem:$0x3FB3] =	sst s0  }
0x18: {  	s0 =	sld [smem:$0x3F96];
	_ =	swait.ge [sflag:s4], $0x0  }
0x19: {  	s7 =	sld [smem:$0x3F97]  }
0x1a: {  	s8 =	sadd.s32 $0xFFFFE003, lr  }
0x1b: {  	s9 =	sadd.s32 $0xFFFFFEF7, lr;
	s5 =	simm.s32 $0xFFFFFFFF;
	p2 =	slt.u32 s8, $0xFFFFF086  }
0x1c: {  	p1 =	slt.u32 s9, $0xF7A;
	s5 =	simm.s32 @!p2 $0x0  }
0x1d: {  	s5 =	simm.s32 @p1 $0x1;
	p0 =	seq.s32 s7, s2  }
0x1e: {  	s7 =	smul.u32 @!p0 $0xF7A, s2;
	p2 =	seq.s32 @!p0 s5, $0x0  }
0x1f: {  	s9 =	smul.u32 $0xF7A, s1;
	s8 =	simm.s32 @!p0 $0x1BF5;
	p2 =	por !p2, p0  }
0x20: {  	[sflag:s8] =	ssyncset.s32 @!p0 $0xFFFFF086;
	s6 =	sadd.s32 @!p0 s3, s7;
	s7 =	simm.s32 @!p0 $0x108  }
0x21: {  	s3 =	sadd.s32 s3, s9;
	s6 =	sadd.s32 @!p0 $0x88, s6;
	s7 =	simm.s32 @p2 $0x1082  }
0x22: {  	[simem:s7], [sflag:s8] =	dma.local @!p0 [hbm:s6], $0xF7A  }
0x23: {  	s9 =	sor.u32 $0xD0000000, s2;
	s6 =	simm.s32 $0x108;
	_ =	swait.ge @!p0 [sflag:s8], $0x0  }
0x24: {  	s3 =	sadd.s32 $0x88, s3;
	s6 =	simm.s32 @!p1 $0x1082;
	[sflag:s4] =	ssyncset.s32 $0xFFFFF086  }
0x25: {  	[simem:s6], [sflag:s4] =	dma.local [hbm:s3], $0xF7A  }
0x26: {  	[smem:$0x3F97] =	sst s1;
	(tag) =	ssettag s2;
	_ =	strace s9  }
0x27: {  	s1 =	sld [smem:$0x3FA7]  }
0x28: {  	s2 =	sld [smem:$0x3FA8]  }
0x29: {  	s4 =	sld [smem:$0x3FAA]  }
0x2a: {  	p0 =	seq.s32 s5, $0x0;
	s5 =	sld [smem:$0x3FAB]  }
0x2b: {  	s6 =	sld [smem:$0x3FAC]  }
0x2c: {  	s7 =	sld [smem:$0x3FAD]  }
0x2d: {  	s3 =	simm.s32 $0x108;
	s8 =	sld [smem:$0x3FAE]  }
0x2e: {  	s3 =	simm.s32 @!p0 $0x1082;
	s9 =	sld [smem:$0x3FAF]  }
0x2f: {  	lr =	sadd.s32 s0, s3;
	s0 =	sld [smem:$0x3FA6]  }
0x30: {  	s3 =	sld [smem:$0x3FA9]  }
0x31: {  	[smem:$0x3FB2] =	sst s10  }
0x32: {  	s10 =	sld [smem:$0x3FB0];
	_ =	sdelay $0x3  }
0x33: {  	p0 =	seq.s32 s10, $0x1;
	s10 =	sld [smem:$0x3FB2];
	_ =	sdelay $0x3  }
0x34: {  	[smem:$0x3FB2] =	sst s10  }
0x35: {  	s10 =	sld [smem:$0x3FB1];
	_ =	sdelay $0x3  }
0x36: {  	p1 =	seq.s32 s10, $0x1;
	s10 =	sld [smem:$0x3FB2];
	_ =	sdelay $0x3  }
0x37: {  	[smem:$0x3FB2] =	sst s10  }
0x38: {  	s10 =	sld [smem:$0x3FB3]  }
0x39: {  	_ = 	snop;
	(pc) =	sbr.ind lr, $3  }
0x3a: {  	_ = 	snop  }
0x3b: {  	_ = 	snop  }
0x3c: {  	p2 =	seq.s32 s10, $0x1;
	s10 =	sld [smem:$0x3FB2]  }
0x3d: {  	_ =	shalt  }
0x3e: {  	_ =	shalt  }
0x3f: {  	_ =	shalt  }
0x40: {  	_ =	shalt  }
0x41: {  	_ =	shalt  }
0x42: {  	_ =	shalt  }
0x43: {  	_ =	shalt  }
0x44: {  	_ =	shalt  }
0x45: {  	_ =	shalt  }
0x46: {  	_ =	shalt  }
0x47: {  	_ =	shalt  }
0x48: {  	_ =	shalt  }
0x49: {  	_ =	shalt  }
0x4a: {  	_ =	shalt  }
0x4b: {  	_ =	shalt  }
0x4c: {  	_ =	shalt  }
0x4d: {  	_ =	shalt  }
0x4e: {  	_ =	shalt  }
0x4f: {  	_ =	shalt  }
0x50: {  	_ =	shalt  }
0x51: {  	_ =	shalt  }
0x52: {  	_ =	shalt  }
0x53: {  	_ =	shalt  }
0x54: {  	_ =	shalt  }
0x55: {  	_ =	shalt  }
0x56: {  	_ =	shalt  }
0x57: {  	_ =	shalt  }
0x58: {  	_ =	shalt  }
0x59: {  	_ =	shalt  }
0x5a: {  	_ =	shalt  }
0x5b: {  	_ =	shalt  }
0x5c: {  	_ =	shalt  }
0x5d: {  	_ =	shalt  }
0x5e: {  	_ =	shalt  }
0x5f: {  	_ =	shalt  }
0x60: {  	_ =	shalt  }
0x61: {  	_ =	shalt  }
0x62: {  	_ =	shalt  }
0x63: {  	_ =	shalt  }
0x64: {  	_ =	shalt  }
0x65: {  	_ =	shalt  }
0x66: {  	_ =	shalt  }
0x67: {  	_ =	shalt  }
0x68: {  	_ =	shalt  }
0x69: {  	_ =	shalt  }
0x6a: {  	_ =	shalt  }
0x6b: {  	_ =	shalt  }
0x6c: {  	_ =	shalt  }
0x6d: {  	_ =	shalt  }
0x6e: {  	_ =	shalt  }
0x6f: {  	_ =	shalt  }
0x70: {  	_ =	shalt  }
0x71: {  	_ =	shalt  }
0x72: {  	_ =	shalt  }
0x73: {  	_ =	shalt  }
0x74: {  	_ =	shalt  }
0x75: {  	_ =	shalt  }
0x76: {  	_ =	shalt  }
0x77: {  	_ =	shalt  }
0x78: {  	_ =	shalt  }
0x79: {  	_ =	shalt  }
0x7a: {  	_ =	shalt  }
0x7b: {  	_ =	shalt  }
0x7c: {  	_ =	shalt  }
0x7d: {  	_ =	shalt  }
0x7e: {  	_ =	shalt  }
0x7f: {  	_ =	shalt  }
0x80: {  	_ =	shalt  }
0x81: {  	_ =	shalt  }
0x82: {  	_ =	shalt  }
0x83: {  	_ =	shalt  }
0x84: {  	_ =	shalt  }
0x85: {  	_ =	shalt  }
0x86: {  	_ =	shalt  }
0x87: {  	_ =	shalt  }
.Lfunc_end0:
.L_simem_size_0:
called_computation.1_lowered:
.L_overlay_start_0:
0x88: {  	s2 =	sld [smem:$0x3FD9]  }
0x89: {  	s3 =	sld [smem:$0x3FFE];
	_ =	sdelay $0x1  }
0x8a: {  	s1 =	srdreg.scid  }
0x8b: {  	s0 =	sand.u32 $0x1, s1  }
0x8c: {  	s16 =	sshll.u32 s0, $0xA;
	s2 =	sadd.s32 s3, s2  }
0x8d: {  	s2 =	sadd.s32 s2, s16  }
0x8e: {  	[smem:$0x3FBE] =	sst s2  }
0x8f: {  	_ = 	snop  }
0x90: {  	(tm) =	ssettm $0x1  }
0x91: {  	s17 =	sld [smem:$0x3FFB];
	_ =	sdelay $0x3  }
0x92: {  	_ =	strace s17  }
0x93: {  	s2 =	sld [smem:$0x3FFC];
	_ =	sdelay $0x3  }
0x94: {  	_ =	strace s2  }
0x95: {  	s2 =	sld [smem:$0x3FFD];
	_ =	sdelay $0x3  }
0x96: {  	_ =	strace s2  }
0x97: {  	_ =	strace $0x8FFFFFFF  }
0x98: {  	s18 =	sld [smem:$0x3FDB];
	_ =	sdelay $0x1  }
0x99: {  	s19 =	simm.s32 $_scs_section_size  }
0x9a: {  	s4 =	simm.s32 $_size__tile_overlayer_lowered;
	s5 =	simm.s32 $_tile_overlayer_lowered  }
0x9b: {  	s22 =	simm.s32 $0x1BFF;
	s21 =	sshll.u32 s5, $0x1;
	s2 =	sadd.s32 s19, s18  }
0x9c: {  	s6 =	simm.s32 $0x0;
	s20 =	sshll.u32 s4, $0x1;
	s4 =	sadd.s32 s21, s2  }
0x9d: {  	[timem:s6], [sflag:s22] =	dma.local [hbm:s4], s20  }
0x9e: {  	_ =	swait.ge [sflag:s22], s20  }
0x9f: {  	s3 =	ssub.s32 $0x0, s20;
	[sflag:s22] =	ssyncset.done $0x0  }
0xa0: {  	[sflag:s22] =	ssyncadd.s32 s3;
	_ =	sdelay $0x1  }
0xa1: {  	s23 =	simm.s32 $0x1B8B  }
0xa2: {  	_ =	swait.ge [sflag:s23], $0x1  }
0xa3: {  	[sflag:s23] =	ssyncset.done $0x0  }
0xa4: {  	s25 =	simm.s32 $0x1B8E;
	s24 =	sld [smem:$0x3FFE];
	[sflag:s23] =	ssyncadd.s32 $0xFFFFFFFF  }
0xa5: {  	s26 =	simm.s32 $execute0_lowered;
	[smem:$0x3FD2] =	sst s25  }
0xa6: {  	s4 =	sshll.u32 s26, $0x1;
	_ =	strace $0x80000049;
	[dreg:$0x1] =	wrdreg $0xFFFFFFFF  }
0xa7: {  	s28 =	simm.s32 $_size_execute0_lowered;
	s2 =	sadd.s32 s2, s4;
	[dreg:$0x0] =	wrdreg $0x0  }
0xa8: {  	s4 =	sshll.u32 s28, $0x1;
	[dreg:$0x2] =	wrdreg s2  }
0xa9: {  	[dreg:$0x3] =	wrdreg s4  }
0xaa: {  	[dreg:$0x4] =	wrdreg $0xC0  }
0xab: {  	_ =	task [dreg:s6], $0x5FFFF  }
0xac: {  	[dreg:$0x1] =	wrdreg $0xFFFFFFFF  }
0xad: {  	[dreg:$0x0] =	wrdreg $0x60  }
0xae: {  	[dreg:$0x2] =	wrdreg s24  }
0xaf: {  	[dreg:$0x3] =	wrdreg $0xA4000  }
0xb0: {  	[dreg:$0x4] =	wrdreg $0x9  }
0xb1: {  	_ =	task.clear_ibuf [dreg:s6], $0x5FFFF;
	_ =	strace $0x90000049  }
0xb2: {  	s29 =	simm.s32 $0x9;
	_ =	strace $0x8000004B  }
0xb3: {  	_ =	swait.ge [sflag:s29], $0x1  }
0xb4: {  	[sflag:s29] =	ssyncadd.s32 $0xFFFFFFFF  }
0xb5: {  	_ =	strace $0x9000004B  }
0xb6: {  	_ =	sfence  }
0xb7: {  	s30 =	sld [smem:$0x0];
	_ =	sdelay $0x2  }
0xb8: {  	s31 =	sshll.u32 s1, $0xD;
	s1 =	sshrl.u32 s1, $0x2  }
0xb9: {  	s3 =	sand.u32 $0x4000, s31;
	s1 =	sadd.s32 s1, s30  }
0xba: {  	s0 =	sor.u32 s3, s0;
	s1 =	sshll.u32 s1, $0x11  }
0xbb: {  	s0 =	sor.u32 s1, s0  }
0xbc: {  	s0 =	sadd.s32 $0x8F2B, s0  }
0xbd: {  	[sflag:s0] =	ssyncadd.remote.s32 $0x1  }
0xbe: {  	_ =	sfence.sel $0xFFFF  }
0xbf: {  	[dreg:$0x0] =	wrdreg $0xFFFFFFFF;
	(pc) =	sbr.abs _section_cstart, $3  }
0xc0: {  	[dreg:$0x1] =	wrdreg $0xFFFFFFFF  }
0xc1: {  	_ =	task.clear_ibuf [dreg:s6], $0x2FFFF;
	_ =	strace $0x9FFFFFFF  }
0xc2: {  	(tm) =	ssettm $0x7FFFFFFF  }
0xc3: {  	_ =	shalt  }
tec
execute0_lowered:
.L_overlay_start_1:
0x0: {  	(tag) =	ssettag $0x1  }
0x1: {  	s9 =	rddreg [dreg:$0x0]  }
0x2: {  	s2 =	rddreg [dreg:$0x1];
	s4 =	srdreg.scid  }
0x3: {  	s1 =	stileid.u32;
	s3 =	simm.s32 $0x0;
	s16 =	simm.s32 $0x7  }
0x4: {  	s17 =	simm.s32 $0x64;
	s18 =	simm.s32 $0x800;
	s19 =	simm.s32 $0x80  }
0x5: {  	s20 =	simm.s32 $0x3C00;
	s21 =	simm.s32 $0x5;
	s22 =	simm.s32 $0x6  }
0x6: {  	s23 =	simm.s32 $0x4;
	s24 =	simm.s32 $0x0;
	s5 =	smul.u32 $0x14000, s1  }
0x7: {  	s8 =	sand.u32 $0x1, s4;
	[smem:$0x7FF] =	sst s3;
	s7 =	smul.u32 $0x50000, s1  }
0x8: {  	s4 =	sadd.s32 $0x1C000, s9;
	s29 =	sshll.u32 s1, $0x6;
	s30 =	smul.u32 $0x3200, s1  }
0x9: {  	s14 =	sshll.u32 s1, $0x9;
	s6 =	smul.u32 $0x140000, s8;
	_ =	strace $0x8000004A  }
0xa: {  	s10 =	ssub.s32 $0x2, s8;
	s14 =	sand.u32 $0x200, s14;
	p0 =	seq.s32 s8, $0x0  }
0xb: {  	s11 =	sshrl.u32 s10, $0x1;
	s7 =	sshrl.u32 s7, $0x2;
	s6 =	sadd.s32 s5, s6  }
0xc: {  	s10 =	ssub.s32 s10, s11;
	s13 =	sadd.s32 s7, s2;
	s5 =	sshrl.u32 s5, $0x3  }
0xd: {  	s7 =	smul.u32 $0x64, s1;
	s11 =	sand.u32 $0x3FC00, s30;
	s6 =	sshrl.u32 s6, $0x3  }
0xe: {  	s5 =	sadd.s32 s4, s5;
	s31 =	sor.u32 s14, s11;
	s11 =	simm.s32 $0x3000  }
.Ltmp0:
0xf: {  	s10 =	smax.u32 s10, $0x1;
	s13 =	sshrl.u32 s13, $0x3;
	(pc) =	sbr.rel .LBB2_1-.Ltmp0, $4  }
0x10: {  	s12 =	sadd.s32 s6, s9;
	s6 =	sor.u32 $0x1C09, s29;
	s11 =	simm.s32 @!p0 $0xF800  }
0x11: {  	s14 =	sshrl.u32 s31, $0x3;
	s8 =	sadd.s32 $0x32000, s31;
	s9 =	sadd.s32 s11, s9  }
0x12: {  	s15 =	sshrl.u32 s8, $0x3;
	s8 =	sadd.s32 $0x44000, s12;
	s11 =	sadd.s32 s9, s14  }
0x13: {  	s12 =	sadd.s32 s9, s15;
	s14 =	simm.s32 $0x9;
	s15 =	simm.s32 $0x200  }
.LBB2_5:
0x14: {  	_ =	swait.ge [sflag:s21], $0x3200  }
0x15: {  	[sflag:s21] =	ssyncset.done $0x0  }
0x16: {  	[sflag:s21] =	ssyncadd.s32 $0xFFFFCE00  }
0x17: {  	_ =	swait.ge [sflag:s22], $0x3200  }
0x18: {  	[sflag:s22] =	ssyncset.done $0x0  }
0x19: {  	[sflag:s22] =	ssyncadd.s32 $0xFFFFCE00  }
0x1a: {  	_ =	swait.ge [sflag:s23], $0x3200  }
0x1b: {  	s24 =	sadd.s32 $0x1, s24;
	[sflag:s23] =	ssyncset.done $0x0  }
0x1c: {  	p0 =	sne.s32 s24, s10;
	[sflag:s23] =	ssyncadd.s32 $0xFFFFCE00  }
.Ltmp1:
0x1d: {  	[bflag:$0x0] =	sbarrier.arrive $0xFFFF;
	(pc) =	sbr.rel @!p0 .LBB2_6-.Ltmp1, $4  }
0x1e: {  	[hbm:s8], [sflag:s6] =	dma.local [spmem:s13], $0x2800  }
0x1f: {  	_ =	swait.ge [sflag:s14], $0x2800  }
0x20: {  	[sflag:s14] =	ssyncset.done $0x0  }
0x21: {  	[sflag:s14] =	ssyncadd.s32 $0xFFFFD800  }
.LBB2_1:
0x22: {  	[spmem:s13], [sflag:s6] =	dma.local [hbm:s5], $0x2800  }
0x23: {  	_ =	swait.ge [sflag:s14], $0x2800  }
0x24: {  	[sflag:s14] =	ssyncset.done $0x0  }
0x25: {  	[sflag:s14] =	ssyncadd.s32 $0xFFFFD800  }
0x26: {  	[bflag:$0x0] =	sbarrier.arrive $0xFFFF  }
0x27: {  	[tilespmem:s3], [sflag:$0x7] =	stream.linear.gather [hbm4b:s11+s3], $0x200, $0x38;
	[tilespmem:$0x1E400] =	vst v63  }
0x28: {  	_ = 	snop  }
0x29: {  	[tilespmem:s15], [sflag:$0x7] =	stream.linear.gather [hbm4b:s12+s3], $0x200, $0x38;
	[tilespmem:$0x1E400] =	vst v63  }
0x2a: {  	_ =	swait.ge [sflag:s16], $0x200  }
0x2b: {  	[sflag:s16] =	ssyncset.done $0x0  }
0x2c: {  	[sflag:s16] =	ssyncadd.s32 $0xFFFFFE00  }
0x2d: {  	_ =	swait.ge [sflag:s16], $0x200  }
.Ltmp2:
0x2e: {  	[sflag:s16] =	ssyncset.done $0x0;
	(pc) =	sbr.rel .LBB2_2-.Ltmp2, $4  }
0x2f: {  	[sflag:s16] =	ssyncadd.s32 $0xFFFFFE00  }
0x30: {  	[tilespmem:s18], [sflag:$0x1] =	stream.indirect.gather [hbm4b:s4+s17], $0x80, s3, s17, $0xb8;
	[tilespmem:$0x1E400] =	vst v63  }
0x31: {  	s25 =	simm.s32 $0x0  }
0x32: {  	[tilespmem:s20], [sflag:$0x2] =	stream.indirect.gather [hbm4b:s4+s17], $0x80, s19, s17, $0xb8;
	[tilespmem:$0x1E400] =	vst v63  }
.LBB2_4:
0x33: {  	s25 =	sadd.s32 $0x1, s25  }
0x34: {  	p0 =	sne.s32 s25, $0x64  }
.Ltmp3:
0x35: {  	_ = 	snop;
	(pc) =	sbr.rel @!p0 .LBB2_5-.Ltmp3, $1  }
0x36: {  	_ =	sdelay $0x3  }
.LBB2_2:
0x37: {  	s26 =	smul.u32 $0xAB, s25;
	_ =	sdelay $0x1  }
0x38: {  	s26 =	sshrl.u32 s26, $0x9  }
0x39: {  	s26 =	sand.u32 $0x7F, s26  }
0x3a: {  	s26 =	smul.u32 $0x3, s26;
	_ =	sdelay $0x1  }
0x3b: {  	s26 =	ssub.s32 s25, s26  }
0x3c: {  	s31 =	sshll.u32 s25, $0x8;
	s28 =	sand.u32 $0xFF, s26  }
0x3d: {  	p0 =	sgt.u32 s25, $0x61;
	s31 =	sand.u32 $0x400, s31;
	s29 =	smul.u32 $0xD000, s28  }
.Ltmp4:
0x3e: {  	s26 =	sand.u32 $0x3, s25;
	s30 =	sadd.s32 $0x1, s28;
	(pc) =	sbr.rel @p0 .LBB2_4-.Ltmp4, $4  }
0x3f: {  	s0 =	sshll.u32 s26, $0x7;
	s28 =	sor.u32 $0x4, s28;
	_ =	swait.ge [sflag:s30], $0x3200  }
0x40: {  	s0 =	sor.u32 s0, s31;
	s29 =	sshrl.u32 s29, $0x2;
	[sflag:s30] =	ssyncset.done $0x0  }
0x41: {  	s0 =	sor.u32 $0x200, s0;
	s29 =	sadd.s32 $0x800, s29;
	[sflag:s30] =	ssyncadd.s32 $0xFFFFCE00  }
0x42: {  	[spmem:s2] =	stream.indirect.scatter.add.f32 [tilespmem:s29], [sflag:s28], $0x80, s0, s17, $0xb8;
	[tilespmem:$0x1E400] =	vst v63  }
0x43: {  	s0 =	sadd.s32 $0x2, s25  }
0x44: {  	s28 =	smul.u32 $0xAB, s0;
	_ =	sdelay $0x1  }
0x45: {  	s28 =	sshrl.u32 s28, $0x9  }
0x46: {  	s28 =	sand.u32 $0x7F, s28  }
0x47: {  	s28 =	smul.u32 $0x3, s28;
	_ =	sdelay $0x1  }
0x48: {  	s28 =	ssub.s32 s0, s28  }
0x49: {  	p0 =	seq.s32 s25, $0x0;
	s28 =	sand.u32 $0xFF, s28  }
0x4a: {  	s29 =	sand.u32 $0x3, s0;
	s30 =	sadd.s32 @!p0 $0x4, s28  }
0x4b: {  	p1 =	sne.s32 @!p0 s29, $0x0;
	s0 =	sshrl.u32 s0, $0x2;
	_ =	swait.ge @!p0 [sflag:s30], $0x3200  }
0x4c: {  	p1 =	por p1, p0;
	s0 =	sand.u32 $0x1, s0;
	[sflag:s30] =	ssyncset.done @!p0 $0x0  }
0x4d: {  	[sflag:s30] =	ssyncadd.s32 @!p0 $0xFFFFCE00;
	s30 =	sadd.s32 @!p1 $0x7, s0  }
0x4e: {  	_ =	swait.ge @!p1 [sflag:s30], $0x200  }
0x4f: {  	s31 =	smul.u32 $0xD000, s28;
	[sflag:s30] =	ssyncset.done @!p1 $0x0  }
0x50: {  	s29 =	sshll.u32 s29, $0x7;
	s28 =	sadd.s32 $0x1, s28;
	[sflag:s30] =	ssyncadd.s32 @!p1 $0xFFFFFE00  }
0x51: {  	s31 =	sshrl.u32 s31, $0x2;
	s0 =	sshll.u32 s0, $0xA;
	_ =	swait.ge @!p1 [sflag:s30], $0x200  }
0x52: {  	p0 =	sgt.u32 s25, $0x5F;
	s0 =	sor.u32 s29, s0;
	[sflag:s30] =	ssyncset.done @!p1 $0x0  }
0x53: {  	[sflag:s30] =	ssyncadd.s32 @!p1 $0xFFFFFE00;
	s30 =	sadd.s32 $0x800, s31;
	p1 =	sne.s32 @!p0 s26, $0x0  }
0x54: {  	[tilespmem:s30], [sflag:s28] =	stream.indirect.gather [hbm4b:s4+s17], $0x80, s0, s17, $0xb8;
	[tilespmem:$0x1E400] =	vst v63  }
0x55: {  	s0 =	sshrl.u32 s25, $0x2;
	p0 =	por p1, p0  }
0x56: {  	s0 =	sadd.s32 @!p0 $0x1, s0  }
0x57: {  	s26 =	sshll.u32 @!p0 s0, $0x2  }
0x58: {  	s0 =	sand.u32 @!p0 $0x1, s0;
	s26 =	sadd.s32 @!p0 s7, s26  }
0x59: {  	s30 =	simm.s32 @!p0 $0x0;
	s29 =	sadd.s32 @!p0 $0x7, s0;
	s28 =	sshll.u32 @!p0 s26, $0x7  }
0x5a: {  	s0 =	sshll.u32 @!p0 s0, $0xA;
	s26 =	sshll.u32 @!p0 s26, $0x4;
	s28 =	sand.u32 @!p0 $0x7FFFFE00, s28  }
.Ltmp5:
0x5b: {  	s26 =	sadd.s32 @!p0 s9, s26;
	s28 =	sadd.s32 @!p0 $0x32000, s28;
	(pc) =	sbr.rel .LBB2_4-.Ltmp5, $4  }
0x5c: {  	[tilespmem:s0], [sflag:s29] =	stream.linear.gather @!p0 [hbm4b:s26+s30], $0x200, $0x38;
	[tilespmem:$0x1E400] =	vst v63  }
0x5d: {  	s28 =	sshrl.u32 @!p0 s28, $0x3  }
0x5e: {  	s0 =	sor.u32 @!p0 $0x200, s0;
	s26 =	sadd.s32 @!p0 s9, s28  }
0x5f: {  	[tilespmem:s0], [sflag:s29] =	stream.linear.gather @!p0 [hbm4b:s26+s30], $0x200, $0x38;
	[tilespmem:$0x1E400] =	vst v63  }
.LBB2_6:
0x60: {  	_ =	sfence.sel $0x180000  }
0x61: {  	[bflag:$0x0] =	sbarrier.arrive $0xFFFF  }
0x62: {  	_ =	strace $0x9000004A  }
0x63: {  	[bflag:$0x2] =	sbarrier.arrive $0xFFFF  }
0x64: {  	p0 =	sne.s32 s1, $0x0;
	s0 =	rddreg [dreg:$0x2]  }
0x65: {  	s0 =	sadd.s32 @!p0 $0x100000, s0  }
0x66: {  	[sflag:s0] =	ssyncadd.tile.s32 @!p0 $0x1;
	_ =	shalt  }
.Lfunc_end2:
_tile_overlayer_lowered:
.L_overlay_start_2:
0x67: {  	(tag) =	ssettag $0x2  }
0x68: {  	s0 =	rddreg [dreg:$0x0];
	s2 =	stileid.u32  }
0x69: {  	s1 =	rddreg [dreg:$0x1];
	p0 =	sne.s32 s2, $0x0  }
0x6a: {  	s3 =	rddreg [dreg:$0x2];
	[bflag:$0x3] =	sbarrier.arrive $0xFFFF;
	s2 =	simm.s32 @!p0 $0x1C09  }
0x6b: {  	[timem:s3], [sflag:s2] =	dma.local @!p0 [hbm:s0], s1  }
0x6c: {  	s0 =	simm.s32 @!p0 $0x9  }
0x6d: {  	_ =	swait.ge @!p0 [sflag:s0], s1  }
0x6e: {  	s1 =	ssub.s32 @!p0 $0x0, s1;
	[sflag:s0] =	ssyncset.done @!p0 $0x0  }
0x6f: {  	[sflag:s0] =	ssyncadd.s32 @!p0 s1  }
0x70: {  	[bflag:$0x3] =	sbarrier.arrive $0xFFFF  }
0x71: {  	_ =	shalt  }

// kernel: kernel.15.cloned.1.call-start
scs
__scs_entry_jumppad:
0x0: {  	(pc) =	sbr.rel $0x88, $3  }
0x1: {  	(tag) =	ssettag $0x0;
	lr =	simm.s32 $0x1  }
0x2: {  	[smem:$0x3F97] =	sst lr;
	_ =	strace $0xD0000000  }
0x3: {  	_ = 	snop  }
0x4: {  	_ = 	snop  }
0x5: {  	_ = 	snop  }
0x6: {  	_ = 	snop  }
0x7: {  	_ = 	snop  }
__scs_overlays_trampoline_lowered:
0x8: {  	[smem:$0x3FA6] =	sst s0  }
0x9: {  	[smem:$0x3FA7] =	sst s1  }
0xa: {  	[smem:$0x3FA8] =	sst s2  }
0xb: {  	[smem:$0x3FA9] =	sst s3  }
0xc: {  	[smem:$0x3FAA] =	sst s4  }
0xd: {  	[smem:$0x3FAB] =	sst s5  }
0xe: {  	[smem:$0x3FAC] =	sst s6  }
0xf: {  	[smem:$0x3FAD] =	sst s7  }
0x10: {  	[smem:$0x3FAE] =	sst s8  }
0x11: {  	[smem:$0x3FAF] =	sst s9;
	s0 =	simm.s32 @!p0 $0x0  }
0x12: {  	s1 =	sld [smem:$0x3F95];
	s0 =	simm.s32 @p0 $0x1  }
0x13: {  	[smem:$0x3FB0] =	sst s0;
	s0 =	simm.s32 @!p1 $0x0  }
0x14: {  	s2 =	sld [smem:$0x3F94];
	s0 =	simm.s32 @p1 $0x1  }
0x15: {  	[smem:$0x3FB1] =	sst s0;
	s0 =	simm.s32 @!p2 $0x0  }
0x16: {  	s3 =	sld [smem:$0x3FDB];
	s0 =	simm.s32 @p2 $0x1  }
0x17: {  	s4 =	simm.s32 $0x1BF5;
	[smem:$0x3FB3] =	sst s0  }
0x18: {  	s0 =	sld [smem:$0x3F96];
	_ =	swait.ge [sflag:s4], $0x0  }
0x19: {  	s7 =	sld [smem:$0x3F97]  }
0x1a: {  	s8 =	sadd.s32 $0xFFFFE003, lr  }
0x1b: {  	s9 =	sadd.s32 $0xFFFFFEF7, lr;
	s5 =	simm.s32 $0xFFFFFFFF;
	p2 =	slt.u32 s8, $0xFFFFF086  }
0x1c: {  	p1 =	slt.u32 s9, $0xF7A;
	s5 =	simm.s32 @!p2 $0x0  }
0x1d: {  	s5 =	simm.s32 @p1 $0x1;
	p0 =	seq.s32 s7, s2  }
0x1e: {  	s7 =	smul.u32 @!p0 $0xF7A, s2;
	p2 =	seq.s32 @!p0 s5, $0x0  }
0x1f: {  	s9 =	smul.u32 $0xF7A, s1;
	s8 =	simm.s32 @!p0 $0x1BF5;
	p2 =	por !p2, p0  }
0x20: {  	[sflag:s8] =	ssyncset.s32 @!p0 $0xFFFFF086;
	s6 =	sadd.s32 @!p0 s3, s7;
	s7 =	simm.s32 @!p0 $0x108  }
0x21: {  	s3 =	sadd.s32 s3, s9;
	s6 =	sadd.s32 @!p0 $0x88, s6;
	s7 =	simm.s32 @p2 $0x1082  }
0x22: {  	[simem:s7], [sflag:s8] =	dma.local @!p0 [hbm:s6], $0xF7A  }
0x23: {  	s9 =	sor.u32 $0xD0000000, s2;
	s6 =	simm.s32 $0x108;
	_ =	swait.ge @!p0 [sflag:s8], $0x0  }
0x24: {  	s3 =	sadd.s32 $0x88, s3;
	s6 =	simm.s32 @!p1 $0x1082;
	[sflag:s4] =	ssyncset.s32 $0xFFFFF086  }
0x25: {  	[simem:s6], [sflag:s4] =	dma.local [hbm:s3], $0xF7A  }
0x26: {  	[smem:$0x3F97] =	sst s1;
	(tag) =	ssettag s2;
	_ =	strace s9  }
0x27: {  	s1 =	sld [smem:$0x3FA7]  }
0x28: {  	s2 =	sld [smem:$0x3FA8]  }
0x29: {  	s4 =	sld [smem:$0x3FAA]  }
0x2a: {  	p0 =	seq.s32 s5, $0x0;
	s5 =	sld [smem:$0x3FAB]  }
0x2b: {  	s6 =	sld [smem:$0x3FAC]  }
0x2c: {  	s7 =	sld [smem:$0x3FAD]  }
0x2d: {  	s3 =	simm.s32 $0x108;
	s8 =	sld [smem:$0x3FAE]  }
0x2e: {  	s3 =	simm.s32 @!p0 $0x1082;
	s9 =	sld [smem:$0x3FAF]  }
0x2f: {  	lr =	sadd.s32 s0, s3;
	s0 =	sld [smem:$0x3FA6]  }
0x30: {  	s3 =	sld [smem:$0x3FA9]  }
0x31: {  	[smem:$0x3FB2] =	sst s10  }
0x32: {  	s10 =	sld [smem:$0x3FB0];
	_ =	sdelay $0x3  }
0x33: {  	p0 =	seq.s32 s10, $0x1;
	s10 =	sld [smem:$0x3FB2];
	_ =	sdelay $0x3  }
0x34: {  	[smem:$0x3FB2] =	sst s10  }
0x35: {  	s10 =	sld [smem:$0x3FB1];
	_ =	sdelay $0x3  }
0x36: {  	p1 =	seq.s32 s10, $0x1;
	s10 =	sld [smem:$0x3FB2];
	_ =	sdelay $0x3  }
0x37: {  	[smem:$0x3FB2] =	sst s10  }
0x38: {  	s10 =	sld [smem:$0x3FB3]  }
0x39: {  	_ = 	snop;
	(pc) =	sbr.ind lr, $3  }
0x3a: {  	_ = 	snop  }
0x3b: {  	_ = 	snop  }
0x3c: {  	p2 =	seq.s32 s10, $0x1;
	s10 =	sld [smem:$0x3FB2]  }
0x3d: {  	_ =	shalt  }
0x3e: {  	_ =	shalt  }
0x3f: {  	_ =	shalt  }
0x40: {  	_ =	shalt  }
0x41: {  	_ =	shalt  }
0x42: {  	_ =	shalt  }
0x43: {  	_ =	shalt  }
0x44: {  	_ =	shalt  }
0x45: {  	_ =	shalt  }
0x46: {  	_ =	shalt  }
0x47: {  	_ =	shalt  }
0x48: {  	_ =	shalt  }
0x49: {  	_ =	shalt  }
0x4a: {  	_ =	shalt  }
0x4b: {  	_ =	shalt  }
0x4c: {  	_ =	shalt  }
0x4d: {  	_ =	shalt  }
0x4e: {  	_ =	shalt  }
0x4f: {  	_ =	shalt  }
0x50: {  	_ =	shalt  }
0x51: {  	_ =	shalt  }
0x52: {  	_ =	shalt  }
0x53: {  	_ =	shalt  }
0x54: {  	_ =	shalt  }
0x55: {  	_ =	shalt  }
0x56: {  	_ =	shalt  }
0x57: {  	_ =	shalt  }
0x58: {  	_ =	shalt  }
0x59: {  	_ =	shalt  }
0x5a: {  	_ =	shalt  }
0x5b: {  	_ =	shalt  }
0x5c: {  	_ =	shalt  }
0x5d: {  	_ =	shalt  }
0x5e: {  	_ =	shalt  }
0x5f: {  	_ =	shalt  }
0x60: {  	_ =	shalt  }
0x61: {  	_ =	shalt  }
0x62: {  	_ =	shalt  }
0x63: {  	_ =	shalt  }
0x64: {  	_ =	shalt  }
0x65: {  	_ =	shalt  }
0x66: {  	_ =	shalt  }
0x67: {  	_ =	shalt  }
0x68: {  	_ =	shalt  }
0x69: {  	_ =	shalt  }
0x6a: {  	_ =	shalt  }
0x6b: {  	_ =	shalt  }
0x6c: {  	_ =	shalt  }
0x6d: {  	_ =	shalt  }
0x6e: {  	_ =	shalt  }
0x6f: {  	_ =	shalt  }
0x70: {  	_ =	shalt  }
0x71: {  	_ =	shalt  }
0x72: {  	_ =	shalt  }
0x73: {  	_ =	shalt  }
0x74: {  	_ =	shalt  }
0x75: {  	_ =	shalt  }
0x76: {  	_ =	shalt  }
0x77: {  	_ =	shalt  }
0x78: {  	_ =	shalt  }
0x79: {  	_ =	shalt  }
0x7a: {  	_ =	shalt  }
0x7b: {  	_ =	shalt  }
0x7c: {  	_ =	shalt  }
0x7d: {  	_ =	shalt  }
0x7e: {  	_ =	shalt  }
0x7f: {  	_ =	shalt  }
0x80: {  	_ =	shalt  }
0x81: {  	_ =	shalt  }
0x82: {  	_ =	shalt  }
0x83: {  	_ =	shalt  }
0x84: {  	_ =	shalt  }
0x85: {  	_ =	shalt  }
0x86: {  	_ =	shalt  }
0x87: {  	_ =	shalt  }
.Lfunc_end0:
.L_simem_size_0:
called_computation.2_lowered:
.L_overlay_start_0:
0x88: {  	s2 =	sld [smem:$0x3FD9]  }
0x89: {  	s3 =	sld [smem:$0x3FFE];
	_ =	sdelay $0x1  }
0x8a: {  	s1 =	srdreg.scid  }
0x8b: {  	s0 =	sand.u32 $0x1, s1  }
0x8c: {  	s16 =	sshll.u32 s0, $0xA;
	s2 =	sadd.s32 s3, s2  }
0x8d: {  	s2 =	sadd.s32 s2, s16  }
0x8e: {  	[smem:$0x3FBE] =	sst s2  }
0x8f: {  	_ = 	snop  }
0x90: {  	(tm) =	ssettm $0x1  }
0x91: {  	s17 =	sld [smem:$0x3FFB];
	_ =	sdelay $0x3  }
0x92: {  	_ =	strace s17  }
0x93: {  	s2 =	sld [smem:$0x3FFC];
	_ =	sdelay $0x3  }
0x94: {  	_ =	strace s2  }
0x95: {  	s2 =	sld [smem:$0x3FFD];
	_ =	sdelay $0x3  }
0x96: {  	_ =	strace s2  }
0x97: {  	_ =	strace $0x8FFFFFFF  }
0x98: {  	s18 =	sld [smem:$0x3FDB];
	_ =	sdelay $0x1  }
0x99: {  	s19 =	simm.s32 $_scs_section_size  }
0x9a: {  	s4 =	simm.s32 $_size__tile_overlayer_lowered;
	s5 =	simm.s32 $_tile_overlayer_lowered  }
0x9b: {  	s22 =	simm.s32 $0x1BFF;
	s21 =	sshll.u32 s5, $0x1;
	s2 =	sadd.s32 s19, s18  }
0x9c: {  	s6 =	simm.s32 $0x0;
	s20 =	sshll.u32 s4, $0x1;
	s4 =	sadd.s32 s21, s2  }
0x9d: {  	[timem:s6], [sflag:s22] =	dma.local [hbm:s4], s20  }
0x9e: {  	_ =	swait.ge [sflag:s22], s20  }
0x9f: {  	s3 =	ssub.s32 $0x0, s20;
	[sflag:s22] =	ssyncset.done $0x0  }
0xa0: {  	[sflag:s22] =	ssyncadd.s32 s3;
	_ =	sdelay $0x1  }
0xa1: {  	s23 =	simm.s32 $0x1B8B  }
0xa2: {  	_ =	swait.ge [sflag:s23], $0x1  }
0xa3: {  	[sflag:s23] =	ssyncset.done $0x0  }
0xa4: {  	s25 =	simm.s32 $0x1B8E;
	s24 =	sld [smem:$0x3FFE];
	[sflag:s23] =	ssyncadd.s32 $0xFFFFFFFF  }
0xa5: {  	s26 =	simm.s32 $execute0_lowered;
	[smem:$0x3FD2] =	sst s25  }
0xa6: {  	s4 =	sshll.u32 s26, $0x1;
	_ =	strace $0x8000004C;
	[dreg:$0x1] =	wrdreg $0xFFFFFFFF  }
0xa7: {  	s28 =	simm.s32 $_size_execute0_lowered;
	s2 =	sadd.s32 s2, s4;
	[dreg:$0x0] =	wrdreg $0x0  }
0xa8: {  	s4 =	sshll.u32 s28, $0x1;
	[dreg:$0x2] =	wrdreg s2  }
0xa9: {  	[dreg:$0x3] =	wrdreg s4  }
0xaa: {  	[dreg:$0x4] =	wrdreg $0xC0  }
0xab: {  	_ =	task [dreg:s6], $0x5FFFF  }
0xac: {  	[dreg:$0x1] =	wrdreg $0xFFFFFFFF  }
0xad: {  	[dreg:$0x0] =	wrdreg $0x60  }
0xae: {  	[dreg:$0x2] =	wrdreg s24  }
0xaf: {  	[dreg:$0x3] =	wrdreg $0xA4000  }
0xb0: {  	[dreg:$0x4] =	wrdreg $0x9  }
0xb1: {  	_ =	task.clear_ibuf [dreg:s6], $0x5FFFF;
	_ =	strace $0x9000004C  }
0xb2: {  	s29 =	simm.s32 $0x9;
	_ =	strace $0x8000004E  }
0xb3: {  	_ =	swait.ge [sflag:s29], $0x1  }
0xb4: {  	[sflag:s29] =	ssyncadd.s32 $0xFFFFFFFF  }
0xb5: {  	_ =	strace $0x9000004E  }
0xb6: {  	_ =	sfence  }
0xb7: {  	s30 =	sld [smem:$0x0];
	_ =	sdelay $0x2  }
0xb8: {  	s31 =	sshll.u32 s1, $0xD;
	s1 =	sshrl.u32 s1, $0x2  }
0xb9: {  	s3 =	sand.u32 $0x4000, s31;
	s1 =	sadd.s32 s1, s30  }
0xba: {  	s0 =	sor.u32 s3, s0;
	s1 =	sshll.u32 s1, $0x11  }
0xbb: {  	s0 =	sor.u32 s1, s0  }
0xbc: {  	s0 =	sadd.s32 $0x8F2B, s0  }
0xbd: {  	[sflag:s0] =	ssyncadd.remote.s32 $0x1  }
0xbe: {  	_ =	sfence.sel $0xFFFF  }
0xbf: {  	[dreg:$0x0] =	wrdreg $0xFFFFFFFF;
	(pc) =	sbr.abs _section_cstart, $3  }
0xc0: {  	[dreg:$0x1] =	wrdreg $0xFFFFFFFF  }
0xc1: {  	_ =	task.clear_ibuf [dreg:s6], $0x2FFFF;
	_ =	strace $0x9FFFFFFF  }
0xc2: {  	(tm) =	ssettm $0x7FFFFFFF  }
0xc3: {  	_ =	shalt  }
tec
execute0_lowered:
.L_overlay_start_1:
0x0: {  	(tag) =	ssettag $0x1  }
0x1: {  	s9 =	rddreg [dreg:$0x0]  }
0x2: {  	s2 =	rddreg [dreg:$0x1];
	s4 =	srdreg.scid  }
0x3: {  	s1 =	stileid.u32;
	s3 =	simm.s32 $0x0;
	s16 =	simm.s32 $0x7  }
0x4: {  	s17 =	simm.s32 $0x64;
	s18 =	simm.s32 $0x800;
	s19 =	simm.s32 $0x80  }
0x5: {  	s20 =	simm.s32 $0x3C00;
	s21 =	simm.s32 $0x5;
	s22 =	simm.s32 $0x6  }
0x6: {  	s23 =	simm.s32 $0x4;
	s24 =	simm.s32 $0x0;
	s5 =	smul.u32 $0x14000, s1  }
0x7: {  	s8 =	sand.u32 $0x1, s4;
	[smem:$0x7FF] =	sst s3;
	s7 =	smul.u32 $0x50000, s1  }
0x8: {  	s4 =	sadd.s32 $0x1C000, s9;
	s29 =	sshll.u32 s1, $0x6;
	s30 =	smul.u32 $0x3200, s1  }
0x9: {  	s14 =	sshll.u32 s1, $0x9;
	s6 =	smul.u32 $0x140000, s8;
	_ =	strace $0x8000004D  }
0xa: {  	s10 =	ssub.s32 $0x2, s8;
	s14 =	sand.u32 $0x200, s14;
	p0 =	seq.s32 s8, $0x0  }
0xb: {  	s11 =	sshrl.u32 s10, $0x1;
	s7 =	sshrl.u32 s7, $0x2;
	s6 =	sadd.s32 s5, s6  }
0xc: {  	s10 =	ssub.s32 s10, s11;
	s13 =	sadd.s32 s7, s2;
	s5 =	sshrl.u32 s5, $0x3  }
0xd: {  	s7 =	smul.u32 $0x64, s1;
	s11 =	sand.u32 $0x3FC00, s30;
	s6 =	sshrl.u32 s6, $0x3  }
0xe: {  	s5 =	sadd.s32 s4, s5;
	s31 =	sor.u32 s14, s11;
	s11 =	simm.s32 $0x3000  }
.Ltmp0:
0xf: {  	s10 =	smax.u32 s10, $0x1;
	s13 =	sshrl.u32 s13, $0x3;
	(pc) =	sbr.rel .LBB2_1-.Ltmp0, $4  }
0x10: {  	s12 =	sadd.s32 s6, s9;
	s6 =	sor.u32 $0x1C09, s29;
	s11 =	simm.s32 @!p0 $0xF800  }
0x11: {  	s14 =	sshrl.u32 s31, $0x3;
	s8 =	sadd.s32 $0x32000, s31;
	s9 =	sadd.s32 s11, s9  }
0x12: {  	s15 =	sshrl.u32 s8, $0x3;
	s8 =	sadd.s32 $0x44000, s12;
	s11 =	sadd.s32 s9, s14  }
0x13: {  	s12 =	sadd.s32 s9, s15;
	s14 =	simm.s32 $0x9;
	s15 =	simm.s32 $0x200  }
.LBB2_5:
0x14: {  	_ =	swait.ge [sflag:s21], $0x3200  }
0x15: {  	[sflag:s21] =	ssyncset.done $0x0  }
0x16: {  	[sflag:s21] =	ssyncadd.s32 $0xFFFFCE00  }
0x17: {  	_ =	swait.ge [sflag:s22], $0x3200  }
0x18: {  	[sflag:s22] =	ssyncset.done $0x0  }
0x19: {  	[sflag:s22] =	ssyncadd.s32 $0xFFFFCE00  }
0x1a: {  	_ =	swait.ge [sflag:s23], $0x3200  }
0x1b: {  	s24 =	sadd.s32 $0x1, s24;
	[sflag:s23] =	ssyncset.done $0x0  }
0x1c: {  	p0 =	sne.s32 s24, s10;
	[sflag:s23] =	ssyncadd.s32 $0xFFFFCE00  }
.Ltmp1:
0x1d: {  	[bflag:$0x0] =	sbarrier.arrive $0xFFFF;
	(pc) =	sbr.rel @!p0 .LBB2_6-.Ltmp1, $4  }
0x1e: {  	[hbm:s8], [sflag:s6] =	dma.local [spmem:s13], $0x2800  }
0x1f: {  	_ =	swait.ge [sflag:s14], $0x2800  }
0x20: {  	[sflag:s14] =	ssyncset.done $0x0  }
0x21: {  	[sflag:s14] =	ssyncadd.s32 $0xFFFFD800  }
.LBB2_1:
0x22: {  	[spmem:s13], [sflag:s6] =	dma.local [hbm:s5], $0x2800  }
0x23: {  	_ =	swait.ge [sflag:s14], $0x2800  }
0x24: {  	[sflag:s14] =	ssyncset.done $0x0  }
0x25: {  	[sflag:s14] =	ssyncadd.s32 $0xFFFFD800  }
0x26: {  	[bflag:$0x0] =	sbarrier.arrive $0xFFFF  }
0x27: {  	[tilespmem:s3], [sflag:$0x7] =	stream.linear.gather [hbm4b:s11+s3], $0x200, $0x38;
	[tilespmem:$0x1E400] =	vst v63  }
0x28: {  	_ = 	snop  }
0x29: {  	[tilespmem:s15], [sflag:$0x7] =	stream.linear.gather [hbm4b:s12+s3], $0x200, $0x38;
	[tilespmem:$0x1E400] =	vst v63  }
0x2a: {  	_ =	swait.ge [sflag:s16], $0x200  }
0x2b: {  	[sflag:s16] =	ssyncset.done $0x0  }
0x2c: {  	[sflag:s16] =	ssyncadd.s32 $0xFFFFFE00  }
0x2d: {  	_ =	swait.ge [sflag:s16], $0x200  }
.Ltmp2:
0x2e: {  	[sflag:s16] =	ssyncset.done $0x0;
	(pc) =	sbr.rel .LBB2_2-.Ltmp2, $4  }
0x2f: {  	[sflag:s16] =	ssyncadd.s32 $0xFFFFFE00  }
0x30: {  	[tilespmem:s18], [sflag:$0x1] =	stream.indirect.gather [hbm4b:s4+s17], $0x80, s3, s17, $0xb8;
	[tilespmem:$0x1E400] =	vst v63  }
0x31: {  	s25 =	simm.s32 $0x0  }
0x32: {  	[tilespmem:s20], [sflag:$0x2] =	stream.indirect.gather [hbm4b:s4+s17], $0x80, s19, s17, $0xb8;
	[tilespmem:$0x1E400] =	vst v63  }
.LBB2_4:
0x33: {  	s25 =	sadd.s32 $0x1, s25  }
0x34: {  	p0 =	sne.s32 s25, $0x64  }
.Ltmp3:
0x35: {  	_ = 	snop;
	(pc) =	sbr.rel @!p0 .LBB2_5-.Ltmp3, $1  }
0x36: {  	_ =	sdelay $0x3  }
.LBB2_2:
0x37: {  	s26 =	smul.u32 $0xAB, s25;
	_ =	sdelay $0x1  }
0x38: {  	s26 =	sshrl.u32 s26, $0x9  }
0x39: {  	s26 =	sand.u32 $0x7F, s26  }
0x3a: {  	s26 =	smul.u32 $0x3, s26;
	_ =	sdelay $0x1  }
0x3b: {  	s26 =	ssub.s32 s25, s26  }
0x3c: {  	s31 =	sshll.u32 s25, $0x8;
	s28 =	sand.u32 $0xFF, s26  }
0x3d: {  	p0 =	sgt.u32 s25, $0x61;
	s31 =	sand.u32 $0x400, s31;
	s29 =	smul.u32 $0xD000, s28  }
.Ltmp4:
0x3e: {  	s26 =	sand.u32 $0x3, s25;
	s30 =	sadd.s32 $0x1, s28;
	(pc) =	sbr.rel @p0 .LBB2_4-.Ltmp4, $4  }
0x3f: {  	s0 =	sshll.u32 s26, $0x7;
	s28 =	sor.u32 $0x4, s28;
	_ =	swait.ge [sflag:s30], $0x3200  }
0x40: {  	s0 =	sor.u32 s0, s31;
	s29 =	sshrl.u32 s29, $0x2;
	[sflag:s30] =	ssyncset.done $0x0  }
0x41: {  	s0 =	sor.u32 $0x200, s0;
	s29 =	sadd.s32 $0x800, s29;
	[sflag:s30] =	ssyncadd.s32 $0xFFFFCE00  }
0x42: {  	[spmem:s2] =	stream.indirect.scatter.add.f32 [tilespmem:s29], [sflag:s28], $0x80, s0, s17, $0xb8;
	[tilespmem:$0x1E400] =	vst v63  }
0x43: {  	s0 =	sadd.s32 $0x2, s25  }
0x44: {  	s28 =	smul.u32 $0xAB, s0;
	_ =	sdelay $0x1  }
0x45: {  	s28 =	sshrl.u32 s28, $0x9  }
0x46: {  	s28 =	sand.u32 $0x7F, s28  }
0x47: {  	s28 =	smul.u32 $0x3, s28;
	_ =	sdelay $0x1  }
0x48: {  	s28 =	ssub.s32 s0, s28  }
0x49: {  	p0 =	seq.s32 s25, $0x0;
	s28 =	sand.u32 $0xFF, s28  }
0x4a: {  	s29 =	sand.u32 $0x3, s0;
	s30 =	sadd.s32 @!p0 $0x4, s28  }
0x4b: {  	p1 =	sne.s32 @!p0 s29, $0x0;
	s0 =	sshrl.u32 s0, $0x2;
	_ =	swait.ge @!p0 [sflag:s30], $0x3200  }
0x4c: {  	p1 =	por p1, p0;
	s0 =	sand.u32 $0x1, s0;
	[sflag:s30] =	ssyncset.done @!p0 $0x0  }
0x4d: {  	[sflag:s30] =	ssyncadd.s32 @!p0 $0xFFFFCE00;
	s30 =	sadd.s32 @!p1 $0x7, s0  }
0x4e: {  	_ =	swait.ge @!p1 [sflag:s30], $0x200  }
0x4f: {  	s31 =	smul.u32 $0xD000, s28;
	[sflag:s30] =	ssyncset.done @!p1 $0x0  }
0x50: {  	s29 =	sshll.u32 s29, $0x7;
	s28 =	sadd.s32 $0x1, s28;
	[sflag:s30] =	ssyncadd.s32 @!p1 $0xFFFFFE00  }
0x51: {  	s31 =	sshrl.u32 s31, $0x2;
	s0 =	sshll.u32 s0, $0xA;
	_ =	swait.ge @!p1 [sflag:s30], $0x200  }
0x52: {  	p0 =	sgt.u32 s25, $0x5F;
	s0 =	sor.u32 s29, s0;
	[sflag:s30] =	ssyncset.done @!p1 $0x0  }
0x53: {  	[sflag:s30] =	ssyncadd.s32 @!p1 $0xFFFFFE00;
	s30 =	sadd.s32 $0x800, s31;
	p1 =	sne.s32 @!p0 s26, $0x0  }
0x54: {  	[tilespmem:s30], [sflag:s28] =	stream.indirect.gather [hbm4b:s4+s17], $0x80, s0, s17, $0xb8;
	[tilespmem:$0x1E400] =	vst v63  }
0x55: {  	s0 =	sshrl.u32 s25, $0x2;
	p0 =	por p1, p0  }
0x56: {  	s0 =	sadd.s32 @!p0 $0x1, s0  }
0x57: {  	s26 =	sshll.u32 @!p0 s0, $0x2  }
0x58: {  	s0 =	sand.u32 @!p0 $0x1, s0;
	s26 =	sadd.s32 @!p0 s7, s26  }
0x59: {  	s30 =	simm.s32 @!p0 $0x0;
	s29 =	sadd.s32 @!p0 $0x7, s0;
	s28 =	sshll.u32 @!p0 s26, $0x7  }
0x5a: {  	s0 =	sshll.u32 @!p0 s0, $0xA;
	s26 =	sshll.u32 @!p0 s26, $0x4;
	s28 =	sand.u32 @!p0 $0x7FFFFE00, s28  }
.Ltmp5:
0x5b: {  	s26 =	sadd.s32 @!p0 s9, s26;
	s28 =	sadd.s32 @!p0 $0x32000, s28;
	(pc) =	sbr.rel .LBB2_4-.Ltmp5, $4  }
0x5c: {  	[tilespmem:s0], [sflag:s29] =	stream.linear.gather @!p0 [hbm4b:s26+s30], $0x200, $0x38;
	[tilespmem:$0x1E400] =	vst v63  }
0x5d: {  	s28 =	sshrl.u32 @!p0 s28, $0x3  }
0x5e: {  	s0 =	sor.u32 @!p0 $0x200, s0;
	s26 =	sadd.s32 @!p0 s9, s28  }
0x5f: {  	[tilespmem:s0], [sflag:s29] =	stream.linear.gather @!p0 [hbm4b:s26+s30], $0x200, $0x38;
	[tilespmem:$0x1E400] =	vst v63  }
.LBB2_6:
0x60: {  	_ =	sfence.sel $0x180000  }
0x61: {  	[bflag:$0x0] =	sbarrier.arrive $0xFFFF  }
0x62: {  	_ =	strace $0x9000004D  }
0x63: {  	[bflag:$0x2] =	sbarrier.arrive $0xFFFF  }
0x64: {  	p0 =	sne.s32 s1, $0x0;
	s0 =	rddreg [dreg:$0x2]  }
0x65: {  	s0 =	sadd.s32 @!p0 $0x100000, s0  }
0x66: {  	[sflag:s0] =	ssyncadd.tile.s32 @!p0 $0x1;
	_ =	shalt  }
.Lfunc_end2:
_tile_overlayer_lowered:
.L_overlay_start_2:
0x67: {  	(tag) =	ssettag $0x2  }
0x68: {  	s0 =	rddreg [dreg:$0x0];
	s2 =	stileid.u32  }
0x69: {  	s1 =	rddreg [dreg:$0x1];
	p0 =	sne.s32 s2, $0x0  }
0x6a: {  	s3 =	rddreg [dreg:$0x2];
	[bflag:$0x3] =	sbarrier.arrive $0xFFFF;
	s2 =	simm.s32 @!p0 $0x1C09  }
0x6b: {  	[timem:s3], [sflag:s2] =	dma.local @!p0 [hbm:s0], s1  }
0x6c: {  	s0 =	simm.s32 @!p0 $0x9  }
0x6d: {  	_ =	swait.ge @!p0 [sflag:s0], s1  }
0x6e: {  	s1 =	ssub.s32 @!p0 $0x0, s1;
	[sflag:s0] =	ssyncset.done @!p0 $0x0  }
0x6f: {  	[sflag:s0] =	ssyncadd.s32 @!p0 s1  }
0x70: {  	[bflag:$0x3] =	sbarrier.arrive $0xFFFF  }
0x71: {  	_ =	shalt  }

// kernel: kernel.9.cloned.1.call-start
scs
__scs_entry_jumppad:
0x0: {  	(pc) =	sbr.rel $0x88, $3  }
0x1: {  	(tag) =	ssettag $0x0;
	lr =	simm.s32 $0x1  }
0x2: {  	[smem:$0x3F97] =	sst lr;
	_ =	strace $0xD0000000  }
0x3: {  	_ = 	snop  }
0x4: {  	_ = 	snop  }
0x5: {  	_ = 	snop  }
0x6: {  	_ = 	snop  }
0x7: {  	_ = 	snop  }
__scs_overlays_trampoline_lowered:
0x8: {  	[smem:$0x3FA6] =	sst s0  }
0x9: {  	[smem:$0x3FA7] =	sst s1  }
0xa: {  	[smem:$0x3FA8] =	sst s2  }
0xb: {  	[smem:$0x3FA9] =	sst s3  }
0xc: {  	[smem:$0x3FAA] =	sst s4  }
0xd: {  	[smem:$0x3FAB] =	sst s5  }
0xe: {  	[smem:$0x3FAC] =	sst s6  }
0xf: {  	[smem:$0x3FAD] =	sst s7  }
0x10: {  	[smem:$0x3FAE] =	sst s8  }
0x11: {  	[smem:$0x3FAF] =	sst s9;
	s0 =	simm.s32 @!p0 $0x0  }
0x12: {  	s1 =	sld [smem:$0x3F95];
	s0 =	simm.s32 @p0 $0x1  }
0x13: {  	[smem:$0x3FB0] =	sst s0;
	s0 =	simm.s32 @!p1 $0x0  }
0x14: {  	s2 =	sld [smem:$0x3F94];
	s0 =	simm.s32 @p1 $0x1  }
0x15: {  	[smem:$0x3FB1] =	sst s0;
	s0 =	simm.s32 @!p2 $0x0  }
0x16: {  	s3 =	sld [smem:$0x3FDB];
	s0 =	simm.s32 @p2 $0x1  }
0x17: {  	s4 =	simm.s32 $0x1BF5;
	[smem:$0x3FB3] =	sst s0  }
0x18: {  	s0 =	sld [smem:$0x3F96];
	_ =	swait.ge [sflag:s4], $0x0  }
0x19: {  	s7 =	sld [smem:$0x3F97]  }
0x1a: {  	s8 =	sadd.s32 $0xFFFFE003, lr  }
0x1b: {  	s9 =	sadd.s32 $0xFFFFFEF7, lr;
	s5 =	simm.s32 $0xFFFFFFFF;
	p2 =	slt.u32 s8, $0xFFFFF086  }
0x1c: {  	p1 =	slt.u32 s9, $0xF7A;
	s5 =	simm.s32 @!p2 $0x0  }
0x1d: {  	s5 =	simm.s32 @p1 $0x1;
	p0 =	seq.s32 s7, s2  }
0x1e: {  	s7 =	smul.u32 @!p0 $0xF7A, s2;
	p2 =	seq.s32 @!p0 s5, $0x0  }
0x1f: {  	s9 =	smul.u32 $0xF7A, s1;
	s8 =	simm.s32 @!p0 $0x1BF5;
	p2 =	por !p2, p0  }
0x20: {  	[sflag:s8] =	ssyncset.s32 @!p0 $0xFFFFF086;
	s6 =	sadd.s32 @!p0 s3, s7;
	s7 =	simm.s32 @!p0 $0x108  }
0x21: {  	s3 =	sadd.s32 s3, s9;
	s6 =	sadd.s32 @!p0 $0x88, s6;
	s7 =	simm.s32 @p2 $0x1082  }
0x22: {  	[simem:s7], [sflag:s8] =	dma.local @!p0 [hbm:s6], $0xF7A  }
0x23: {  	s9 =	sor.u32 $0xD0000000, s2;
	s6 =	simm.s32 $0x108;
	_ =	swait.ge @!p0 [sflag:s8], $0x0  }
0x24: {  	s3 =	sadd.s32 $0x88, s3;
	s6 =	simm.s32 @!p1 $0x1082;
	[sflag:s4] =	ssyncset.s32 $0xFFFFF086  }
0x25: {  	[simem:s6], [sflag:s4] =	dma.local [hbm:s3], $0xF7A  }
0x26: {  	[smem:$0x3F97] =	sst s1;
	(tag) =	ssettag s2;
	_ =	strace s9  }
0x27: {  	s1 =	sld [smem:$0x3FA7]  }
0x28: {  	s2 =	sld [smem:$0x3FA8]  }
0x29: {  	s4 =	sld [smem:$0x3FAA]  }
0x2a: {  	p0 =	seq.s32 s5, $0x0;
	s5 =	sld [smem:$0x3FAB]  }
0x2b: {  	s6 =	sld [smem:$0x3FAC]  }
0x2c: {  	s7 =	sld [smem:$0x3FAD]  }
0x2d: {  	s3 =	simm.s32 $0x108;
	s8 =	sld [smem:$0x3FAE]  }
0x2e: {  	s3 =	simm.s32 @!p0 $0x1082;
	s9 =	sld [smem:$0x3FAF]  }
0x2f: {  	lr =	sadd.s32 s0, s3;
	s0 =	sld [smem:$0x3FA6]  }
0x30: {  	s3 =	sld [smem:$0x3FA9]  }
0x31: {  	[smem:$0x3FB2] =	sst s10  }
0x32: {  	s10 =	sld [smem:$0x3FB0];
	_ =	sdelay $0x3  }
0x33: {  	p0 =	seq.s32 s10, $0x1;
	s10 =	sld [smem:$0x3FB2];
	_ =	sdelay $0x3  }
0x34: {  	[smem:$0x3FB2] =	sst s10  }
0x35: {  	s10 =	sld [smem:$0x3FB1];
	_ =	sdelay $0x3  }
0x36: {  	p1 =	seq.s32 s10, $0x1;
	s10 =	sld [smem:$0x3FB2];
	_ =	sdelay $0x3  }
0x37: {  	[smem:$0x3FB2] =	sst s10  }
0x38: {  	s10 =	sld [smem:$0x3FB3]  }
0x39: {  	_ = 	snop;
	(pc) =	sbr.ind lr, $3  }
0x3a: {  	_ = 	snop  }
0x3b: {  	_ = 	snop  }
0x3c: {  	p2 =	seq.s32 s10, $0x1;
	s10 =	sld [smem:$0x3FB2]  }
0x3d: {  	_ =	shalt  }
0x3e: {  	_ =	shalt  }
0x3f: {  	_ =	shalt  }
0x40: {  	_ =	shalt  }
0x41: {  	_ =	shalt  }
0x42: {  	_ =	shalt  }
0x43: {  	_ =	shalt  }
0x44: {  	_ =	shalt  }
0x45: {  	_ =	shalt  }
0x46: {  	_ =	shalt  }
0x47: {  	_ =	shalt  }
0x48: {  	_ =	shalt  }
0x49: {  	_ =	shalt  }
0x4a: {  	_ =	shalt  }
0x4b: {  	_ =	shalt  }
0x4c: {  	_ =	shalt  }
0x4d: {  	_ =	shalt  }
0x4e: {  	_ =	shalt  }
0x4f: {  	_ =	shalt  }
0x50: {  	_ =	shalt  }
0x51: {  	_ =	shalt  }
0x52: {  	_ =	shalt  }
0x53: {  	_ =	shalt  }
0x54: {  	_ =	shalt  }
0x55: {  	_ =	shalt  }
0x56: {  	_ =	shalt  }
0x57: {  	_ =	shalt  }
0x58: {  	_ =	shalt  }
0x59: {  	_ =	shalt  }
0x5a: {  	_ =	shalt  }
0x5b: {  	_ =	shalt  }
0x5c: {  	_ =	shalt  }
0x5d: {  	_ =	shalt  }
0x5e: {  	_ =	shalt  }
0x5f: {  	_ =	shalt  }
0x60: {  	_ =	shalt  }
0x61: {  	_ =	shalt  }
0x62: {  	_ =	shalt  }
0x63: {  	_ =	shalt  }
0x64: {  	_ =	shalt  }
0x65: {  	_ =	shalt  }
0x66: {  	_ =	shalt  }
0x67: {  	_ =	shalt  }
0x68: {  	_ =	shalt  }
0x69: {  	_ =	shalt  }
0x6a: {  	_ =	shalt  }
0x6b: {  	_ =	shalt  }
0x6c: {  	_ =	shalt  }
0x6d: {  	_ =	shalt  }
0x6e: {  	_ =	shalt  }
0x6f: {  	_ =	shalt  }
0x70: {  	_ =	shalt  }
0x71: {  	_ =	shalt  }
0x72: {  	_ =	shalt  }
0x73: {  	_ =	shalt  }
0x74: {  	_ =	shalt  }
0x75: {  	_ =	shalt  }
0x76: {  	_ =	shalt  }
0x77: {  	_ =	shalt  }
0x78: {  	_ =	shalt  }
0x79: {  	_ =	shalt  }
0x7a: {  	_ =	shalt  }
0x7b: {  	_ =	shalt  }
0x7c: {  	_ =	shalt  }
0x7d: {  	_ =	shalt  }
0x7e: {  	_ =	shalt  }
0x7f: {  	_ =	shalt  }
0x80: {  	_ =	shalt  }
0x81: {  	_ =	shalt  }
0x82: {  	_ =	shalt  }
0x83: {  	_ =	shalt  }
0x84: {  	_ =	shalt  }
0x85: {  	_ =	shalt  }
0x86: {  	_ =	shalt  }
0x87: {  	_ =	shalt  }
.Lfunc_end0:
.L_simem_size_0:
called_computation_lowered:
.L_overlay_start_0:
0x88: {  	s2 =	sld [smem:$0x3FD9]  }
0x89: {  	s3 =	sld [smem:$0x3FFE];
	_ =	sdelay $0x1  }
0x8a: {  	s1 =	srdreg.scid  }
0x8b: {  	s0 =	sand.u32 $0x1, s1  }
0x8c: {  	s16 =	sshll.u32 s0, $0xA;
	s2 =	sadd.s32 s3, s2  }
0x8d: {  	s2 =	sadd.s32 s2, s16  }
0x8e: {  	[smem:$0x3FBE] =	sst s2  }
0x8f: {  	_ = 	snop  }
0x90: {  	(tm) =	ssettm $0x1  }
0x91: {  	s17 =	sld [smem:$0x3FFB];
	_ =	sdelay $0x3  }
0x92: {  	_ =	strace s17  }
0x93: {  	s2 =	sld [smem:$0x3FFC];
	_ =	sdelay $0x3  }
0x94: {  	_ =	strace s2  }
0x95: {  	s2 =	sld [smem:$0x3FFD];
	_ =	sdelay $0x3  }
0x96: {  	_ =	strace s2  }
0x97: {  	_ =	strace $0x8FFFFFFF  }
0x98: {  	s18 =	sld [smem:$0x3FDB];
	_ =	sdelay $0x1  }
0x99: {  	s19 =	simm.s32 $_scs_section_size  }
0x9a: {  	s4 =	simm.s32 $_size__tile_overlayer_lowered;
	s5 =	simm.s32 $_tile_overlayer_lowered  }
0x9b: {  	s22 =	simm.s32 $0x1BFF;
	s21 =	sshll.u32 s5, $0x1;
	s2 =	sadd.s32 s19, s18  }
0x9c: {  	s6 =	simm.s32 $0x0;
	s20 =	sshll.u32 s4, $0x1;
	s4 =	sadd.s32 s21, s2  }
0x9d: {  	[timem:s6], [sflag:s22] =	dma.local [hbm:s4], s20  }
0x9e: {  	_ =	swait.ge [sflag:s22], s20  }
0x9f: {  	s3 =	ssub.s32 $0x0, s20;
	[sflag:s22] =	ssyncset.done $0x0  }
0xa0: {  	[sflag:s22] =	ssyncadd.s32 s3;
	_ =	sdelay $0x1  }
0xa1: {  	s23 =	simm.s32 $0x1B8B  }
0xa2: {  	_ =	swait.ge [sflag:s23], $0x1  }
0xa3: {  	[sflag:s23] =	ssyncset.done $0x0  }
0xa4: {  	s25 =	simm.s32 $0x1B8E;
	s24 =	sld [smem:$0x3FFE];
	[sflag:s23] =	ssyncadd.s32 $0xFFFFFFFF  }
0xa5: {  	s26 =	simm.s32 $execute0_lowered;
	[smem:$0x3FD2] =	sst s25  }
0xa6: {  	s4 =	sshll.u32 s26, $0x1;
	_ =	strace $0x80000046;
	[dreg:$0x1] =	wrdreg $0xFFFFFFFF  }
0xa7: {  	s28 =	simm.s32 $_size_execute0_lowered;
	s2 =	sadd.s32 s2, s4;
	[dreg:$0x0] =	wrdreg $0x0  }
0xa8: {  	s4 =	sshll.u32 s28, $0x1;
	[dreg:$0x2] =	wrdreg s2  }
0xa9: {  	[dreg:$0x3] =	wrdreg s4  }
0xaa: {  	[dreg:$0x4] =	wrdreg $0xC0  }
0xab: {  	_ =	task [dreg:s6], $0x5FFFF  }
0xac: {  	[dreg:$0x1] =	wrdreg $0xFFFFFFFF  }
0xad: {  	[dreg:$0x0] =	wrdreg $0x60  }
0xae: {  	[dreg:$0x2] =	wrdreg s24  }
0xaf: {  	[dreg:$0x3] =	wrdreg $0xA4000  }
0xb0: {  	[dreg:$0x4] =	wrdreg $0x9  }
0xb1: {  	_ =	task.clear_ibuf [dreg:s6], $0x5FFFF;
	_ =	strace $0x90000046  }
0xb2: {  	s29 =	simm.s32 $0x9;
	_ =	strace $0x80000048  }
0xb3: {  	_ =	swait.ge [sflag:s29], $0x1  }
0xb4: {  	[sflag:s29] =	ssyncadd.s32 $0xFFFFFFFF  }
0xb5: {  	_ =	strace $0x90000048  }
0xb6: {  	_ =	sfence  }
0xb7: {  	s30 =	sld [smem:$0x0];
	_ =	sdelay $0x2  }
0xb8: {  	s31 =	sshll.u32 s1, $0xD;
	s1 =	sshrl.u32 s1, $0x2  }
0xb9: {  	s3 =	sand.u32 $0x4000, s31;
	s1 =	sadd.s32 s1, s30  }
0xba: {  	s0 =	sor.u32 s3, s0;
	s1 =	sshll.u32 s1, $0x11  }
0xbb: {  	s0 =	sor.u32 s1, s0  }
0xbc: {  	s0 =	sadd.s32 $0x8F2B, s0  }
0xbd: {  	[sflag:s0] =	ssyncadd.remote.s32 $0x1  }
0xbe: {  	_ =	sfence.sel $0xFFFF  }
0xbf: {  	[dreg:$0x0] =	wrdreg $0xFFFFFFFF;
	(pc) =	sbr.abs _section_cstart, $3  }
0xc0: {  	[dreg:$0x1] =	wrdreg $0xFFFFFFFF  }
0xc1: {  	_ =	task.clear_ibuf [dreg:s6], $0x2FFFF;
	_ =	strace $0x9FFFFFFF  }
0xc2: {  	(tm) =	ssettm $0x7FFFFFFF  }
0xc3: {  	_ =	shalt  }
tec
execute0_lowered:
.L_overlay_start_1:
0x0: {  	(tag) =	ssettag $0x1  }
0x1: {  	s9 =	rddreg [dreg:$0x0]  }
0x2: {  	s2 =	rddreg [dreg:$0x1];
	s4 =	srdreg.scid  }
0x3: {  	s1 =	stileid.u32;
	s3 =	simm.s32 $0x0;
	s16 =	simm.s32 $0x7  }
0x4: {  	s17 =	simm.s32 $0x64;
	s18 =	simm.s32 $0x800;
	s19 =	simm.s32 $0x80  }
0x5: {  	s20 =	simm.s32 $0x3C00;
	s21 =	simm.s32 $0x5;
	s22 =	simm.s32 $0x6  }
0x6: {  	s23 =	simm.s32 $0x4;
	s24 =	simm.s32 $0x0;
	s5 =	smul.u32 $0x14000, s1  }
0x7: {  	s8 =	sand.u32 $0x1, s4;
	[smem:$0x7FF] =	sst s3;
	s7 =	smul.u32 $0x50000, s1  }
0x8: {  	s4 =	sadd.s32 $0x1C000, s9;
	s29 =	sshll.u32 s1, $0x6;
	s30 =	smul.u32 $0x3200, s1  }
0x9: {  	s14 =	sshll.u32 s1, $0x9;
	s6 =	smul.u32 $0x140000, s8;
	_ =	strace $0x80000047  }
0xa: {  	s10 =	ssub.s32 $0x2, s8;
	s14 =	sand.u32 $0x200, s14;
	p0 =	seq.s32 s8, $0x0  }
0xb: {  	s11 =	sshrl.u32 s10, $0x1;
	s7 =	sshrl.u32 s7, $0x2;
	s6 =	sadd.s32 s5, s6  }
0xc: {  	s10 =	ssub.s32 s10, s11;
	s13 =	sadd.s32 s7, s2;
	s5 =	sshrl.u32 s5, $0x3  }
0xd: {  	s7 =	smul.u32 $0x64, s1;
	s11 =	sand.u32 $0x3FC00, s30;
	s6 =	sshrl.u32 s6, $0x3  }
0xe: {  	s5 =	sadd.s32 s4, s5;
	s31 =	sor.u32 s14, s11;
	s11 =	simm.s32 $0x3000  }
.Ltmp0:
0xf: {  	s10 =	smax.u32 s10, $0x1;
	s13 =	sshrl.u32 s13, $0x3;
	(pc) =	sbr.rel .LBB2_1-.Ltmp0, $4  }
0x10: {  	s12 =	sadd.s32 s6, s9;
	s6 =	sor.u32 $0x1C09, s29;
	s11 =	simm.s32 @!p0 $0xF800  }
0x11: {  	s14 =	sshrl.u32 s31, $0x3;
	s8 =	sadd.s32 $0x32000, s31;
	s9 =	sadd.s32 s11, s9  }
0x12: {  	s15 =	sshrl.u32 s8, $0x3;
	s8 =	sadd.s32 $0x44000, s12;
	s11 =	sadd.s32 s9, s14  }
0x13: {  	s12 =	sadd.s32 s9, s15;
	s14 =	simm.s32 $0x9;
	s15 =	simm.s32 $0x200  }
.LBB2_5:
0x14: {  	_ =	swait.ge [sflag:s21], $0x3200  }
0x15: {  	[sflag:s21] =	ssyncset.done $0x0  }
0x16: {  	[sflag:s21] =	ssyncadd.s32 $0xFFFFCE00  }
0x17: {  	_ =	swait.ge [sflag:s22], $0x3200  }
0x18: {  	[sflag:s22] =	ssyncset.done $0x0  }
0x19: {  	[sflag:s22] =	ssyncadd.s32 $0xFFFFCE00  }
0x1a: {  	_ =	swait.ge [sflag:s23], $0x3200  }
0x1b: {  	s24 =	sadd.s32 $0x1, s24;
	[sflag:s23] =	ssyncset.done $0x0  }
0x1c: {  	p0 =	sne.s32 s24, s10;
	[sflag:s23] =	ssyncadd.s32 $0xFFFFCE00  }
.Ltmp1:
0x1d: {  	[bflag:$0x0] =	sbarrier.arrive $0xFFFF;
	(pc) =	sbr.rel @!p0 .LBB2_6-.Ltmp1, $4  }
0x1e: {  	[hbm:s8], [sflag:s6] =	dma.local [spmem:s13], $0x2800  }
0x1f: {  	_ =	swait.ge [sflag:s14], $0x2800  }
0x20: {  	[sflag:s14] =	ssyncset.done $0x0  }
0x21: {  	[sflag:s14] =	ssyncadd.s32 $0xFFFFD800  }
.LBB2_1:
0x22: {  	[spmem:s13], [sflag:s6] =	dma.local [hbm:s5], $0x2800  }
0x23: {  	_ =	swait.ge [sflag:s14], $0x2800  }
0x24: {  	[sflag:s14] =	ssyncset.done $0x0  }
0x25: {  	[sflag:s14] =	ssyncadd.s32 $0xFFFFD800  }
0x26: {  	[bflag:$0x0] =	sbarrier.arrive $0xFFFF  }
0x27: {  	[tilespmem:s3], [sflag:$0x7] =	stream.linear.gather [hbm4b:s11+s3], $0x200, $0x38;
	[tilespmem:$0x1E400] =	vst v63  }
0x28: {  	_ = 	snop  }
0x29: {  	[tilespmem:s15], [sflag:$0x7] =	stream.linear.gather [hbm4b:s12+s3], $0x200, $0x38;
	[tilespmem:$0x1E400] =	vst v63  }
0x2a: {  	_ =	swait.ge [sflag:s16], $0x200  }
0x2b: {  	[sflag:s16] =	ssyncset.done $0x0  }
0x2c: {  	[sflag:s16] =	ssyncadd.s32 $0xFFFFFE00  }
0x2d: {  	_ =	swait.ge [sflag:s16], $0x200  }
.Ltmp2:
0x2e: {  	[sflag:s16] =	ssyncset.done $0x0;
	(pc) =	sbr.rel .LBB2_2-.Ltmp2, $4  }
0x2f: {  	[sflag:s16] =	ssyncadd.s32 $0xFFFFFE00  }
0x30: {  	[tilespmem:s18], [sflag:$0x1] =	stream.indirect.gather [hbm4b:s4+s17], $0x80, s3, s17, $0xb8;
	[tilespmem:$0x1E400] =	vst v63  }
0x31: {  	s25 =	simm.s32 $0x0  }
0x32: {  	[tilespmem:s20], [sflag:$0x2] =	stream.indirect.gather [hbm4b:s4+s17], $0x80, s19, s17, $0xb8;
	[tilespmem:$0x1E400] =	vst v63  }
.LBB2_4:
0x33: {  	s25 =	sadd.s32 $0x1, s25  }
0x34: {  	p0 =	sne.s32 s25, $0x64  }
.Ltmp3:
0x35: {  	_ = 	snop;
	(pc) =	sbr.rel @!p0 .LBB2_5-.Ltmp3, $1  }
0x36: {  	_ =	sdelay $0x3  }
.LBB2_2:
0x37: {  	s26 =	smul.u32 $0xAB, s25;
	_ =	sdelay $0x1  }
0x38: {  	s26 =	sshrl.u32 s26, $0x9  }
0x39: {  	s26 =	sand.u32 $0x7F, s26  }
0x3a: {  	s26 =	smul.u32 $0x3, s26;
	_ =	sdelay $0x1  }
0x3b: {  	s26 =	ssub.s32 s25, s26  }
0x3c: {  	s31 =	sshll.u32 s25, $0x8;
	s28 =	sand.u32 $0xFF, s26  }
0x3d: {  	p0 =	sgt.u32 s25, $0x61;
	s31 =	sand.u32 $0x400, s31;
	s29 =	smul.u32 $0xD000, s28  }
.Ltmp4:
0x3e: {  	s26 =	sand.u32 $0x3, s25;
	s30 =	sadd.s32 $0x1, s28;
	(pc) =	sbr.rel @p0 .LBB2_4-.Ltmp4, $4  }
0x3f: {  	s0 =	sshll.u32 s26, $0x7;
	s28 =	sor.u32 $0x4, s28;
	_ =	swait.ge [sflag:s30], $0x3200  }
0x40: {  	s0 =	sor.u32 s0, s31;
	s29 =	sshrl.u32 s29, $0x2;
	[sflag:s30] =	ssyncset.done $0x0  }
0x41: {  	s0 =	sor.u32 $0x200, s0;
	s29 =	sadd.s32 $0x800, s29;
	[sflag:s30] =	ssyncadd.s32 $0xFFFFCE00  }
0x42: {  	[spmem:s2] =	stream.indirect.scatter.add.f32 [tilespmem:s29], [sflag:s28], $0x80, s0, s17, $0xb8;
	[tilespmem:$0x1E400] =	vst v63  }
0x43: {  	s0 =	sadd.s32 $0x2, s25  }
0x44: {  	s28 =	smul.u32 $0xAB, s0;
	_ =	sdelay $0x1  }
0x45: {  	s28 =	sshrl.u32 s28, $0x9  }
0x46: {  	s28 =	sand.u32 $0x7F, s28  }
0x47: {  	s28 =	smul.u32 $0x3, s28;
	_ =	sdelay $0x1  }
0x48: {  	s28 =	ssub.s32 s0, s28  }
0x49: {  	p0 =	seq.s32 s25, $0x0;
	s28 =	sand.u32 $0xFF, s28  }
0x4a: {  	s29 =	sand.u32 $0x3, s0;
	s30 =	sadd.s32 @!p0 $0x4, s28  }
0x4b: {  	p1 =	sne.s32 @!p0 s29, $0x0;
	s0 =	sshrl.u32 s0, $0x2;
	_ =	swait.ge @!p0 [sflag:s30], $0x3200  }
0x4c: {  	p1 =	por p1, p0;
	s0 =	sand.u32 $0x1, s0;
	[sflag:s30] =	ssyncset.done @!p0 $0x0  }
0x4d: {  	[sflag:s30] =	ssyncadd.s32 @!p0 $0xFFFFCE00;
	s30 =	sadd.s32 @!p1 $0x7, s0  }
0x4e: {  	_ =	swait.ge @!p1 [sflag:s30], $0x200  }
0x4f: {  	s31 =	smul.u32 $0xD000, s28;
	[sflag:s30] =	ssyncset.done @!p1 $0x0  }
0x50: {  	s29 =	sshll.u32 s29, $0x7;
	s28 =	sadd.s32 $0x1, s28;
	[sflag:s30] =	ssyncadd.s32 @!p1 $0xFFFFFE00  }
0x51: {  	s31 =	sshrl.u32 s31, $0x2;
	s0 =	sshll.u32 s0, $0xA;
	_ =	swait.ge @!p1 [sflag:s30], $0x200  }
0x52: {  	p0 =	sgt.u32 s25, $0x5F;
	s0 =	sor.u32 s29, s0;
	[sflag:s30] =	ssyncset.done @!p1 $0x0  }
0x53: {  	[sflag:s30] =	ssyncadd.s32 @!p1 $0xFFFFFE00;
	s30 =	sadd.s32 $0x800, s31;
	p1 =	sne.s32 @!p0 s26, $0x0  }
0x54: {  	[tilespmem:s30], [sflag:s28] =	stream.indirect.gather [hbm4b:s4+s17], $0x80, s0, s17, $0xb8;
	[tilespmem:$0x1E400] =	vst v63  }
0x55: {  	s0 =	sshrl.u32 s25, $0x2;
	p0 =	por p1, p0  }
0x56: {  	s0 =	sadd.s32 @!p0 $0x1, s0  }
0x57: {  	s26 =	sshll.u32 @!p0 s0, $0x2  }
0x58: {  	s0 =	sand.u32 @!p0 $0x1, s0;
	s26 =	sadd.s32 @!p0 s7, s26  }
0x59: {  	s30 =	simm.s32 @!p0 $0x0;
	s29 =	sadd.s32 @!p0 $0x7, s0;
	s28 =	sshll.u32 @!p0 s26, $0x7  }
0x5a: {  	s0 =	sshll.u32 @!p0 s0, $0xA;
	s26 =	sshll.u32 @!p0 s26, $0x4;
	s28 =	sand.u32 @!p0 $0x7FFFFE00, s28  }
.Ltmp5:
0x5b: {  	s26 =	sadd.s32 @!p0 s9, s26;
	s28 =	sadd.s32 @!p0 $0x32000, s28;
	(pc) =	sbr.rel .LBB2_4-.Ltmp5, $4  }
0x5c: {  	[tilespmem:s0], [sflag:s29] =	stream.linear.gather @!p0 [hbm4b:s26+s30], $0x200, $0x38;
	[tilespmem:$0x1E400] =	vst v63  }
0x5d: {  	s28 =	sshrl.u32 @!p0 s28, $0x3  }
0x5e: {  	s0 =	sor.u32 @!p0 $0x200, s0;
	s26 =	sadd.s32 @!p0 s9, s28  }
0x5f: {  	[tilespmem:s0], [sflag:s29] =	stream.linear.gather @!p0 [hbm4b:s26+s30], $0x200, $0x38;
	[tilespmem:$0x1E400] =	vst v63  }
.LBB2_6:
0x60: {  	_ =	sfence.sel $0x180000  }
0x61: {  	[bflag:$0x0] =	sbarrier.arrive $0xFFFF  }
0x62: {  	_ =	strace $0x90000047  }
0x63: {  	[bflag:$0x2] =	sbarrier.arrive $0xFFFF  }
0x64: {  	p0 =	sne.s32 s1, $0x0;
	s0 =	rddreg [dreg:$0x2]  }
0x65: {  	s0 =	sadd.s32 @!p0 $0x100000, s0  }
0x66: {  	[sflag:s0] =	ssyncadd.tile.s32 @!p0 $0x1;
	_ =	shalt  }
.Lfunc_end2:
_tile_overlayer_lowered:
.L_overlay_start_2:
0x67: {  	(tag) =	ssettag $0x2  }
0x68: {  	s0 =	rddreg [dreg:$0x0];
	s2 =	stileid.u32  }
0x69: {  	s1 =	rddreg [dreg:$0x1];
	p0 =	sne.s32 s2, $0x0  }
0x6a: {  	s3 =	rddreg [dreg:$0x2];
	[bflag:$0x3] =	sbarrier.arrive $0xFFFF;
	s2 =	simm.s32 @!p0 $0x1C09  }
0x6b: {  	[timem:s3], [sflag:s2] =	dma.local @!p0 [hbm:s0], s1  }
0x6c: {  	s0 =	simm.s32 @!p0 $0x9  }
0x6d: {  	_ =	swait.ge @!p0 [sflag:s0], s1  }
0x6e: {  	s1 =	ssub.s32 @!p0 $0x0, s1;
	[sflag:s0] =	ssyncset.done @!p0 $0x0  }
0x6f: {  	[sflag:s0] =	ssyncadd.s32 @!p0 s1  }
0x70: {  	[bflag:$0x3] =	sbarrier.arrive $0xFFFF  }
0x71: {  	_ =	shalt  }

</sc_bundles>
